<compile_context>
chip_gen: v7x
topology: tpu7x:2x2x1
jax: 0.10.2.dev20260603
libtpu: 0.0.44.dev20260713+nightly
codegen_flags: <defaults>
</compile_context>

<pallas_src>
import jax
import jax.numpy as jnp
from jax import lax
from jax.experimental import pallas as pl
from jax.experimental.pallas import tpu as pltpu
from jax.experimental.pallas import tpu_sc as plsc

NUM_ROWS = 16 * 1024 * 1024
DIM = 4
BATCH = 16384
FEATS = 26
B_TOTAL = BATCH * FEATS
NW = 32
B_PER_W = B_TOTAL // NW
CHUNK = 128
NCHUNK = B_PER_W // CHUNK
LANES = 16
GRP = CHUNK // LANES
OUT_W = B_PER_W * DIM


def _sc_body(x_hbm, t_hbm, w_hbm, b_hbm, out_hbm,
             idx_v, gidx_a, gidx_b, col_a, col_b, out_v, w_v, b_v,
             sem_a, sem_b, sem_o):
    c_ax = lax.axis_index("c")
    s_ax = lax.axis_index("s")
    wid = s_ax * 2 + c_ax

    pltpu.sync_copy(x_hbm.at[pl.ds(wid * NCHUNK, NCHUNK)],
                    idx_v.at[pl.ds(0, NCHUNK)])
    pltpu.sync_copy(x_hbm.at[pl.ds(wid * NCHUNK, 1)],
                    idx_v.at[pl.ds(NCHUNK, 1)])
    pltpu.sync_copy(w_hbm, w_v)
    pltpu.sync_copy(b_hbm, b_v)

    w_reg = [[w_v[pl.ds((o * DIM + c) * LANES, LANES)] for c in range(DIM)]
             for o in range(DIM)]
    b_reg = [b_v[pl.ds(o * LANES, LANES)] for o in range(DIM)]
    out_base = wid * OUT_W

    def build_and_fire(j, gidx_v, col_v, sem):
        for g in range(GRP):
            xv = idx_v[j, pl.ds(g * LANES, LANES)]
            base = ((xv >> 7) << 9) + (xv & 127)
            for c in range(DIM):
                gidx_v[c, pl.ds(g * LANES, LANES)] = base + (c * 128)
        for c in range(DIM):
            pltpu.async_copy(t_hbm.at[gidx_v.at[c]], col_v.at[c], sem)

    def wait_gathers(gidx_v, col_v, sem):
        for c in range(DIM):
            pltpu.make_async_copy(t_hbm.at[gidx_v.at[c]], col_v.at[c],
                                  sem).wait()

    def compute(j, col_v):
        for g in range(GRP):
            v = [col_v[c, pl.ds(g * LANES, LANES)] for c in range(DIM)]
            for o in range(DIM):
                acc = b_reg[o]
                for c in range(DIM):
                    acc = acc + w_reg[o][c] * v[c]
                out_v[pl.ds(j * (CHUNK * DIM) + o * CHUNK + g * LANES,
                            LANES)] = acc
        src = out_v.at[pl.ds(pl.multiple_of(j * (CHUNK * DIM), 8),
                             CHUNK * DIM)]
        dst = out_hbm.at[pl.ds(pl.multiple_of(out_base + j * (CHUNK * DIM), 8),
                               CHUNK * DIM)]
        pltpu.async_copy(src, dst, sem_o)

    build_and_fire(0, gidx_a, col_a, sem_a)

    def pair_body(k):
        j = pl.multiple_of(k * 2, 2)
        build_and_fire(j + 1, gidx_b, col_b, sem_b)
        wait_gathers(gidx_a, col_a, sem_a)
        compute(j, col_a)
        build_and_fire(j + 2, gidx_a, col_a, sem_a)
        wait_gathers(gidx_b, col_b, sem_b)
        compute(j + 1, col_b)

    pl.loop(0, NCHUNK // 2)(pair_body)

    wait_gathers(gidx_a, col_a, sem_a)
    pltpu.make_async_copy(out_v, out_hbm.at[pl.ds(out_base, OUT_W)],
                          sem_o).wait()


@jax.jit
def _run(xcols, tnat, wsplat, bsplat):
    mesh = plsc.VectorSubcoreMesh(core_axis_name="c", subcore_axis_name="s")
    f = pl.kernel(
        _sc_body,
        out_type=jax.ShapeDtypeStruct((B_TOTAL * DIM,), jnp.float32),
        mesh=mesh,
        compiler_params=pltpu.CompilerParams(needs_layout_passes=False,
                                             use_tc_tiling_on_sc=False),
        scratch_types=[
            pltpu.VMEM((NCHUNK + 1, CHUNK), jnp.int32),
            pltpu.VMEM((DIM, CHUNK), jnp.int32),
            pltpu.VMEM((DIM, CHUNK), jnp.int32),
            pltpu.VMEM((DIM, CHUNK), jnp.float32),
            pltpu.VMEM((DIM, CHUNK), jnp.float32),
            pltpu.VMEM((OUT_W,), jnp.float32),
            pltpu.VMEM((DIM * DIM * LANES,), jnp.float32),
            pltpu.VMEM((DIM * LANES,), jnp.float32),
            pltpu.SemaphoreType.DMA,
            pltpu.SemaphoreType.DMA,
            pltpu.SemaphoreType.DMA,
        ],
    )
    return f(xcols, tnat, wsplat, bsplat)


def kernel(x, table, W, b):
    xcols = x.astype(jnp.int32).T.reshape(FEATS * (BATCH // CHUNK), CHUNK)
    tnat = table.reshape(NUM_ROWS // CHUNK, CHUNK, DIM)
    tnat = tnat.transpose(0, 2, 1).reshape(NUM_ROWS * DIM)
    wsplat = jnp.repeat(W.reshape(DIM * DIM), LANES)
    bsplat = jnp.repeat(b, LANES)
    out_flat = _run(xcols, tnat, wsplat, bsplat)
    out = out_flat.reshape(FEATS, BATCH // CHUNK, DIM, CHUNK)
    return out.transpose(1, 3, 0, 2).reshape(BATCH, FEATS, DIM)

# --- scband reference (transcript-rebuilt; emitter-appended) ---
"""Pipeline reference for scband-toy-model-64158221467940 (READ-ONLY COPY).

The authoritative reference and input builder live on the scoring server;
editing this copy changes nothing except your own understanding.
"""

import jax, jax.numpy as jnp
import numpy as np

NUM_EMBEDDINGS = 16 * 1024 * 1024
EMBEDDING_DIM = 4

def setup_inputs(seed: int = 0) -> dict:
    key = jax.random.key(seed)
    k_idx, k_tab, k_w, k_b = jax.random.split(key, 4)
    x = jax.random.randint(k_idx, (16384, 26), 0, NUM_EMBEDDINGS, dtype=jnp.int64) if jax.config.jax_enable_x64 else jax.random.randint(k_idx, (16384, 26), 0, NUM_EMBEDDINGS, dtype=jnp.int32)
    table = jax.random.normal(k_tab, (NUM_EMBEDDINGS, EMBEDDING_DIM), dtype=jnp.float32)
    # nn.Linear default init: U(-1/sqrt(fan_in), 1/sqrt(fan_in))
    bound = 1.0 / np.sqrt(EMBEDDING_DIM)
    W = jax.random.uniform(k_w, (EMBEDDING_DIM, EMBEDDING_DIM), dtype=jnp.float32, minval=-bound, maxval=bound)
    b = jax.random.uniform(k_b, (EMBEDDING_DIM,), dtype=jnp.float32, minval=-bound, maxval=bound)
    return {"x": x, "table": table, "W": W, "b": b}

def reference(x, table, W, b):
    # ToyModelSparse (EmbeddingType.TORCH): plain embedding lookup
    sparse_output = jnp.take(table, x, axis=0)  # [B, F, D]
    # ToyModelDense: Linear(embedding_dim, embedding_dim); torch Linear is x @ W^T + b
    dense_output = jnp.einsum('bfd,od->bfo', sparse_output, W) + b
    return dense_output

if __name__ == "__main__":
    import jax
    _d = setup_inputs()
    print(jax.jit(kernel)(*tuple(_d.values())))

</pallas_src>

<mosaic_0001>
#map = affine_map<(d0, d1) -> (0, 0)>
#map1 = affine_map<(d0, d1) -> (0)>
module attributes {stable_mosaic.version = 14 : i64} {
  func.func @_sc_body(%arg0: i32, %arg1: i32, %arg2: memref<3328x128xi32, #tpu.memory_space<hbm>>, %arg3: memref<67108864xf32, #tpu.memory_space<hbm>>, %arg4: memref<256xf32, #tpu.memory_space<hbm>>, %arg5: memref<64xf32, #tpu.memory_space<hbm>>, %arg6: memref<1703936xf32, #tpu.memory_space<hbm>>, %arg7: memref<105x128xi32, #tpu.memory_space<vmem>>, %arg8: memref<4x128xi32, #tpu.memory_space<vmem>>, %arg9: memref<4x128xi32, #tpu.memory_space<vmem>>, %arg10: memref<4x128xf32, #tpu.memory_space<vmem>>, %arg11: memref<4x128xf32, #tpu.memory_space<vmem>>, %arg12: memref<53248xf32, #tpu.memory_space<vmem>>, %arg13: memref<256xf32, #tpu.memory_space<vmem>>, %arg14: memref<64xf32, #tpu.memory_space<vmem>>, %arg15: memref<!tpu.dma_semaphore, #tpu.memory_space<semaphore_mem>>, %arg16: memref<!tpu.dma_semaphore, #tpu.memory_space<semaphore_mem>>, %arg17: memref<!tpu.dma_semaphore, #tpu.memory_space<semaphore_mem>>) attributes {dimension_semantics = [#tpu.dimension_semantics<core_parallel>, #tpu.dimension_semantics<subcore_parallel>], iteration_bounds = array<i64: 2, 16>, scalar_prefetch = 0 : i64, scratch_operands = 11 : i64, tpu.core_type = #tpu.core_type<sc_vector_subcore>, window_params = [{transform_indices = #map}, {transform_indices = #map1}, {transform_indices = #map1}, {transform_indices = #map1}, {transform_indices = #map1}]} {
    %mul3A = arith.constant 2 : i32
    %mul3A_0 = arith.muli %arg1, %mul3A : i32
    %add3A = arith.addi %mul3A_0, %arg0 : i32
    %mul3A_1 = arith.constant 104 : i32
    %mul3A_2 = arith.muli %add3A, %mul3A_1 : i32
    "tpu.region"() ({
      %run_scoped3A = tpu.sem_alloc : memref<!tpu.dma_semaphore, #tpu.memory_space<semaphore_mem>>
      %dma_start3A_462 = arith.constant 0 : i32
      %dma_start3A_463 = arith.constant 0 : i32
      %dma_start3A_464 = tpu.memref_slice %arg7[%dma_start3A_462, %dma_start3A_463] : memref<105x128xi32, #tpu.memory_space<vmem>> -> memref<104x128xi32, #tpu.memory_space<vmem>>
      %dma_start3A_465 = arith.constant 0 : i32
      %dma_start3A_466 = tpu.memref_slice %arg2[%mul3A_2, %dma_start3A_465] : memref<3328x128xi32, #tpu.memory_space<hbm>> -> memref<104x128xi32, #tpu.memory_space<hbm>>
      %dma_start3A_467 = arith.constant 0 : i32
      %dma_start3A_468 = arith.constant 0 : i32
      %dma_start3A_469 = tpu.memref_slice %arg7[%dma_start3A_467, %dma_start3A_468] : memref<105x128xi32, #tpu.memory_space<vmem>> -> memref<104x128xi32, #tpu.memory_space<vmem>>
      %dma_start3A_470 = arith.constant 0 : i32
      %dma_start3A_471 = tpu.memref_slice %arg2[%mul3A_2, %dma_start3A_470] : memref<3328x128xi32, #tpu.memory_space<hbm>> -> memref<104x128xi32, #tpu.memory_space<hbm>>
      tpu.enqueue_dma source(%dma_start3A_471 : memref<104x128xi32, #tpu.memory_space<hbm>>) target(%dma_start3A_469 : memref<104x128xi32, #tpu.memory_space<vmem>>) target_semaphore(%run_scoped3A : memref<!tpu.dma_semaphore, #tpu.memory_space<semaphore_mem>>)
      %dma_wait3A_472 = arith.constant 0 : i32
      %dma_wait3A_473 = arith.constant 0 : i32
      %dma_wait3A_474 = tpu.memref_slice %arg7[%dma_wait3A_472, %dma_wait3A_473] : memref<105x128xi32, #tpu.memory_space<vmem>> -> memref<104x128xi32, #tpu.memory_space<vmem>>
      %dma_wait3A_475 = arith.constant 0 : i32
      %dma_wait3A_476 = tpu.memref_slice %arg2[%mul3A_2, %dma_wait3A_475] : memref<3328x128xi32, #tpu.memory_space<hbm>> -> memref<104x128xi32, #tpu.memory_space<hbm>>
      %dma_wait3A_477 = arith.constant 0 : i32
      %dma_wait3A_478 = arith.constant 0 : i32
      %dma_wait3A_479 = tpu.memref_slice %arg7[%dma_wait3A_477, %dma_wait3A_478] : memref<105x128xi32, #tpu.memory_space<vmem>> -> memref<104x128xi32, #tpu.memory_space<vmem>>
      %dma_wait3A_480 = arith.constant 0 : i32
      %dma_wait3A_481 = tpu.memref_slice %arg2[%mul3A_2, %dma_wait3A_480] : memref<3328x128xi32, #tpu.memory_space<hbm>> -> memref<104x128xi32, #tpu.memory_space<hbm>>
      tpu.wait_dma2 semaphore(%run_scoped3A : memref<!tpu.dma_semaphore, #tpu.memory_space<semaphore_mem>>) src(%dma_wait3A_481 : memref<104x128xi32, #tpu.memory_space<hbm>>) dst(%dma_wait3A_479 : memref<104x128xi32, #tpu.memory_space<vmem>>)
      tpu.yield
    }) : () -> ()
    %mul3A_3 = arith.constant 104 : i32
    %mul3A_4 = arith.muli %add3A, %mul3A_3 : i32
    "tpu.region"() ({
      %run_scoped3A = tpu.sem_alloc : memref<!tpu.dma_semaphore, #tpu.memory_space<semaphore_mem>>
      %dma_start3A_462 = arith.constant 104 : i32
      %dma_start3A_463 = arith.constant 0 : i32
      %dma_start3A_464 = tpu.memref_slice %arg7[%dma_start3A_462, %dma_start3A_463] : memref<105x128xi32, #tpu.memory_space<vmem>> -> memref<1x128xi32, #tpu.memory_space<vmem>>
      %dma_start3A_465 = arith.constant 0 : i32
      %dma_start3A_466 = tpu.memref_slice %arg2[%mul3A_4, %dma_start3A_465] : memref<3328x128xi32, #tpu.memory_space<hbm>> -> memref<1x128xi32, #tpu.memory_space<hbm>>
      %dma_start3A_467 = arith.constant 104 : i32
      %dma_start3A_468 = arith.constant 0 : i32
      %dma_start3A_469 = tpu.memref_slice %arg7[%dma_start3A_467, %dma_start3A_468] : memref<105x128xi32, #tpu.memory_space<vmem>> -> memref<1x128xi32, #tpu.memory_space<vmem>>
      %dma_start3A_470 = arith.constant 0 : i32
      %dma_start3A_471 = tpu.memref_slice %arg2[%mul3A_4, %dma_start3A_470] : memref<3328x128xi32, #tpu.memory_space<hbm>> -> memref<1x128xi32, #tpu.memory_space<hbm>>
      tpu.enqueue_dma source(%dma_start3A_471 : memref<1x128xi32, #tpu.memory_space<hbm>>) target(%dma_start3A_469 : memref<1x128xi32, #tpu.memory_space<vmem>>) target_semaphore(%run_scoped3A : memref<!tpu.dma_semaphore, #tpu.memory_space<semaphore_mem>>)
      %dma_wait3A_472 = arith.constant 104 : i32
      %dma_wait3A_473 = arith.constant 0 : i32
      %dma_wait3A_474 = tpu.memref_slice %arg7[%dma_wait3A_472, %dma_wait3A_473] : memref<105x128xi32, #tpu.memory_space<vmem>> -> memref<1x128xi32, #tpu.memory_space<vmem>>
      %dma_wait3A_475 = arith.constant 0 : i32
      %dma_wait3A_476 = tpu.memref_slice %arg2[%mul3A_4, %dma_wait3A_475] : memref<3328x128xi32, #tpu.memory_space<hbm>> -> memref<1x128xi32, #tpu.memory_space<hbm>>
      %dma_wait3A_477 = arith.constant 104 : i32
      %dma_wait3A_478 = arith.constant 0 : i32
      %dma_wait3A_479 = tpu.memref_slice %arg7[%dma_wait3A_477, %dma_wait3A_478] : memref<105x128xi32, #tpu.memory_space<vmem>> -> memref<1x128xi32, #tpu.memory_space<vmem>>
      %dma_wait3A_480 = arith.constant 0 : i32
      %dma_wait3A_481 = tpu.memref_slice %arg2[%mul3A_4, %dma_wait3A_480] : memref<3328x128xi32, #tpu.memory_space<hbm>> -> memref<1x128xi32, #tpu.memory_space<hbm>>
      tpu.wait_dma2 semaphore(%run_scoped3A : memref<!tpu.dma_semaphore, #tpu.memory_space<semaphore_mem>>) src(%dma_wait3A_481 : memref<1x128xi32, #tpu.memory_space<hbm>>) dst(%dma_wait3A_479 : memref<1x128xi32, #tpu.memory_space<vmem>>)
      tpu.yield
    }) : () -> ()
    "tpu.region"() ({
      %run_scoped3A = tpu.sem_alloc : memref<!tpu.dma_semaphore, #tpu.memory_space<semaphore_mem>>
      tpu.enqueue_dma source(%arg4 : memref<256xf32, #tpu.memory_space<hbm>>) target(%arg13 : memref<256xf32, #tpu.memory_space<vmem>>) target_semaphore(%run_scoped3A : memref<!tpu.dma_semaphore, #tpu.memory_space<semaphore_mem>>)
      tpu.wait_dma2 semaphore(%run_scoped3A : memref<!tpu.dma_semaphore, #tpu.memory_space<semaphore_mem>>) src(%arg4 : memref<256xf32, #tpu.memory_space<hbm>>) dst(%arg13 : memref<256xf32, #tpu.memory_space<vmem>>)
      tpu.yield
    }) : () -> ()
    "tpu.region"() ({
      %run_scoped3A = tpu.sem_alloc : memref<!tpu.dma_semaphore, #tpu.memory_space<semaphore_mem>>
      tpu.enqueue_dma source(%arg5 : memref<64xf32, #tpu.memory_space<hbm>>) target(%arg14 : memref<64xf32, #tpu.memory_space<vmem>>) target_semaphore(%run_scoped3A : memref<!tpu.dma_semaphore, #tpu.memory_space<semaphore_mem>>)
      tpu.wait_dma2 semaphore(%run_scoped3A : memref<!tpu.dma_semaphore, #tpu.memory_space<semaphore_mem>>) src(%arg5 : memref<64xf32, #tpu.memory_space<hbm>>) dst(%arg14 : memref<64xf32, #tpu.memory_space<vmem>>)
      tpu.yield
    }) : () -> ()
    %get3A = arith.constant 0 : index
    %get3A_5 = tpu.vector_load %arg13[%get3A] {strides = array<i32>} : memref<256xf32, #tpu.memory_space<vmem>>, vector<16xf32>,
    %get3A_6 = arith.constant 16 : index
    %get3A_7 = tpu.vector_load %arg13[%get3A_6] {strides = array<i32>} : memref<256xf32, #tpu.memory_space<vmem>>, vector<16xf32>,
    %get3A_8 = arith.constant 32 : index
    %get3A_9 = tpu.vector_load %arg13[%get3A_8] {strides = array<i32>} : memref<256xf32, #tpu.memory_space<vmem>>, vector<16xf32>,
    %get3A_10 = arith.constant 48 : index
    %get3A_11 = tpu.vector_load %arg13[%get3A_10] {strides = array<i32>} : memref<256xf32, #tpu.memory_space<vmem>>, vector<16xf32>,
    %get3A_12 = arith.constant 64 : index
    %get3A_13 = tpu.vector_load %arg13[%get3A_12] {strides = array<i32>} : memref<256xf32, #tpu.memory_space<vmem>>, vector<16xf32>,
    %get3A_14 = arith.constant 80 : index
    %get3A_15 = tpu.vector_load %arg13[%get3A_14] {strides = array<i32>} : memref<256xf32, #tpu.memory_space<vmem>>, vector<16xf32>,
    %get3A_16 = arith.constant 96 : index
    %get3A_17 = tpu.vector_load %arg13[%get3A_16] {strides = array<i32>} : memref<256xf32, #tpu.memory_space<vmem>>, vector<16xf32>,
    %get3A_18 = arith.constant 112 : index
    %get3A_19 = tpu.vector_load %arg13[%get3A_18] {strides = array<i32>} : memref<256xf32, #tpu.memory_space<vmem>>, vector<16xf32>,
    %get3A_20 = arith.constant 128 : index
    %get3A_21 = tpu.vector_load %arg13[%get3A_20] {strides = array<i32>} : memref<256xf32, #tpu.memory_space<vmem>>, vector<16xf32>,
    %get3A_22 = arith.constant 144 : index
    %get3A_23 = tpu.vector_load %arg13[%get3A_22] {strides = array<i32>} : memref<256xf32, #tpu.memory_space<vmem>>, vector<16xf32>,
    %get3A_24 = arith.constant 160 : index
    %get3A_25 = tpu.vector_load %arg13[%get3A_24] {strides = array<i32>} : memref<256xf32, #tpu.memory_space<vmem>>, vector<16xf32>,
    %get3A_26 = arith.constant 176 : index
    %get3A_27 = tpu.vector_load %arg13[%get3A_26] {strides = array<i32>} : memref<256xf32, #tpu.memory_space<vmem>>, vector<16xf32>,
    %get3A_28 = arith.constant 192 : index
    %get3A_29 = tpu.vector_load %arg13[%get3A_28] {strides = array<i32>} : memref<256xf32, #tpu.memory_space<vmem>>, vector<16xf32>,
    %get3A_30 = arith.constant 208 : index
    %get3A_31 = tpu.vector_load %arg13[%get3A_30] {strides = array<i32>} : memref<256xf32, #tpu.memory_space<vmem>>, vector<16xf32>,
    %get3A_32 = arith.constant 224 : index
    %get3A_33 = tpu.vector_load %arg13[%get3A_32] {strides = array<i32>} : memref<256xf32, #tpu.memory_space<vmem>>, vector<16xf32>,
    %get3A_34 = arith.constant 240 : index
    %get3A_35 = tpu.vector_load %arg13[%get3A_34] {strides = array<i32>} : memref<256xf32, #tpu.memory_space<vmem>>, vector<16xf32>,
    %get3A_36 = arith.constant 0 : index
    %get3A_37 = tpu.vector_load %arg14[%get3A_36] {strides = array<i32>} : memref<64xf32, #tpu.memory_space<vmem>>, vector<16xf32>,
    %get3A_38 = arith.constant 16 : index
    %get3A_39 = tpu.vector_load %arg14[%get3A_38] {strides = array<i32>} : memref<64xf32, #tpu.memory_space<vmem>>, vector<16xf32>,
    %get3A_40 = arith.constant 32 : index
    %get3A_41 = tpu.vector_load %arg14[%get3A_40] {strides = array<i32>} : memref<64xf32, #tpu.memory_space<vmem>>, vector<16xf32>,
    %get3A_42 = arith.constant 48 : index
    %get3A_43 = tpu.vector_load %arg14[%get3A_42] {strides = array<i32>} : memref<64xf32, #tpu.memory_space<vmem>>, vector<16xf32>,
    %mul3A_44 = arith.constant 53248 : i32
    %mul3A_45 = arith.muli %add3A, %mul3A_44 : i32
    %get3A_46 = arith.constant 0 : i32
    %get3A_47 = arith.index_cast %get3A_46 : i32 to index
    %get3A_48 = arith.constant 0 : index
    %get3A_49 = tpu.vector_load %arg7[%get3A_47, %get3A_48] {strides = array<i32>} : memref<105x128xi32, #tpu.memory_space<vmem>>, vector<16xi32>,
    %shift_right_arithmetic3A = arith.constant 7 : i32
    %shift_right_arithmetic3A_50 = vector.broadcast %shift_right_arithmetic3A : i32 to vector<16xi32>
    %shift_right_arithmetic3A_51 = arith.shrsi %get3A_49, %shift_right_arithmetic3A_50 : vector<16xi32>
    %shift_left3A = arith.constant 9 : i32
    %shift_left3A_52 = vector.broadcast %shift_left3A : i32 to vector<16xi32>
    %shift_left3A_53 = arith.shli %shift_right_arithmetic3A_51, %shift_left3A_52 : vector<16xi32>
    %and3A = arith.constant 127 : i32
    %and3A_54 = vector.broadcast %and3A : i32 to vector<16xi32>
    %and3A_55 = arith.andi %get3A_49, %and3A_54 : vector<16xi32>
    %add3A_56 = arith.addi %shift_left3A_53, %and3A_55 : vector<16xi32>
    %add3A_57 = arith.constant 0 : i32
    %add3A_58 = vector.broadcast %add3A_57 : i32 to vector<16xi32>
    %add3A_59 = arith.addi %add3A_56, %add3A_58 : vector<16xi32>
    %swap3A = arith.constant 0 : i32
    %swap3A_60 = arith.index_cast %swap3A : i32 to index
    %swap3A_61 = arith.constant 0 : index
    %swap3A_62 = tpu.vector_load %arg8[%swap3A_60, %swap3A_61] {strides = array<i32>} : memref<4x128xi32, #tpu.memory_space<vmem>>, vector<16xi32>,
    tpu.vector_store %arg8[%swap3A_60, %swap3A_61], %add3A_59 {strides = array<i32>} : memref<4x128xi32, #tpu.memory_space<vmem>>, vector<16xi32>,
    %add3A_63 = arith.constant 128 : i32
    %add3A_64 = vector.broadcast %add3A_63 : i32 to vector<16xi32>
    %add3A_65 = arith.addi %add3A_56, %add3A_64 : vector<16xi32>
    %swap3A_66 = arith.constant 1 : i32
    %swap3A_67 = arith.index_cast %swap3A_66 : i32 to index
    %swap3A_68 = arith.constant 0 : index
    %swap3A_69 = tpu.vector_load %arg8[%swap3A_67, %swap3A_68] {strides = array<i32>} : memref<4x128xi32, #tpu.memory_space<vmem>>, vector<16xi32>,
    tpu.vector_store %arg8[%swap3A_67, %swap3A_68], %add3A_65 {strides = array<i32>} : memref<4x128xi32, #tpu.memory_space<vmem>>, vector<16xi32>,
    %add3A_70 = arith.constant 256 : i32
    %add3A_71 = vector.broadcast %add3A_70 : i32 to vector<16xi32>
    %add3A_72 = arith.addi %add3A_56, %add3A_71 : vector<16xi32>
    %swap3A_73 = arith.constant 2 : i32
    %swap3A_74 = arith.index_cast %swap3A_73 : i32 to index
    %swap3A_75 = arith.constant 0 : index
    %swap3A_76 = tpu.vector_load %arg8[%swap3A_74, %swap3A_75] {strides = array<i32>} : memref<4x128xi32, #tpu.memory_space<vmem>>, vector<16xi32>,
    tpu.vector_store %arg8[%swap3A_74, %swap3A_75], %add3A_72 {strides = array<i32>} : memref<4x128xi32, #tpu.memory_space<vmem>>, vector<16xi32>,
    %add3A_77 = arith.constant 384 : i32
    %add3A_78 = vector.broadcast %add3A_77 : i32 to vector<16xi32>
    %add3A_79 = arith.addi %add3A_56, %add3A_78 : vector<16xi32>
    %swap3A_80 = arith.constant 3 : i32
    %swap3A_81 = arith.index_cast %swap3A_80 : i32 to index
    %swap3A_82 = arith.constant 0 : index
    %swap3A_83 = tpu.vector_load %arg8[%swap3A_81, %swap3A_82] {strides = array<i32>} : memref<4x128xi32, #tpu.memory_space<vmem>>, vector<16xi32>,
    tpu.vector_store %arg8[%swap3A_81, %swap3A_82], %add3A_79 {strides = array<i32>} : memref<4x128xi32, #tpu.memory_space<vmem>>, vector<16xi32>,
    %get3A_84 = arith.constant 0 : i32
    %get3A_85 = arith.index_cast %get3A_84 : i32 to index
    %get3A_86 = arith.constant 16 : index
    %get3A_87 = tpu.vector_load %arg7[%get3A_85, %get3A_86] {strides = array<i32>} : memref<105x128xi32, #tpu.memory_space<vmem>>, vector<16xi32>,
    %shift_right_arithmetic3A_88 = arith.constant 7 : i32
    %shift_right_arithmetic3A_89 = vector.broadcast %shift_right_arithmetic3A_88 : i32 to vector<16xi32>
    %shift_right_arithmetic3A_90 = arith.shrsi %get3A_87, %shift_right_arithmetic3A_89 : vector<16xi32>
    %shift_left3A_91 = arith.constant 9 : i32
    %shift_left3A_92 = vector.broadcast %shift_left3A_91 : i32 to vector<16xi32>
    %shift_left3A_93 = arith.shli %shift_right_arithmetic3A_90, %shift_left3A_92 : vector<16xi32>
    %and3A_94 = arith.constant 127 : i32
    %and3A_95 = vector.broadcast %and3A_94 : i32 to vector<16xi32>
    %and3A_96 = arith.andi %get3A_87, %and3A_95 : vector<16xi32>
    %add3A_97 = arith.addi %shift_left3A_93, %and3A_96 : vector<16xi32>
    %add3A_98 = arith.constant 0 : i32
    %add3A_99 = vector.broadcast %add3A_98 : i32 to vector<16xi32>
    %add3A_100 = arith.addi %add3A_97, %add3A_99 : vector<16xi32>
    %swap3A_101 = arith.constant 0 : i32
    %swap3A_102 = arith.index_cast %swap3A_101 : i32 to index
    %swap3A_103 = arith.constant 16 : index
    %swap3A_104 = tpu.vector_load %arg8[%swap3A_102, %swap3A_103] {strides = array<i32>} : memref<4x128xi32, #tpu.memory_space<vmem>>, vector<16xi32>,
    tpu.vector_store %arg8[%swap3A_102, %swap3A_103], %add3A_100 {strides = array<i32>} : memref<4x128xi32, #tpu.memory_space<vmem>>, vector<16xi32>,
    %add3A_105 = arith.constant 128 : i32
    %add3A_106 = vector.broadcast %add3A_105 : i32 to vector<16xi32>
    %add3A_107 = arith.addi %add3A_97, %add3A_106 : vector<16xi32>
    %swap3A_108 = arith.constant 1 : i32
    %swap3A_109 = arith.index_cast %swap3A_108 : i32 to index
    %swap3A_110 = arith.constant 16 : index
    %swap3A_111 = tpu.vector_load %arg8[%swap3A_109, %swap3A_110] {strides = array<i32>} : memref<4x128xi32, #tpu.memory_space<vmem>>, vector<16xi32>,
    tpu.vector_store %arg8[%swap3A_109, %swap3A_110], %add3A_107 {strides = array<i32>} : memref<4x128xi32, #tpu.memory_space<vmem>>, vector<16xi32>,
    %add3A_112 = arith.constant 256 : i32
    %add3A_113 = vector.broadcast %add3A_112 : i32 to vector<16xi32>
    %add3A_114 = arith.addi %add3A_97, %add3A_113 : vector<16xi32>
    %swap3A_115 = arith.constant 2 : i32
    %swap3A_116 = arith.index_cast %swap3A_115 : i32 to index
    %swap3A_117 = arith.constant 16 : index
    %swap3A_118 = tpu.vector_load %arg8[%swap3A_116, %swap3A_117] {strides = array<i32>} : memref<4x128xi32, #tpu.memory_space<vmem>>, vector<16xi32>,
    tpu.vector_store %arg8[%swap3A_116, %swap3A_117], %add3A_114 {strides = array<i32>} : memref<4x128xi32, #tpu.memory_space<vmem>>, vector<16xi32>,
    %add3A_119 = arith.constant 384 : i32
    %add3A_120 = vector.broadcast %add3A_119 : i32 to vector<16xi32>
    %add3A_121 = arith.addi %add3A_97, %add3A_120 : vector<16xi32>
    %swap3A_122 = arith.constant 3 : i32
    %swap3A_123 = arith.index_cast %swap3A_122 : i32 to index
    %swap3A_124 = arith.constant 16 : index
    %swap3A_125 = tpu.vector_load %arg8[%swap3A_123, %swap3A_124] {strides = array<i32>} : memref<4x128xi32, #tpu.memory_space<vmem>>, vector<16xi32>,
    tpu.vector_store %arg8[%swap3A_123, %swap3A_124], %add3A_121 {strides = array<i32>} : memref<4x128xi32, #tpu.memory_space<vmem>>, vector<16xi32>,
    %get3A_126 = arith.constant 0 : i32
    %get3A_127 = arith.index_cast %get3A_126 : i32 to index
    %get3A_128 = arith.constant 32 : index
    %get3A_129 = tpu.vector_load %arg7[%get3A_127, %get3A_128] {strides = array<i32>} : memref<105x128xi32, #tpu.memory_space<vmem>>, vector<16xi32>,
    %shift_right_arithmetic3A_130 = arith.constant 7 : i32
    %shift_right_arithmetic3A_131 = vector.broadcast %shift_right_arithmetic3A_130 : i32 to vector<16xi32>
    %shift_right_arithmetic3A_132 = arith.shrsi %get3A_129, %shift_right_arithmetic3A_131 : vector<16xi32>
    %shift_left3A_133 = arith.constant 9 : i32
    %shift_left3A_134 = vector.broadcast %shift_left3A_133 : i32 to vector<16xi32>
    %shift_left3A_135 = arith.shli %shift_right_arithmetic3A_132, %shift_left3A_134 : vector<16xi32>
    %and3A_136 = arith.constant 127 : i32
    %and3A_137 = vector.broadcast %and3A_136 : i32 to vector<16xi32>
    %and3A_138 = arith.andi %get3A_129, %and3A_137 : vector<16xi32>
    %add3A_139 = arith.addi %shift_left3A_135, %and3A_138 : vector<16xi32>
    %add3A_140 = arith.constant 0 : i32
    %add3A_141 = vector.broadcast %add3A_140 : i32 to vector<16xi32>
    %add3A_142 = arith.addi %add3A_139, %add3A_141 : vector<16xi32>
    %swap3A_143 = arith.constant 0 : i32
    %swap3A_144 = arith.index_cast %swap3A_143 : i32 to index
    %swap3A_145 = arith.constant 32 : index
    %swap3A_146 = tpu.vector_load %arg8[%swap3A_144, %swap3A_145] {strides = array<i32>} : memref<4x128xi32, #tpu.memory_space<vmem>>, vector<16xi32>,
    tpu.vector_store %arg8[%swap3A_144, %swap3A_145], %add3A_142 {strides = array<i32>} : memref<4x128xi32, #tpu.memory_space<vmem>>, vector<16xi32>,
    %add3A_147 = arith.constant 128 : i32
    %add3A_148 = vector.broadcast %add3A_147 : i32 to vector<16xi32>
    %add3A_149 = arith.addi %add3A_139, %add3A_148 : vector<16xi32>
    %swap3A_150 = arith.constant 1 : i32
    %swap3A_151 = arith.index_cast %swap3A_150 : i32 to index
    %swap3A_152 = arith.constant 32 : index
    %swap3A_153 = tpu.vector_load %arg8[%swap3A_151, %swap3A_152] {strides = array<i32>} : memref<4x128xi32, #tpu.memory_space<vmem>>, vector<16xi32>,
    tpu.vector_store %arg8[%swap3A_151, %swap3A_152], %add3A_149 {strides = array<i32>} : memref<4x128xi32, #tpu.memory_space<vmem>>, vector<16xi32>,
    %add3A_154 = arith.constant 256 : i32
    %add3A_155 = vector.broadcast %add3A_154 : i32 to vector<16xi32>
    %add3A_156 = arith.addi %add3A_139, %add3A_155 : vector<16xi32>
    %swap3A_157 = arith.constant 2 : i32
    %swap3A_158 = arith.index_cast %swap3A_157 : i32 to index
    %swap3A_159 = arith.constant 32 : index
    %swap3A_160 = tpu.vector_load %arg8[%swap3A_158, %swap3A_159] {strides = array<i32>} : memref<4x128xi32, #tpu.memory_space<vmem>>, vector<16xi32>,
    tpu.vector_store %arg8[%swap3A_158, %swap3A_159], %add3A_156 {strides = array<i32>} : memref<4x128xi32, #tpu.memory_space<vmem>>, vector<16xi32>,
    %add3A_161 = arith.constant 384 : i32
    %add3A_162 = vector.broadcast %add3A_161 : i32 to vector<16xi32>
    %add3A_163 = arith.addi %add3A_139, %add3A_162 : vector<16xi32>
    %swap3A_164 = arith.constant 3 : i32
    %swap3A_165 = arith.index_cast %swap3A_164 : i32 to index
    %swap3A_166 = arith.constant 32 : index
    %swap3A_167 = tpu.vector_load %arg8[%swap3A_165, %swap3A_166] {strides = array<i32>} : memref<4x128xi32, #tpu.memory_space<vmem>>, vector<16xi32>,
    tpu.vector_store %arg8[%swap3A_165, %swap3A_166], %add3A_163 {strides = array<i32>} : memref<4x128xi32, #tpu.memory_space<vmem>>, vector<16xi32>,
    %get3A_168 = arith.constant 0 : i32
    %get3A_169 = arith.index_cast %get3A_168 : i32 to index
    %get3A_170 = arith.constant 48 : index
    %get3A_171 = tpu.vector_load %arg7[%get3A_169, %get3A_170] {strides = array<i32>} : memref<105x128xi32, #tpu.memory_space<vmem>>, vector<16xi32>,
    %shift_right_arithmetic3A_172 = arith.constant 7 : i32
    %shift_right_arithmetic3A_173 = vector.broadcast %shift_right_arithmetic3A_172 : i32 to vector<16xi32>
    %shift_right_arithmetic3A_174 = arith.shrsi %get3A_171, %shift_right_arithmetic3A_173 : vector<16xi32>
    %shift_left3A_175 = arith.constant 9 : i32
    %shift_left3A_176 = vector.broadcast %shift_left3A_175 : i32 to vector<16xi32>
    %shift_left3A_177 = arith.shli %shift_right_arithmetic3A_174, %shift_left3A_176 : vector<16xi32>
    %and3A_178 = arith.constant 127 : i32
    %and3A_179 = vector.broadcast %and3A_178 : i32 to vector<16xi32>
    %and3A_180 = arith.andi %get3A_171, %and3A_179 : vector<16xi32>
    %add3A_181 = arith.addi %shift_left3A_177, %and3A_180 : vector<16xi32>
    %add3A_182 = arith.constant 0 : i32
    %add3A_183 = vector.broadcast %add3A_182 : i32 to vector<16xi32>
    %add3A_184 = arith.addi %add3A_181, %add3A_183 : vector<16xi32>
    %swap3A_185 = arith.constant 0 : i32
    %swap3A_186 = arith.index_cast %swap3A_185 : i32 to index
    %swap3A_187 = arith.constant 48 : index
    %swap3A_188 = tpu.vector_load %arg8[%swap3A_186, %swap3A_187] {strides = array<i32>} : memref<4x128xi32, #tpu.memory_space<vmem>>, vector<16xi32>,
    tpu.vector_store %arg8[%swap3A_186, %swap3A_187], %add3A_184 {strides = array<i32>} : memref<4x128xi32, #tpu.memory_space<vmem>>, vector<16xi32>,
    %add3A_189 = arith.constant 128 : i32
    %add3A_190 = vector.broadcast %add3A_189 : i32 to vector<16xi32>
    %add3A_191 = arith.addi %add3A_181, %add3A_190 : vector<16xi32>
    %swap3A_192 = arith.constant 1 : i32
    %swap3A_193 = arith.index_cast %swap3A_192 : i32 to index
    %swap3A_194 = arith.constant 48 : index
    %swap3A_195 = tpu.vector_load %arg8[%swap3A_193, %swap3A_194] {strides = array<i32>} : memref<4x128xi32, #tpu.memory_space<vmem>>, vector<16xi32>,
    tpu.vector_store %arg8[%swap3A_193, %swap3A_194], %add3A_191 {strides = array<i32>} : memref<4x128xi32, #tpu.memory_space<vmem>>, vector<16xi32>,
    %add3A_196 = arith.constant 256 : i32
    %add3A_197 = vector.broadcast %add3A_196 : i32 to vector<16xi32>
    %add3A_198 = arith.addi %add3A_181, %add3A_197 : vector<16xi32>
    %swap3A_199 = arith.constant 2 : i32
    %swap3A_200 = arith.index_cast %swap3A_199 : i32 to index
    %swap3A_201 = arith.constant 48 : index
    %swap3A_202 = tpu.vector_load %arg8[%swap3A_200, %swap3A_201] {strides = array<i32>} : memref<4x128xi32, #tpu.memory_space<vmem>>, vector<16xi32>,
    tpu.vector_store %arg8[%swap3A_200, %swap3A_201], %add3A_198 {strides = array<i32>} : memref<4x128xi32, #tpu.memory_space<vmem>>, vector<16xi32>,
    %add3A_203 = arith.constant 384 : i32
    %add3A_204 = vector.broadcast %add3A_203 : i32 to vector<16xi32>
    %add3A_205 = arith.addi %add3A_181, %add3A_204 : vector<16xi32>
    %swap3A_206 = arith.constant 3 : i32
    %swap3A_207 = arith.index_cast %swap3A_206 : i32 to index
    %swap3A_208 = arith.constant 48 : index
    %swap3A_209 = tpu.vector_load %arg8[%swap3A_207, %swap3A_208] {strides = array<i32>} : memref<4x128xi32, #tpu.memory_space<vmem>>, vector<16xi32>,
    tpu.vector_store %arg8[%swap3A_207, %swap3A_208], %add3A_205 {strides = array<i32>} : memref<4x128xi32, #tpu.memory_space<vmem>>, vector<16xi32>,
    %get3A_210 = arith.constant 0 : i32
    %get3A_211 = arith.index_cast %get3A_210 : i32 to index
    %get3A_212 = arith.constant 64 : index
    %get3A_213 = tpu.vector_load %arg7[%get3A_211, %get3A_212] {strides = array<i32>} : memref<105x128xi32, #tpu.memory_space<vmem>>, vector<16xi32>,
    %shift_right_arithmetic3A_214 = arith.constant 7 : i32
    %shift_right_arithmetic3A_215 = vector.broadcast %shift_right_arithmetic3A_214 : i32 to vector<16xi32>
    %shift_right_arithmetic3A_216 = arith.shrsi %get3A_213, %shift_right_arithmetic3A_215 : vector<16xi32>
    %shift_left3A_217 = arith.constant 9 : i32
    %shift_left3A_218 = vector.broadcast %shift_left3A_217 : i32 to vector<16xi32>
    %shift_left3A_219 = arith.shli %shift_right_arithmetic3A_216, %shift_left3A_218 : vector<16xi32>
    %and3A_220 = arith.constant 127 : i32
    %and3A_221 = vector.broadcast %and3A_220 : i32 to vector<16xi32>
    %and3A_222 = arith.andi %get3A_213, %and3A_221 : vector<16xi32>
    %add3A_223 = arith.addi %shift_left3A_219, %and3A_222 : vector<16xi32>
    %add3A_224 = arith.constant 0 : i32
    %add3A_225 = vector.broadcast %add3A_224 : i32 to vector<16xi32>
    %add3A_226 = arith.addi %add3A_223, %add3A_225 : vector<16xi32>
    %swap3A_227 = arith.constant 0 : i32
    %swap3A_228 = arith.index_cast %swap3A_227 : i32 to index
    %swap3A_229 = arith.constant 64 : index
    %swap3A_230 = tpu.vector_load %arg8[%swap3A_228, %swap3A_229] {strides = array<i32>} : memref<4x128xi32, #tpu.memory_space<vmem>>, vector<16xi32>,
    tpu.vector_store %arg8[%swap3A_228, %swap3A_229], %add3A_226 {strides = array<i32>} : memref<4x128xi32, #tpu.memory_space<vmem>>, vector<16xi32>,
    %add3A_231 = arith.constant 128 : i32
    %add3A_232 = vector.broadcast %add3A_231 : i32 to vector<16xi32>
    %add3A_233 = arith.addi %add3A_223, %add3A_232 : vector<16xi32>
    %swap3A_234 = arith.constant 1 : i32
    %swap3A_235 = arith.index_cast %swap3A_234 : i32 to index
    %swap3A_236 = arith.constant 64 : index
    %swap3A_237 = tpu.vector_load %arg8[%swap3A_235, %swap3A_236] {strides = array<i32>} : memref<4x128xi32, #tpu.memory_space<vmem>>, vector<16xi32>,
    tpu.vector_store %arg8[%swap3A_235, %swap3A_236], %add3A_233 {strides = array<i32>} : memref<4x128xi32, #tpu.memory_space<vmem>>, vector<16xi32>,
    %add3A_238 = arith.constant 256 : i32
    %add3A_239 = vector.broadcast %add3A_238 : i32 to vector<16xi32>
    %add3A_240 = arith.addi %add3A_223, %add3A_239 : vector<16xi32>
    %swap3A_241 = arith.constant 2 : i32
    %swap3A_242 = arith.index_cast %swap3A_241 : i32 to index
    %swap3A_243 = arith.constant 64 : index
    %swap3A_244 = tpu.vector_load %arg8[%swap3A_242, %swap3A_243] {strides = array<i32>} : memref<4x128xi32, #tpu.memory_space<vmem>>, vector<16xi32>,
    tpu.vector_store %arg8[%swap3A_242, %swap3A_243], %add3A_240 {strides = array<i32>} : memref<4x128xi32, #tpu.memory_space<vmem>>, vector<16xi32>,
    %add3A_245 = arith.constant 384 : i32
    %add3A_246 = vector.broadcast %add3A_245 : i32 to vector<16xi32>
    %add3A_247 = arith.addi %add3A_223, %add3A_246 : vector<16xi32>
    %swap3A_248 = arith.constant 3 : i32
    %swap3A_249 = arith.index_cast %swap3A_248 : i32 to index
    %swap3A_250 = arith.constant 64 : index
    %swap3A_251 = tpu.vector_load %arg8[%swap3A_249, %swap3A_250] {strides = array<i32>} : memref<4x128xi32, #tpu.memory_space<vmem>>, vector<16xi32>,
    tpu.vector_store %arg8[%swap3A_249, %swap3A_250], %add3A_247 {strides = array<i32>} : memref<4x128xi32, #tpu.memory_space<vmem>>, vector<16xi32>,
    %get3A_252 = arith.constant 0 : i32
    %get3A_253 = arith.index_cast %get3A_252 : i32 to index
    %get3A_254 = arith.constant 80 : index
    %get3A_255 = tpu.vector_load %arg7[%get3A_253, %get3A_254] {strides = array<i32>} : memref<105x128xi32, #tpu.memory_space<vmem>>, vector<16xi32>,
    %shift_right_arithmetic3A_256 = arith.constant 7 : i32
    %shift_right_arithmetic3A_257 = vector.broadcast %shift_right_arithmetic3A_256 : i32 to vector<16xi32>
    %shift_right_arithmetic3A_258 = arith.shrsi %get3A_255, %shift_right_arithmetic3A_257 : vector<16xi32>
    %shift_left3A_259 = arith.constant 9 : i32
    %shift_left3A_260 = vector.broadcast %shift_left3A_259 : i32 to vector<16xi32>
    %shift_left3A_261 = arith.shli %shift_right_arithmetic3A_258, %shift_left3A_260 : vector<16xi32>
    %and3A_262 = arith.constant 127 : i32
    %and3A_263 = vector.broadcast %and3A_262 : i32 to vector<16xi32>
    %and3A_264 = arith.andi %get3A_255, %and3A_263 : vector<16xi32>
    %add3A_265 = arith.addi %shift_left3A_261, %and3A_264 : vector<16xi32>
    %add3A_266 = arith.constant 0 : i32
    %add3A_267 = vector.broadcast %add3A_266 : i32 to vector<16xi32>
    %add3A_268 = arith.addi %add3A_265, %add3A_267 : vector<16xi32>
    %swap3A_269 = arith.constant 0 : i32
    %swap3A_270 = arith.index_cast %swap3A_269 : i32 to index
    %swap3A_271 = arith.constant 80 : index
    %swap3A_272 = tpu.vector_load %arg8[%swap3A_270, %swap3A_271] {strides = array<i32>} : memref<4x128xi32, #tpu.memory_space<vmem>>, vector<16xi32>,
    tpu.vector_store %arg8[%swap3A_270, %swap3A_271], %add3A_268 {strides = array<i32>} : memref<4x128xi32, #tpu.memory_space<vmem>>, vector<16xi32>,
    %add3A_273 = arith.constant 128 : i32
    %add3A_274 = vector.broadcast %add3A_273 : i32 to vector<16xi32>
    %add3A_275 = arith.addi %add3A_265, %add3A_274 : vector<16xi32>
    %swap3A_276 = arith.constant 1 : i32
    %swap3A_277 = arith.index_cast %swap3A_276 : i32 to index
    %swap3A_278 = arith.constant 80 : index
    %swap3A_279 = tpu.vector_load %arg8[%swap3A_277, %swap3A_278] {strides = array<i32>} : memref<4x128xi32, #tpu.memory_space<vmem>>, vector<16xi32>,
    tpu.vector_store %arg8[%swap3A_277, %swap3A_278], %add3A_275 {strides = array<i32>} : memref<4x128xi32, #tpu.memory_space<vmem>>, vector<16xi32>,
    %add3A_280 = arith.constant 256 : i32
    %add3A_281 = vector.broadcast %add3A_280 : i32 to vector<16xi32>
    %add3A_282 = arith.addi %add3A_265, %add3A_281 : vector<16xi32>
    %swap3A_283 = arith.constant 2 : i32
    %swap3A_284 = arith.index_cast %swap3A_283 : i32 to index
    %swap3A_285 = arith.constant 80 : index
    %swap3A_286 = tpu.vector_load %arg8[%swap3A_284, %swap3A_285] {strides = array<i32>} : memref<4x128xi32, #tpu.memory_space<vmem>>, vector<16xi32>,
    tpu.vector_store %arg8[%swap3A_284, %swap3A_285], %add3A_282 {strides = array<i32>} : memref<4x128xi32, #tpu.memory_space<vmem>>, vector<16xi32>,
    %add3A_287 = arith.constant 384 : i32
    %add3A_288 = vector.broadcast %add3A_287 : i32 to vector<16xi32>
    %add3A_289 = arith.addi %add3A_265, %add3A_288 : vector<16xi32>
    %swap3A_290 = arith.constant 3 : i32
    %swap3A_291 = arith.index_cast %swap3A_290 : i32 to index
    %swap3A_292 = arith.constant 80 : index
    %swap3A_293 = tpu.vector_load %arg8[%swap3A_291, %swap3A_292] {strides = array<i32>} : memref<4x128xi32, #tpu.memory_space<vmem>>, vector<16xi32>,
    tpu.vector_store %arg8[%swap3A_291, %swap3A_292], %add3A_289 {strides = array<i32>} : memref<4x128xi32, #tpu.memory_space<vmem>>, vector<16xi32>,
    %get3A_294 = arith.constant 0 : i32
    %get3A_295 = arith.index_cast %get3A_294 : i32 to index
    %get3A_296 = arith.constant 96 : index
    %get3A_297 = tpu.vector_load %arg7[%get3A_295, %get3A_296] {strides = array<i32>} : memref<105x128xi32, #tpu.memory_space<vmem>>, vector<16xi32>,
    %shift_right_arithmetic3A_298 = arith.constant 7 : i32
    %shift_right_arithmetic3A_299 = vector.broadcast %shift_right_arithmetic3A_298 : i32 to vector<16xi32>
    %shift_right_arithmetic3A_300 = arith.shrsi %get3A_297, %shift_right_arithmetic3A_299 : vector<16xi32>
    %shift_left3A_301 = arith.constant 9 : i32
    %shift_left3A_302 = vector.broadcast %shift_left3A_301 : i32 to vector<16xi32>
    %shift_left3A_303 = arith.shli %shift_right_arithmetic3A_300, %shift_left3A_302 : vector<16xi32>
    %and3A_304 = arith.constant 127 : i32
    %and3A_305 = vector.broadcast %and3A_304 : i32 to vector<16xi32>
    %and3A_306 = arith.andi %get3A_297, %and3A_305 : vector<16xi32>
    %add3A_307 = arith.addi %shift_left3A_303, %and3A_306 : vector<16xi32>
    %add3A_308 = arith.constant 0 : i32
    %add3A_309 = vector.broadcast %add3A_308 : i32 to vector<16xi32>
    %add3A_310 = arith.addi %add3A_307, %add3A_309 : vector<16xi32>
    %swap3A_311 = arith.constant 0 : i32
    %swap3A_312 = arith.index_cast %swap3A_311 : i32 to index
    %swap3A_313 = arith.constant 96 : index
    %swap3A_314 = tpu.vector_load %arg8[%swap3A_312, %swap3A_313] {strides = array<i32>} : memref<4x128xi32, #tpu.memory_space<vmem>>, vector<16xi32>,
    tpu.vector_store %arg8[%swap3A_312, %swap3A_313], %add3A_310 {strides = array<i32>} : memref<4x128xi32, #tpu.memory_space<vmem>>, vector<16xi32>,
    %add3A_315 = arith.constant 128 : i32
    %add3A_316 = vector.broadcast %add3A_315 : i32 to vector<16xi32>
    %add3A_317 = arith.addi %add3A_307, %add3A_316 : vector<16xi32>
    %swap3A_318 = arith.constant 1 : i32
    %swap3A_319 = arith.index_cast %swap3A_318 : i32 to index
    %swap3A_320 = arith.constant 96 : index
    %swap3A_321 = tpu.vector_load %arg8[%swap3A_319, %swap3A_320] {strides = array<i32>} : memref<4x128xi32, #tpu.memory_space<vmem>>, vector<16xi32>,
    tpu.vector_store %arg8[%swap3A_319, %swap3A_320], %add3A_317 {strides = array<i32>} : memref<4x128xi32, #tpu.memory_space<vmem>>, vector<16xi32>,
    %add3A_322 = arith.constant 256 : i32
    %add3A_323 = vector.broadcast %add3A_322 : i32 to vector<16xi32>
    %add3A_324 = arith.addi %add3A_307, %add3A_323 : vector<16xi32>
    %swap3A_325 = arith.constant 2 : i32
    %swap3A_326 = arith.index_cast %swap3A_325 : i32 to index
    %swap3A_327 = arith.constant 96 : index
    %swap3A_328 = tpu.vector_load %arg8[%swap3A_326, %swap3A_327] {strides = array<i32>} : memref<4x128xi32, #tpu.memory_space<vmem>>, vector<16xi32>,
    tpu.vector_store %arg8[%swap3A_326, %swap3A_327], %add3A_324 {strides = array<i32>} : memref<4x128xi32, #tpu.memory_space<vmem>>, vector<16xi32>,
    %add3A_329 = arith.constant 384 : i32
    %add3A_330 = vector.broadcast %add3A_329 : i32 to vector<16xi32>
    %add3A_331 = arith.addi %add3A_307, %add3A_330 : vector<16xi32>
    %swap3A_332 = arith.constant 3 : i32
    %swap3A_333 = arith.index_cast %swap3A_332 : i32 to index
    %swap3A_334 = arith.constant 96 : index
    %swap3A_335 = tpu.vector_load %arg8[%swap3A_333, %swap3A_334] {strides = array<i32>} : memref<4x128xi32, #tpu.memory_space<vmem>>, vector<16xi32>,
    tpu.vector_store %arg8[%swap3A_333, %swap3A_334], %add3A_331 {strides = array<i32>} : memref<4x128xi32, #tpu.memory_space<vmem>>, vector<16xi32>,
    %get3A_336 = arith.constant 0 : i32
    %get3A_337 = arith.index_cast %get3A_336 : i32 to index
    %get3A_338 = arith.constant 112 : index
    %get3A_339 = tpu.vector_load %arg7[%get3A_337, %get3A_338] {strides = array<i32>} : memref<105x128xi32, #tpu.memory_space<vmem>>, vector<16xi32>,
    %shift_right_arithmetic3A_340 = arith.constant 7 : i32
    %shift_right_arithmetic3A_341 = vector.broadcast %shift_right_arithmetic3A_340 : i32 to vector<16xi32>
    %shift_right_arithmetic3A_342 = arith.shrsi %get3A_339, %shift_right_arithmetic3A_341 : vector<16xi32>
    %shift_left3A_343 = arith.constant 9 : i32
    %shift_left3A_344 = vector.broadcast %shift_left3A_343 : i32 to vector<16xi32>
    %shift_left3A_345 = arith.shli %shift_right_arithmetic3A_342, %shift_left3A_344 : vector<16xi32>
    %and3A_346 = arith.constant 127 : i32
    %and3A_347 = vector.broadcast %and3A_346 : i32 to vector<16xi32>
    %and3A_348 = arith.andi %get3A_339, %and3A_347 : vector<16xi32>
    %add3A_349 = arith.addi %shift_left3A_345, %and3A_348 : vector<16xi32>
    %add3A_350 = arith.constant 0 : i32
    %add3A_351 = vector.broadcast %add3A_350 : i32 to vector<16xi32>
    %add3A_352 = arith.addi %add3A_349, %add3A_351 : vector<16xi32>
    %swap3A_353 = arith.constant 0 : i32
    %swap3A_354 = arith.index_cast %swap3A_353 : i32 to index
    %swap3A_355 = arith.constant 112 : index
    %swap3A_356 = tpu.vector_load %arg8[%swap3A_354, %swap3A_355] {strides = array<i32>} : memref<4x128xi32, #tpu.memory_space<vmem>>, vector<16xi32>,
    tpu.vector_store %arg8[%swap3A_354, %swap3A_355], %add3A_352 {strides = array<i32>} : memref<4x128xi32, #tpu.memory_space<vmem>>, vector<16xi32>,
    %add3A_357 = arith.constant 128 : i32
    %add3A_358 = vector.broadcast %add3A_357 : i32 to vector<16xi32>
    %add3A_359 = arith.addi %add3A_349, %add3A_358 : vector<16xi32>
    %swap3A_360 = arith.constant 1 : i32
    %swap3A_361 = arith.index_cast %swap3A_360 : i32 to index
    %swap3A_362 = arith.constant 112 : index
    %swap3A_363 = tpu.vector_load %arg8[%swap3A_361, %swap3A_362] {strides = array<i32>} : memref<4x128xi32, #tpu.memory_space<vmem>>, vector<16xi32>,
    tpu.vector_store %arg8[%swap3A_361, %swap3A_362], %add3A_359 {strides = array<i32>} : memref<4x128xi32, #tpu.memory_space<vmem>>, vector<16xi32>,
    %add3A_364 = arith.constant 256 : i32
    %add3A_365 = vector.broadcast %add3A_364 : i32 to vector<16xi32>
    %add3A_366 = arith.addi %add3A_349, %add3A_365 : vector<16xi32>
    %swap3A_367 = arith.constant 2 : i32
    %swap3A_368 = arith.index_cast %swap3A_367 : i32 to index
    %swap3A_369 = arith.constant 112 : index
    %swap3A_370 = tpu.vector_load %arg8[%swap3A_368, %swap3A_369] {strides = array<i32>} : memref<4x128xi32, #tpu.memory_space<vmem>>, vector<16xi32>,
    tpu.vector_store %arg8[%swap3A_368, %swap3A_369], %add3A_366 {strides = array<i32>} : memref<4x128xi32, #tpu.memory_space<vmem>>, vector<16xi32>,
    %add3A_371 = arith.constant 384 : i32
    %add3A_372 = vector.broadcast %add3A_371 : i32 to vector<16xi32>
    %add3A_373 = arith.addi %add3A_349, %add3A_372 : vector<16xi32>
    %swap3A_374 = arith.constant 3 : i32
    %swap3A_375 = arith.index_cast %swap3A_374 : i32 to index
    %swap3A_376 = arith.constant 112 : index
    %swap3A_377 = tpu.vector_load %arg8[%swap3A_375, %swap3A_376] {strides = array<i32>} : memref<4x128xi32, #tpu.memory_space<vmem>>, vector<16xi32>,
    tpu.vector_store %arg8[%swap3A_375, %swap3A_376], %add3A_373 {strides = array<i32>} : memref<4x128xi32, #tpu.memory_space<vmem>>, vector<16xi32>,
    %dma_start3A = arith.constant 0 : i32
    %dma_start3A_378 = arith.constant 0 : i32
    %dma_start3A_379 = arith.constant 0 : i32
    %dma_start3A_380 = tpu.memref_slice %arg10[%dma_start3A_378, %dma_start3A_379] : memref<4x128xf32, #tpu.memory_space<vmem>> -> memref<1x128xf32, #tpu.memory_space<vmem>>
    %dma_start3A_381 = tpu.memref_squeeze %dma_start3A_380 : memref<1x128xf32, #tpu.memory_space<vmem>> -> memref<128xf32, #tpu.memory_space<vmem>>
    %dma_start3A_382 = arith.constant 0 : i32
    %dma_start3A_383 = tpu.memref_slice %arg8[%dma_start3A, %dma_start3A_382] : memref<4x128xi32, #tpu.memory_space<vmem>> -> memref<1x128xi32, #tpu.memory_space<vmem>>
    %dma_start3A_384 = tpu.memref_squeeze %dma_start3A_383 : memref<1x128xi32, #tpu.memory_space<vmem>> -> memref<128xi32, #tpu.memory_space<vmem>>
    %dma_start3A_385 = arith.constant 0 : i32
    %dma_start3A_386 = tpu.memref_slice %arg3[%dma_start3A_385] : memref<67108864xf32, #tpu.memory_space<hbm>> -> memref<67108864xf32, #tpu.memory_space<hbm>>
    tpu.enqueue_indirect_dma source(%dma_start3A_386 : memref<67108864xf32, #tpu.memory_space<hbm>>) target(%dma_start3A_381 : memref<128xf32, #tpu.memory_space<vmem>>) offsets(%dma_start3A_384 : memref<128xi32, #tpu.memory_space<vmem>>) semaphore(%arg15 : memref<!tpu.dma_semaphore, #tpu.memory_space<semaphore_mem>>)
    %dma_start3A_387 = arith.constant 1 : i32
    %dma_start3A_388 = arith.constant 1 : i32
    %dma_start3A_389 = arith.constant 0 : i32
    %dma_start3A_390 = tpu.memref_slice %arg10[%dma_start3A_388, %dma_start3A_389] : memref<4x128xf32, #tpu.memory_space<vmem>> -> memref<1x128xf32, #tpu.memory_space<vmem>>
    %dma_start3A_391 = tpu.memref_squeeze %dma_start3A_390 : memref<1x128xf32, #tpu.memory_space<vmem>> -> memref<128xf32, #tpu.memory_space<vmem>>
    %dma_start3A_392 = arith.constant 0 : i32
    %dma_start3A_393 = tpu.memref_slice %arg8[%dma_start3A_387, %dma_start3A_392] : memref<4x128xi32, #tpu.memory_space<vmem>> -> memref<1x128xi32, #tpu.memory_space<vmem>>
    %dma_start3A_394 = tpu.memref_squeeze %dma_start3A_393 : memref<1x128xi32, #tpu.memory_space<vmem>> -> memref<128xi32, #tpu.memory_space<vmem>>
    %dma_start3A_395 = arith.constant 0 : i32
    %dma_start3A_396 = tpu.memref_slice %arg3[%dma_start3A_395] : memref<67108864xf32, #tpu.memory_space<hbm>> -> memref<67108864xf32, #tpu.memory_space<hbm>>
    tpu.enqueue_indirect_dma source(%dma_start3A_396 : memref<67108864xf32, #tpu.memory_space<hbm>>) target(%dma_start3A_391 : memref<128xf32, #tpu.memory_space<vmem>>) offsets(%dma_start3A_394 : memref<128xi32, #tpu.memory_space<vmem>>) semaphore(%arg15 : memref<!tpu.dma_semaphore, #tpu.memory_space<semaphore_mem>>)
    %dma_start3A_397 = arith.constant 2 : i32
    %dma_start3A_398 = arith.constant 2 : i32
    %dma_start3A_399 = arith.constant 0 : i32
    %dma_start3A_400 = tpu.memref_slice %arg10[%dma_start3A_398, %dma_start3A_399] : memref<4x128xf32, #tpu.memory_space<vmem>> -> memref<1x128xf32, #tpu.memory_space<vmem>>
    %dma_start3A_401 = tpu.memref_squeeze %dma_start3A_400 : memref<1x128xf32, #tpu.memory_space<vmem>> -> memref<128xf32, #tpu.memory_space<vmem>>
    %dma_start3A_402 = arith.constant 0 : i32
    %dma_start3A_403 = tpu.memref_slice %arg8[%dma_start3A_397, %dma_start3A_402] : memref<4x128xi32, #tpu.memory_space<vmem>> -> memref<1x128xi32, #tpu.memory_space<vmem>>
    %dma_start3A_404 = tpu.memref_squeeze %dma_start3A_403 : memref<1x128xi32, #tpu.memory_space<vmem>> -> memref<128xi32, #tpu.memory_space<vmem>>
    %dma_start3A_405 = arith.constant 0 : i32
    %dma_start3A_406 = tpu.memref_slice %arg3[%dma_start3A_405] : memref<67108864xf32, #tpu.memory_space<hbm>> -> memref<67108864xf32, #tpu.memory_space<hbm>>
    tpu.enqueue_indirect_dma source(%dma_start3A_406 : memref<67108864xf32, #tpu.memory_space<hbm>>) target(%dma_start3A_401 : memref<128xf32, #tpu.memory_space<vmem>>) offsets(%dma_start3A_404 : memref<128xi32, #tpu.memory_space<vmem>>) semaphore(%arg15 : memref<!tpu.dma_semaphore, #tpu.memory_space<semaphore_mem>>)
    %dma_start3A_407 = arith.constant 3 : i32
    %dma_start3A_408 = arith.constant 3 : i32
    %dma_start3A_409 = arith.constant 0 : i32
    %dma_start3A_410 = tpu.memref_slice %arg10[%dma_start3A_408, %dma_start3A_409] : memref<4x128xf32, #tpu.memory_space<vmem>> -> memref<1x128xf32, #tpu.memory_space<vmem>>
    %dma_start3A_411 = tpu.memref_squeeze %dma_start3A_410 : memref<1x128xf32, #tpu.memory_space<vmem>> -> memref<128xf32, #tpu.memory_space<vmem>>
    %dma_start3A_412 = arith.constant 0 : i32
    %dma_start3A_413 = tpu.memref_slice %arg8[%dma_start3A_407, %dma_start3A_412] : memref<4x128xi32, #tpu.memory_space<vmem>> -> memref<1x128xi32, #tpu.memory_space<vmem>>
    %dma_start3A_414 = tpu.memref_squeeze %dma_start3A_413 : memref<1x128xi32, #tpu.memory_space<vmem>> -> memref<128xi32, #tpu.memory_space<vmem>>
    %dma_start3A_415 = arith.constant 0 : i32
    %dma_start3A_416 = tpu.memref_slice %arg3[%dma_start3A_415] : memref<67108864xf32, #tpu.memory_space<hbm>> -> memref<67108864xf32, #tpu.memory_space<hbm>>
    tpu.enqueue_indirect_dma source(%dma_start3A_416 : memref<67108864xf32, #tpu.memory_space<hbm>>) target(%dma_start3A_411 : memref<128xf32, #tpu.memory_space<vmem>>) offsets(%dma_start3A_414 : memref<128xi32, #tpu.memory_space<vmem>>) semaphore(%arg15 : memref<!tpu.dma_semaphore, #tpu.memory_space<semaphore_mem>>)
    %scan3A = arith.constant 0 : i32
    %scan3A_417 = arith.constant 52 : i32
    %scan3A_418 = arith.addi %scan3A, %scan3A_417 : i32
    %scan3A_419 = arith.constant 1 : i32
    scf.for %scan3A_462 = %scan3A to %scan3A_418 step %scan3A_419  : i32 {
      %mul3A_463 = arith.constant 1 : i32
      %mul3A_464 = arith.muli %scan3A_462, %mul3A_463 : i32
      %add3A_465 = arith.constant 0 : i32
      %add3A_466 = arith.addi %add3A_465, %mul3A_464 : i32
      %mul3A_467 = arith.constant 2 : i32
      %mul3A_468 = arith.muli %add3A_466, %mul3A_467 : i32
      %multiple_of3A = tpu.assume_multiple %mul3A_468, 2 : i32
      %add3A_469 = arith.constant 1 : i32
      %add3A_470 = arith.addi %multiple_of3A, %add3A_469 : i32
      %get3A_471 = arith.index_cast %add3A_470 : i32 to index
      %get3A_472 = arith.constant 0 : index
      %get3A_473 = tpu.vector_load %arg7[%get3A_471, %get3A_472] {strides = array<i32>} : memref<105x128xi32, #tpu.memory_space<vmem>>, vector<16xi32>,
      %shift_right_arithmetic3A_474 = arith.constant 7 : i32
      %shift_right_arithmetic3A_475 = vector.broadcast %shift_right_arithmetic3A_474 : i32 to vector<16xi32>
      %shift_right_arithmetic3A_476 = arith.shrsi %get3A_473, %shift_right_arithmetic3A_475 : vector<16xi32>
      %shift_left3A_477 = arith.constant 9 : i32
      %shift_left3A_478 = vector.broadcast %shift_left3A_477 : i32 to vector<16xi32>
      %shift_left3A_479 = arith.shli %shift_right_arithmetic3A_476, %shift_left3A_478 : vector<16xi32>
      %and3A_480 = arith.constant 127 : i32
      %and3A_481 = vector.broadcast %and3A_480 : i32 to vector<16xi32>
      %and3A_482 = arith.andi %get3A_473, %and3A_481 : vector<16xi32>
      %add3A_483 = arith.addi %shift_left3A_479, %and3A_482 : vector<16xi32>
      %add3A_484 = arith.constant 0 : i32
      %add3A_485 = vector.broadcast %add3A_484 : i32 to vector<16xi32>
      %add3A_486 = arith.addi %add3A_483, %add3A_485 : vector<16xi32>
      %swap3A_487 = arith.constant 0 : i32
      %swap3A_488 = arith.index_cast %swap3A_487 : i32 to index
      %swap3A_489 = arith.constant 0 : index
      %swap3A_490 = tpu.vector_load %arg9[%swap3A_488, %swap3A_489] {strides = array<i32>} : memref<4x128xi32, #tpu.memory_space<vmem>>, vector<16xi32>,
      tpu.vector_store %arg9[%swap3A_488, %swap3A_489], %add3A_486 {strides = array<i32>} : memref<4x128xi32, #tpu.memory_space<vmem>>, vector<16xi32>,
      %add3A_491 = arith.constant 128 : i32
      %add3A_492 = vector.broadcast %add3A_491 : i32 to vector<16xi32>
      %add3A_493 = arith.addi %add3A_483, %add3A_492 : vector<16xi32>
      %swap3A_494 = arith.constant 1 : i32
      %swap3A_495 = arith.index_cast %swap3A_494 : i32 to index
      %swap3A_496 = arith.constant 0 : index
      %swap3A_497 = tpu.vector_load %arg9[%swap3A_495, %swap3A_496] {strides = array<i32>} : memref<4x128xi32, #tpu.memory_space<vmem>>, vector<16xi32>,
      tpu.vector_store %arg9[%swap3A_495, %swap3A_496], %add3A_493 {strides = array<i32>} : memref<4x128xi32, #tpu.memory_space<vmem>>, vector<16xi32>,
      %add3A_498 = arith.constant 256 : i32
      %add3A_499 = vector.broadcast %add3A_498 : i32 to vector<16xi32>
      %add3A_500 = arith.addi %add3A_483, %add3A_499 : vector<16xi32>
      %swap3A_501 = arith.constant 2 : i32
      %swap3A_502 = arith.index_cast %swap3A_501 : i32 to index
      %swap3A_503 = arith.constant 0 : index
      %swap3A_504 = tpu.vector_load %arg9[%swap3A_502, %swap3A_503] {strides = array<i32>} : memref<4x128xi32, #tpu.memory_space<vmem>>, vector<16xi32>,
      tpu.vector_store %arg9[%swap3A_502, %swap3A_503], %add3A_500 {strides = array<i32>} : memref<4x128xi32, #tpu.memory_space<vmem>>, vector<16xi32>,
      %add3A_505 = arith.constant 384 : i32
      %add3A_506 = vector.broadcast %add3A_505 : i32 to vector<16xi32>
      %add3A_507 = arith.addi %add3A_483, %add3A_506 : vector<16xi32>
      %swap3A_508 = arith.constant 3 : i32
      %swap3A_509 = arith.index_cast %swap3A_508 : i32 to index
      %swap3A_510 = arith.constant 0 : index
      %swap3A_511 = tpu.vector_load %arg9[%swap3A_509, %swap3A_510] {strides = array<i32>} : memref<4x128xi32, #tpu.memory_space<vmem>>, vector<16xi32>,
      tpu.vector_store %arg9[%swap3A_509, %swap3A_510], %add3A_507 {strides = array<i32>} : memref<4x128xi32, #tpu.memory_space<vmem>>, vector<16xi32>,
      %get3A_512 = arith.index_cast %add3A_470 : i32 to index
      %get3A_513 = arith.constant 16 : index
      %get3A_514 = tpu.vector_load %arg7[%get3A_512, %get3A_513] {strides = array<i32>} : memref<105x128xi32, #tpu.memory_space<vmem>>, vector<16xi32>,
      %shift_right_arithmetic3A_515 = arith.constant 7 : i32
      %shift_right_arithmetic3A_516 = vector.broadcast %shift_right_arithmetic3A_515 : i32 to vector<16xi32>
      %shift_right_arithmetic3A_517 = arith.shrsi %get3A_514, %shift_right_arithmetic3A_516 : vector<16xi32>
      %shift_left3A_518 = arith.constant 9 : i32
      %shift_left3A_519 = vector.broadcast %shift_left3A_518 : i32 to vector<16xi32>
      %shift_left3A_520 = arith.shli %shift_right_arithmetic3A_517, %shift_left3A_519 : vector<16xi32>
      %and3A_521 = arith.constant 127 : i32
      %and3A_522 = vector.broadcast %and3A_521 : i32 to vector<16xi32>
      %and3A_523 = arith.andi %get3A_514, %and3A_522 : vector<16xi32>
      %add3A_524 = arith.addi %shift_left3A_520, %and3A_523 : vector<16xi32>
      %add3A_525 = arith.constant 0 : i32
      %add3A_526 = vector.broadcast %add3A_525 : i32 to vector<16xi32>
      %add3A_527 = arith.addi %add3A_524, %add3A_526 : vector<16xi32>
      %swap3A_528 = arith.constant 0 : i32
      %swap3A_529 = arith.index_cast %swap3A_528 : i32 to index
      %swap3A_530 = arith.constant 16 : index
      %swap3A_531 = tpu.vector_load %arg9[%swap3A_529, %swap3A_530] {strides = array<i32>} : memref<4x128xi32, #tpu.memory_space<vmem>>, vector<16xi32>,
      tpu.vector_store %arg9[%swap3A_529, %swap3A_530], %add3A_527 {strides = array<i32>} : memref<4x128xi32, #tpu.memory_space<vmem>>, vector<16xi32>,
      %add3A_532 = arith.constant 128 : i32
      %add3A_533 = vector.broadcast %add3A_532 : i32 to vector<16xi32>
      %add3A_534 = arith.addi %add3A_524, %add3A_533 : vector<16xi32>
      %swap3A_535 = arith.constant 1 : i32
      %swap3A_536 = arith.index_cast %swap3A_535 : i32 to index
      %swap3A_537 = arith.constant 16 : index
      %swap3A_538 = tpu.vector_load %arg9[%swap3A_536, %swap3A_537] {strides = array<i32>} : memref<4x128xi32, #tpu.memory_space<vmem>>, vector<16xi32>,
      tpu.vector_store %arg9[%swap3A_536, %swap3A_537], %add3A_534 {strides = array<i32>} : memref<4x128xi32, #tpu.memory_space<vmem>>, vector<16xi32>,
      %add3A_539 = arith.constant 256 : i32
      %add3A_540 = vector.broadcast %add3A_539 : i32 to vector<16xi32>
      %add3A_541 = arith.addi %add3A_524, %add3A_540 : vector<16xi32>
      %swap3A_542 = arith.constant 2 : i32
      %swap3A_543 = arith.index_cast %swap3A_542 : i32 to index
      %swap3A_544 = arith.constant 16 : index
      %swap3A_545 = tpu.vector_load %arg9[%swap3A_543, %swap3A_544] {strides = array<i32>} : memref<4x128xi32, #tpu.memory_space<vmem>>, vector<16xi32>,
      tpu.vector_store %arg9[%swap3A_543, %swap3A_544], %add3A_541 {strides = array<i32>} : memref<4x128xi32, #tpu.memory_space<vmem>>, vector<16xi32>,
      %add3A_546 = arith.constant 384 : i32
      %add3A_547 = vector.broadcast %add3A_546 : i32 to vector<16xi32>
      %add3A_548 = arith.addi %add3A_524, %add3A_547 : vector<16xi32>
      %swap3A_549 = arith.constant 3 : i32
      %swap3A_550 = arith.index_cast %swap3A_549 : i32 to index
      %swap3A_551 = arith.constant 16 : index
      %swap3A_552 = tpu.vector_load %arg9[%swap3A_550, %swap3A_551] {strides = array<i32>} : memref<4x128xi32, #tpu.memory_space<vmem>>, vector<16xi32>,
      tpu.vector_store %arg9[%swap3A_550, %swap3A_551], %add3A_548 {strides = array<i32>} : memref<4x128xi32, #tpu.memory_space<vmem>>, vector<16xi32>,
      %get3A_553 = arith.index_cast %add3A_470 : i32 to index
      %get3A_554 = arith.constant 32 : index
      %get3A_555 = tpu.vector_load %arg7[%get3A_553, %get3A_554] {strides = array<i32>} : memref<105x128xi32, #tpu.memory_space<vmem>>, vector<16xi32>,
      %shift_right_arithmetic3A_556 = arith.constant 7 : i32
      %shift_right_arithmetic3A_557 = vector.broadcast %shift_right_arithmetic3A_556 : i32 to vector<16xi32>
      %shift_right_arithmetic3A_558 = arith.shrsi %get3A_555, %shift_right_arithmetic3A_557 : vector<16xi32>
      %shift_left3A_559 = arith.constant 9 : i32
      %shift_left3A_560 = vector.broadcast %shift_left3A_559 : i32 to vector<16xi32>
      %shift_left3A_561 = arith.shli %shift_right_arithmetic3A_558, %shift_left3A_560 : vector<16xi32>
      %and3A_562 = arith.constant 127 : i32
      %and3A_563 = vector.broadcast %and3A_562 : i32 to vector<16xi32>
      %and3A_564 = arith.andi %get3A_555, %and3A_563 : vector<16xi32>
      %add3A_565 = arith.addi %shift_left3A_561, %and3A_564 : vector<16xi32>
      %add3A_566 = arith.constant 0 : i32
      %add3A_567 = vector.broadcast %add3A_566 : i32 to vector<16xi32>
      %add3A_568 = arith.addi %add3A_565, %add3A_567 : vector<16xi32>
      %swap3A_569 = arith.constant 0 : i32
      %swap3A_570 = arith.index_cast %swap3A_569 : i32 to index
      %swap3A_571 = arith.constant 32 : index
      %swap3A_572 = tpu.vector_load %arg9[%swap3A_570, %swap3A_571] {strides = array<i32>} : memref<4x128xi32, #tpu.memory_space<vmem>>, vector<16xi32>,
      tpu.vector_store %arg9[%swap3A_570, %swap3A_571], %add3A_568 {strides = array<i32>} : memref<4x128xi32, #tpu.memory_space<vmem>>, vector<16xi32>,
      %add3A_573 = arith.constant 128 : i32
      %add3A_574 = vector.broadcast %add3A_573 : i32 to vector<16xi32>
      %add3A_575 = arith.addi %add3A_565, %add3A_574 : vector<16xi32>
      %swap3A_576 = arith.constant 1 : i32
      %swap3A_577 = arith.index_cast %swap3A_576 : i32 to index
      %swap3A_578 = arith.constant 32 : index
      %swap3A_579 = tpu.vector_load %arg9[%swap3A_577, %swap3A_578] {strides = array<i32>} : memref<4x128xi32, #tpu.memory_space<vmem>>, vector<16xi32>,
      tpu.vector_store %arg9[%swap3A_577, %swap3A_578], %add3A_575 {strides = array<i32>} : memref<4x128xi32, #tpu.memory_space<vmem>>, vector<16xi32>,
      %add3A_580 = arith.constant 256 : i32
      %add3A_581 = vector.broadcast %add3A_580 : i32 to vector<16xi32>
      %add3A_582 = arith.addi %add3A_565, %add3A_581 : vector<16xi32>
      %swap3A_583 = arith.constant 2 : i32
      %swap3A_584 = arith.index_cast %swap3A_583 : i32 to index
      %swap3A_585 = arith.constant 32 : index
      %swap3A_586 = tpu.vector_load %arg9[%swap3A_584, %swap3A_585] {strides = array<i32>} : memref<4x128xi32, #tpu.memory_space<vmem>>, vector<16xi32>,
      tpu.vector_store %arg9[%swap3A_584, %swap3A_585], %add3A_582 {strides = array<i32>} : memref<4x128xi32, #tpu.memory_space<vmem>>, vector<16xi32>,
      %add3A_587 = arith.constant 384 : i32
      %add3A_588 = vector.broadcast %add3A_587 : i32 to vector<16xi32>
      %add3A_589 = arith.addi %add3A_565, %add3A_588 : vector<16xi32>
      %swap3A_590 = arith.constant 3 : i32
      %swap3A_591 = arith.index_cast %swap3A_590 : i32 to index
      %swap3A_592 = arith.constant 32 : index
      %swap3A_593 = tpu.vector_load %arg9[%swap3A_591, %swap3A_592] {strides = array<i32>} : memref<4x128xi32, #tpu.memory_space<vmem>>, vector<16xi32>,
      tpu.vector_store %arg9[%swap3A_591, %swap3A_592], %add3A_589 {strides = array<i32>} : memref<4x128xi32, #tpu.memory_space<vmem>>, vector<16xi32>,
      %get3A_594 = arith.index_cast %add3A_470 : i32 to index
      %get3A_595 = arith.constant 48 : index
      %get3A_596 = tpu.vector_load %arg7[%get3A_594, %get3A_595] {strides = array<i32>} : memref<105x128xi32, #tpu.memory_space<vmem>>, vector<16xi32>,
      %shift_right_arithmetic3A_597 = arith.constant 7 : i32
      %shift_right_arithmetic3A_598 = vector.broadcast %shift_right_arithmetic3A_597 : i32 to vector<16xi32>
      %shift_right_arithmetic3A_599 = arith.shrsi %get3A_596, %shift_right_arithmetic3A_598 : vector<16xi32>
      %shift_left3A_600 = arith.constant 9 : i32
      %shift_left3A_601 = vector.broadcast %shift_left3A_600 : i32 to vector<16xi32>
      %shift_left3A_602 = arith.shli %shift_right_arithmetic3A_599, %shift_left3A_601 : vector<16xi32>
      %and3A_603 = arith.constant 127 : i32
      %and3A_604 = vector.broadcast %and3A_603 : i32 to vector<16xi32>
      %and3A_605 = arith.andi %get3A_596, %and3A_604 : vector<16xi32>
      %add3A_606 = arith.addi %shift_left3A_602, %and3A_605 : vector<16xi32>
      %add3A_607 = arith.constant 0 : i32
      %add3A_608 = vector.broadcast %add3A_607 : i32 to vector<16xi32>
      %add3A_609 = arith.addi %add3A_606, %add3A_608 : vector<16xi32>
      %swap3A_610 = arith.constant 0 : i32
      %swap3A_611 = arith.index_cast %swap3A_610 : i32 to index
      %swap3A_612 = arith.constant 48 : index
      %swap3A_613 = tpu.vector_load %arg9[%swap3A_611, %swap3A_612] {strides = array<i32>} : memref<4x128xi32, #tpu.memory_space<vmem>>, vector<16xi32>,
      tpu.vector_store %arg9[%swap3A_611, %swap3A_612], %add3A_609 {strides = array<i32>} : memref<4x128xi32, #tpu.memory_space<vmem>>, vector<16xi32>,
      %add3A_614 = arith.constant 128 : i32
      %add3A_615 = vector.broadcast %add3A_614 : i32 to vector<16xi32>
      %add3A_616 = arith.addi %add3A_606, %add3A_615 : vector<16xi32>
      %swap3A_617 = arith.constant 1 : i32
      %swap3A_618 = arith.index_cast %swap3A_617 : i32 to index
      %swap3A_619 = arith.constant 48 : index
      %swap3A_620 = tpu.vector_load %arg9[%swap3A_618, %swap3A_619] {strides = array<i32>} : memref<4x128xi32, #tpu.memory_space<vmem>>, vector<16xi32>,
      tpu.vector_store %arg9[%swap3A_618, %swap3A_619], %add3A_616 {strides = array<i32>} : memref<4x128xi32, #tpu.memory_space<vmem>>, vector<16xi32>,
      %add3A_621 = arith.constant 256 : i32
      %add3A_622 = vector.broadcast %add3A_621 : i32 to vector<16xi32>
      %add3A_623 = arith.addi %add3A_606, %add3A_622 : vector<16xi32>
      %swap3A_624 = arith.constant 2 : i32
      %swap3A_625 = arith.index_cast %swap3A_624 : i32 to index
      %swap3A_626 = arith.constant 48 : index
      %swap3A_627 = tpu.vector_load %arg9[%swap3A_625, %swap3A_626] {strides = array<i32>} : memref<4x128xi32, #tpu.memory_space<vmem>>, vector<16xi32>,
      tpu.vector_store %arg9[%swap3A_625, %swap3A_626], %add3A_623 {strides = array<i32>} : memref<4x128xi32, #tpu.memory_space<vmem>>, vector<16xi32>,
      %add3A_628 = arith.constant 384 : i32
      %add3A_629 = vector.broadcast %add3A_628 : i32 to vector<16xi32>
      %add3A_630 = arith.addi %add3A_606, %add3A_629 : vector<16xi32>
      %swap3A_631 = arith.constant 3 : i32
      %swap3A_632 = arith.index_cast %swap3A_631 : i32 to index
      %swap3A_633 = arith.constant 48 : index
      %swap3A_634 = tpu.vector_load %arg9[%swap3A_632, %swap3A_633] {strides = array<i32>} : memref<4x128xi32, #tpu.memory_space<vmem>>, vector<16xi32>,
      tpu.vector_store %arg9[%swap3A_632, %swap3A_633], %add3A_630 {strides = array<i32>} : memref<4x128xi32, #tpu.memory_space<vmem>>, vector<16xi32>,
      %get3A_635 = arith.index_cast %add3A_470 : i32 to index
      %get3A_636 = arith.constant 64 : index
      %get3A_637 = tpu.vector_load %arg7[%get3A_635, %get3A_636] {strides = array<i32>} : memref<105x128xi32, #tpu.memory_space<vmem>>, vector<16xi32>,
      %shift_right_arithmetic3A_638 = arith.constant 7 : i32
      %shift_right_arithmetic3A_639 = vector.broadcast %shift_right_arithmetic3A_638 : i32 to vector<16xi32>
      %shift_right_arithmetic3A_640 = arith.shrsi %get3A_637, %shift_right_arithmetic3A_639 : vector<16xi32>
      %shift_left3A_641 = arith.constant 9 : i32
      %shift_left3A_642 = vector.broadcast %shift_left3A_641 : i32 to vector<16xi32>
      %shift_left3A_643 = arith.shli %shift_right_arithmetic3A_640, %shift_left3A_642 : vector<16xi32>
      %and3A_644 = arith.constant 127 : i32
      %and3A_645 = vector.broadcast %and3A_644 : i32 to vector<16xi32>
      %and3A_646 = arith.andi %get3A_637, %and3A_645 : vector<16xi32>
      %add3A_647 = arith.addi %shift_left3A_643, %and3A_646 : vector<16xi32>
      %add3A_648 = arith.constant 0 : i32
      %add3A_649 = vector.broadcast %add3A_648 : i32 to vector<16xi32>
      %add3A_650 = arith.addi %add3A_647, %add3A_649 : vector<16xi32>
      %swap3A_651 = arith.constant 0 : i32
      %swap3A_652 = arith.index_cast %swap3A_651 : i32 to index
      %swap3A_653 = arith.constant 64 : index
      %swap3A_654 = tpu.vector_load %arg9[%swap3A_652, %swap3A_653] {strides = array<i32>} : memref<4x128xi32, #tpu.memory_space<vmem>>, vector<16xi32>,
      tpu.vector_store %arg9[%swap3A_652, %swap3A_653], %add3A_650 {strides = array<i32>} : memref<4x128xi32, #tpu.memory_space<vmem>>, vector<16xi32>,
      %add3A_655 = arith.constant 128 : i32
      %add3A_656 = vector.broadcast %add3A_655 : i32 to vector<16xi32>
      %add3A_657 = arith.addi %add3A_647, %add3A_656 : vector<16xi32>
      %swap3A_658 = arith.constant 1 : i32
      %swap3A_659 = arith.index_cast %swap3A_658 : i32 to index
      %swap3A_660 = arith.constant 64 : index
      %swap3A_661 = tpu.vector_load %arg9[%swap3A_659, %swap3A_660] {strides = array<i32>} : memref<4x128xi32, #tpu.memory_space<vmem>>, vector<16xi32>,
      tpu.vector_store %arg9[%swap3A_659, %swap3A_660], %add3A_657 {strides = array<i32>} : memref<4x128xi32, #tpu.memory_space<vmem>>, vector<16xi32>,
      %add3A_662 = arith.constant 256 : i32
      %add3A_663 = vector.broadcast %add3A_662 : i32 to vector<16xi32>
      %add3A_664 = arith.addi %add3A_647, %add3A_663 : vector<16xi32>
      %swap3A_665 = arith.constant 2 : i32
      %swap3A_666 = arith.index_cast %swap3A_665 : i32 to index
      %swap3A_667 = arith.constant 64 : index
      %swap3A_668 = tpu.vector_load %arg9[%swap3A_666, %swap3A_667] {strides = array<i32>} : memref<4x128xi32, #tpu.memory_space<vmem>>, vector<16xi32>,
      tpu.vector_store %arg9[%swap3A_666, %swap3A_667], %add3A_664 {strides = array<i32>} : memref<4x128xi32, #tpu.memory_space<vmem>>, vector<16xi32>,
      %add3A_669 = arith.constant 384 : i32
      %add3A_670 = vector.broadcast %add3A_669 : i32 to vector<16xi32>
      %add3A_671 = arith.addi %add3A_647, %add3A_670 : vector<16xi32>
      %swap3A_672 = arith.constant 3 : i32
      %swap3A_673 = arith.index_cast %swap3A_672 : i32 to index
      %swap3A_674 = arith.constant 64 : index
      %swap3A_675 = tpu.vector_load %arg9[%swap3A_673, %swap3A_674] {strides = array<i32>} : memref<4x128xi32, #tpu.memory_space<vmem>>, vector<16xi32>,
      tpu.vector_store %arg9[%swap3A_673, %swap3A_674], %add3A_671 {strides = array<i32>} : memref<4x128xi32, #tpu.memory_space<vmem>>, vector<16xi32>,
      %get3A_676 = arith.index_cast %add3A_470 : i32 to index
      %get3A_677 = arith.constant 80 : index
      %get3A_678 = tpu.vector_load %arg7[%get3A_676, %get3A_677] {strides = array<i32>} : memref<105x128xi32, #tpu.memory_space<vmem>>, vector<16xi32>,
      %shift_right_arithmetic3A_679 = arith.constant 7 : i32
      %shift_right_arithmetic3A_680 = vector.broadcast %shift_right_arithmetic3A_679 : i32 to vector<16xi32>
      %shift_right_arithmetic3A_681 = arith.shrsi %get3A_678, %shift_right_arithmetic3A_680 : vector<16xi32>
      %shift_left3A_682 = arith.constant 9 : i32
      %shift_left3A_683 = vector.broadcast %shift_left3A_682 : i32 to vector<16xi32>
      %shift_left3A_684 = arith.shli %shift_right_arithmetic3A_681, %shift_left3A_683 : vector<16xi32>
      %and3A_685 = arith.constant 127 : i32
      %and3A_686 = vector.broadcast %and3A_685 : i32 to vector<16xi32>
      %and3A_687 = arith.andi %get3A_678, %and3A_686 : vector<16xi32>
      %add3A_688 = arith.addi %shift_left3A_684, %and3A_687 : vector<16xi32>
      %add3A_689 = arith.constant 0 : i32
      %add3A_690 = vector.broadcast %add3A_689 : i32 to vector<16xi32>
      %add3A_691 = arith.addi %add3A_688, %add3A_690 : vector<16xi32>
      %swap3A_692 = arith.constant 0 : i32
      %swap3A_693 = arith.index_cast %swap3A_692 : i32 to index
      %swap3A_694 = arith.constant 80 : index
      %swap3A_695 = tpu.vector_load %arg9[%swap3A_693, %swap3A_694] {strides = array<i32>} : memref<4x128xi32, #tpu.memory_space<vmem>>, vector<16xi32>,
      tpu.vector_store %arg9[%swap3A_693, %swap3A_694], %add3A_691 {strides = array<i32>} : memref<4x128xi32, #tpu.memory_space<vmem>>, vector<16xi32>,
      %add3A_696 = arith.constant 128 : i32
      %add3A_697 = vector.broadcast %add3A_696 : i32 to vector<16xi32>
      %add3A_698 = arith.addi %add3A_688, %add3A_697 : vector<16xi32>
      %swap3A_699 = arith.constant 1 : i32
      %swap3A_700 = arith.index_cast %swap3A_699 : i32 to index
      %swap3A_701 = arith.constant 80 : index
      %swap3A_702 = tpu.vector_load %arg9[%swap3A_700, %swap3A_701] {strides = array<i32>} : memref<4x128xi32, #tpu.memory_space<vmem>>, vector<16xi32>,
      tpu.vector_store %arg9[%swap3A_700, %swap3A_701], %add3A_698 {strides = array<i32>} : memref<4x128xi32, #tpu.memory_space<vmem>>, vector<16xi32>,
      %add3A_703 = arith.constant 256 : i32
      %add3A_704 = vector.broadcast %add3A_703 : i32 to vector<16xi32>
      %add3A_705 = arith.addi %add3A_688, %add3A_704 : vector<16xi32>
      %swap3A_706 = arith.constant 2 : i32
      %swap3A_707 = arith.index_cast %swap3A_706 : i32 to index
      %swap3A_708 = arith.constant 80 : index
      %swap3A_709 = tpu.vector_load %arg9[%swap3A_707, %swap3A_708] {strides = array<i32>} : memref<4x128xi32, #tpu.memory_space<vmem>>, vector<16xi32>,
      tpu.vector_store %arg9[%swap3A_707, %swap3A_708], %add3A_705 {strides = array<i32>} : memref<4x128xi32, #tpu.memory_space<vmem>>, vector<16xi32>,
      %add3A_710 = arith.constant 384 : i32
      %add3A_711 = vector.broadcast %add3A_710 : i32 to vector<16xi32>
      %add3A_712 = arith.addi %add3A_688, %add3A_711 : vector<16xi32>
      %swap3A_713 = arith.constant 3 : i32
      %swap3A_714 = arith.index_cast %swap3A_713 : i32 to index
      %swap3A_715 = arith.constant 80 : index
      %swap3A_716 = tpu.vector_load %arg9[%swap3A_714, %swap3A_715] {strides = array<i32>} : memref<4x128xi32, #tpu.memory_space<vmem>>, vector<16xi32>,
      tpu.vector_store %arg9[%swap3A_714, %swap3A_715], %add3A_712 {strides = array<i32>} : memref<4x128xi32, #tpu.memory_space<vmem>>, vector<16xi32>,
      %get3A_717 = arith.index_cast %add3A_470 : i32 to index
      %get3A_718 = arith.constant 96 : index
      %get3A_719 = tpu.vector_load %arg7[%get3A_717, %get3A_718] {strides = array<i32>} : memref<105x128xi32, #tpu.memory_space<vmem>>, vector<16xi32>,
      %shift_right_arithmetic3A_720 = arith.constant 7 : i32
      %shift_right_arithmetic3A_721 = vector.broadcast %shift_right_arithmetic3A_720 : i32 to vector<16xi32>
      %shift_right_arithmetic3A_722 = arith.shrsi %get3A_719, %shift_right_arithmetic3A_721 : vector<16xi32>
      %shift_left3A_723 = arith.constant 9 : i32
      %shift_left3A_724 = vector.broadcast %shift_left3A_723 : i32 to vector<16xi32>
      %shift_left3A_725 = arith.shli %shift_right_arithmetic3A_722, %shift_left3A_724 : vector<16xi32>
      %and3A_726 = arith.constant 127 : i32
      %and3A_727 = vector.broadcast %and3A_726 : i32 to vector<16xi32>
      %and3A_728 = arith.andi %get3A_719, %and3A_727 : vector<16xi32>
      %add3A_729 = arith.addi %shift_left3A_725, %and3A_728 : vector<16xi32>
      %add3A_730 = arith.constant 0 : i32
      %add3A_731 = vector.broadcast %add3A_730 : i32 to vector<16xi32>
      %add3A_732 = arith.addi %add3A_729, %add3A_731 : vector<16xi32>
      %swap3A_733 = arith.constant 0 : i32
      %swap3A_734 = arith.index_cast %swap3A_733 : i32 to index
      %swap3A_735 = arith.constant 96 : index
      %swap3A_736 = tpu.vector_load %arg9[%swap3A_734, %swap3A_735] {strides = array<i32>} : memref<4x128xi32, #tpu.memory_space<vmem>>, vector<16xi32>,
      tpu.vector_store %arg9[%swap3A_734, %swap3A_735], %add3A_732 {strides = array<i32>} : memref<4x128xi32, #tpu.memory_space<vmem>>, vector<16xi32>,
      %add3A_737 = arith.constant 128 : i32
      %add3A_738 = vector.broadcast %add3A_737 : i32 to vector<16xi32>
      %add3A_739 = arith.addi %add3A_729, %add3A_738 : vector<16xi32>
      %swap3A_740 = arith.constant 1 : i32
      %swap3A_741 = arith.index_cast %swap3A_740 : i32 to index
      %swap3A_742 = arith.constant 96 : index
      %swap3A_743 = tpu.vector_load %arg9[%swap3A_741, %swap3A_742] {strides = array<i32>} : memref<4x128xi32, #tpu.memory_space<vmem>>, vector<16xi32>,
      tpu.vector_store %arg9[%swap3A_741, %swap3A_742], %add3A_739 {strides = array<i32>} : memref<4x128xi32, #tpu.memory_space<vmem>>, vector<16xi32>,
      %add3A_744 = arith.constant 256 : i32
      %add3A_745 = vector.broadcast %add3A_744 : i32 to vector<16xi32>
      %add3A_746 = arith.addi %add3A_729, %add3A_745 : vector<16xi32>
      %swap3A_747 = arith.constant 2 : i32
      %swap3A_748 = arith.index_cast %swap3A_747 : i32 to index
      %swap3A_749 = arith.constant 96 : index
      %swap3A_750 = tpu.vector_load %arg9[%swap3A_748, %swap3A_749] {strides = array<i32>} : memref<4x128xi32, #tpu.memory_space<vmem>>, vector<16xi32>,
      tpu.vector_store %arg9[%swap3A_748, %swap3A_749], %add3A_746 {strides = array<i32>} : memref<4x128xi32, #tpu.memory_space<vmem>>, vector<16xi32>,
      %add3A_751 = arith.constant 384 : i32
      %add3A_752 = vector.broadcast %add3A_751 : i32 to vector<16xi32>
      %add3A_753 = arith.addi %add3A_729, %add3A_752 : vector<16xi32>
      %swap3A_754 = arith.constant 3 : i32
      %swap3A_755 = arith.index_cast %swap3A_754 : i32 to index
      %swap3A_756 = arith.constant 96 : index
      %swap3A_757 = tpu.vector_load %arg9[%swap3A_755, %swap3A_756] {strides = array<i32>} : memref<4x128xi32, #tpu.memory_space<vmem>>, vector<16xi32>,
      tpu.vector_store %arg9[%swap3A_755, %swap3A_756], %add3A_753 {strides = array<i32>} : memref<4x128xi32, #tpu.memory_space<vmem>>, vector<16xi32>,
      %get3A_758 = arith.index_cast %add3A_470 : i32 to index
      %get3A_759 = arith.constant 112 : index
      %get3A_760 = tpu.vector_load %arg7[%get3A_758, %get3A_759] {strides = array<i32>} : memref<105x128xi32, #tpu.memory_space<vmem>>, vector<16xi32>,
      %shift_right_arithmetic3A_761 = arith.constant 7 : i32
      %shift_right_arithmetic3A_762 = vector.broadcast %shift_right_arithmetic3A_761 : i32 to vector<16xi32>
      %shift_right_arithmetic3A_763 = arith.shrsi %get3A_760, %shift_right_arithmetic3A_762 : vector<16xi32>
      %shift_left3A_764 = arith.constant 9 : i32
      %shift_left3A_765 = vector.broadcast %shift_left3A_764 : i32 to vector<16xi32>
      %shift_left3A_766 = arith.shli %shift_right_arithmetic3A_763, %shift_left3A_765 : vector<16xi32>
      %and3A_767 = arith.constant 127 : i32
      %and3A_768 = vector.broadcast %and3A_767 : i32 to vector<16xi32>
      %and3A_769 = arith.andi %get3A_760, %and3A_768 : vector<16xi32>
      %add3A_770 = arith.addi %shift_left3A_766, %and3A_769 : vector<16xi32>
      %add3A_771 = arith.constant 0 : i32
      %add3A_772 = vector.broadcast %add3A_771 : i32 to vector<16xi32>
      %add3A_773 = arith.addi %add3A_770, %add3A_772 : vector<16xi32>
      %swap3A_774 = arith.constant 0 : i32
      %swap3A_775 = arith.index_cast %swap3A_774 : i32 to index
      %swap3A_776 = arith.constant 112 : index
      %swap3A_777 = tpu.vector_load %arg9[%swap3A_775, %swap3A_776] {strides = array<i32>} : memref<4x128xi32, #tpu.memory_space<vmem>>, vector<16xi32>,
      tpu.vector_store %arg9[%swap3A_775, %swap3A_776], %add3A_773 {strides = array<i32>} : memref<4x128xi32, #tpu.memory_space<vmem>>, vector<16xi32>,
      %add3A_778 = arith.constant 128 : i32
      %add3A_779 = vector.broadcast %add3A_778 : i32 to vector<16xi32>
      %add3A_780 = arith.addi %add3A_770, %add3A_779 : vector<16xi32>
      %swap3A_781 = arith.constant 1 : i32
      %swap3A_782 = arith.index_cast %swap3A_781 : i32 to index
      %swap3A_783 = arith.constant 112 : index
      %swap3A_784 = tpu.vector_load %arg9[%swap3A_782, %swap3A_783] {strides = array<i32>} : memref<4x128xi32, #tpu.memory_space<vmem>>, vector<16xi32>,
      tpu.vector_store %arg9[%swap3A_782, %swap3A_783], %add3A_780 {strides = array<i32>} : memref<4x128xi32, #tpu.memory_space<vmem>>, vector<16xi32>,
      %add3A_785 = arith.constant 256 : i32
      %add3A_786 = vector.broadcast %add3A_785 : i32 to vector<16xi32>
      %add3A_787 = arith.addi %add3A_770, %add3A_786 : vector<16xi32>
      %swap3A_788 = arith.constant 2 : i32
      %swap3A_789 = arith.index_cast %swap3A_788 : i32 to index
      %swap3A_790 = arith.constant 112 : index
      %swap3A_791 = tpu.vector_load %arg9[%swap3A_789, %swap3A_790] {strides = array<i32>} : memref<4x128xi32, #tpu.memory_space<vmem>>, vector<16xi32>,
      tpu.vector_store %arg9[%swap3A_789, %swap3A_790], %add3A_787 {strides = array<i32>} : memref<4x128xi32, #tpu.memory_space<vmem>>, vector<16xi32>,
      %add3A_792 = arith.constant 384 : i32
      %add3A_793 = vector.broadcast %add3A_792 : i32 to vector<16xi32>
      %add3A_794 = arith.addi %add3A_770, %add3A_793 : vector<16xi32>
      %swap3A_795 = arith.constant 3 : i32
      %swap3A_796 = arith.index_cast %swap3A_795 : i32 to index
      %swap3A_797 = arith.constant 112 : index
      %swap3A_798 = tpu.vector_load %arg9[%swap3A_796, %swap3A_797] {strides = array<i32>} : memref<4x128xi32, #tpu.memory_space<vmem>>, vector<16xi32>,
      tpu.vector_store %arg9[%swap3A_796, %swap3A_797], %add3A_794 {strides = array<i32>} : memref<4x128xi32, #tpu.memory_space<vmem>>, vector<16xi32>,
      %dma_start3A_799 = arith.constant 0 : i32
      %dma_start3A_800 = arith.constant 0 : i32
      %dma_start3A_801 = arith.constant 0 : i32
      %dma_start3A_802 = tpu.memref_slice %arg11[%dma_start3A_800, %dma_start3A_801] : memref<4x128xf32, #tpu.memory_space<vmem>> -> memref<1x128xf32, #tpu.memory_space<vmem>>
      %dma_start3A_803 = tpu.memref_squeeze %dma_start3A_802 : memref<1x128xf32, #tpu.memory_space<vmem>> -> memref<128xf32, #tpu.memory_space<vmem>>
      %dma_start3A_804 = arith.constant 0 : i32
      %dma_start3A_805 = tpu.memref_slice %arg9[%dma_start3A_799, %dma_start3A_804] : memref<4x128xi32, #tpu.memory_space<vmem>> -> memref<1x128xi32, #tpu.memory_space<vmem>>
      %dma_start3A_806 = tpu.memref_squeeze %dma_start3A_805 : memref<1x128xi32, #tpu.memory_space<vmem>> -> memref<128xi32, #tpu.memory_space<vmem>>
      %dma_start3A_807 = arith.constant 0 : i32
      %dma_start3A_808 = tpu.memref_slice %arg3[%dma_start3A_807] : memref<67108864xf32, #tpu.memory_space<hbm>> -> memref<67108864xf32, #tpu.memory_space<hbm>>
      tpu.enqueue_indirect_dma source(%dma_start3A_808 : memref<67108864xf32, #tpu.memory_space<hbm>>) target(%dma_start3A_803 : memref<128xf32, #tpu.memory_space<vmem>>) offsets(%dma_start3A_806 : memref<128xi32, #tpu.memory_space<vmem>>) semaphore(%arg16 : memref<!tpu.dma_semaphore, #tpu.memory_space<semaphore_mem>>)
      %dma_start3A_809 = arith.constant 1 : i32
      %dma_start3A_810 = arith.constant 1 : i32
      %dma_start3A_811 = arith.constant 0 : i32
      %dma_start3A_812 = tpu.memref_slice %arg11[%dma_start3A_810, %dma_start3A_811] : memref<4x128xf32, #tpu.memory_space<vmem>> -> memref<1x128xf32, #tpu.memory_space<vmem>>
      %dma_start3A_813 = tpu.memref_squeeze %dma_start3A_812 : memref<1x128xf32, #tpu.memory_space<vmem>> -> memref<128xf32, #tpu.memory_space<vmem>>
      %dma_start3A_814 = arith.constant 0 : i32
      %dma_start3A_815 = tpu.memref_slice %arg9[%dma_start3A_809, %dma_start3A_814] : memref<4x128xi32, #tpu.memory_space<vmem>> -> memref<1x128xi32, #tpu.memory_space<vmem>>
      %dma_start3A_816 = tpu.memref_squeeze %dma_start3A_815 : memref<1x128xi32, #tpu.memory_space<vmem>> -> memref<128xi32, #tpu.memory_space<vmem>>
      %dma_start3A_817 = arith.constant 0 : i32
      %dma_start3A_818 = tpu.memref_slice %arg3[%dma_start3A_817] : memref<67108864xf32, #tpu.memory_space<hbm>> -> memref<67108864xf32, #tpu.memory_space<hbm>>
      tpu.enqueue_indirect_dma source(%dma_start3A_818 : memref<67108864xf32, #tpu.memory_space<hbm>>) target(%dma_start3A_813 : memref<128xf32, #tpu.memory_space<vmem>>) offsets(%dma_start3A_816 : memref<128xi32, #tpu.memory_space<vmem>>) semaphore(%arg16 : memref<!tpu.dma_semaphore, #tpu.memory_space<semaphore_mem>>)
      %dma_start3A_819 = arith.constant 2 : i32
      %dma_start3A_820 = arith.constant 2 : i32
      %dma_start3A_821 = arith.constant 0 : i32
      %dma_start3A_822 = tpu.memref_slice %arg11[%dma_start3A_820, %dma_start3A_821] : memref<4x128xf32, #tpu.memory_space<vmem>> -> memref<1x128xf32, #tpu.memory_space<vmem>>
      %dma_start3A_823 = tpu.memref_squeeze %dma_start3A_822 : memref<1x128xf32, #tpu.memory_space<vmem>> -> memref<128xf32, #tpu.memory_space<vmem>>
      %dma_start3A_824 = arith.constant 0 : i32
      %dma_start3A_825 = tpu.memref_slice %arg9[%dma_start3A_819, %dma_start3A_824] : memref<4x128xi32, #tpu.memory_space<vmem>> -> memref<1x128xi32, #tpu.memory_space<vmem>>
      %dma_start3A_826 = tpu.memref_squeeze %dma_start3A_825 : memref<1x128xi32, #tpu.memory_space<vmem>> -> memref<128xi32, #tpu.memory_space<vmem>>
      %dma_start3A_827 = arith.constant 0 : i32
      %dma_start3A_828 = tpu.memref_slice %arg3[%dma_start3A_827] : memref<67108864xf32, #tpu.memory_space<hbm>> -> memref<67108864xf32, #tpu.memory_space<hbm>>
      tpu.enqueue_indirect_dma source(%dma_start3A_828 : memref<67108864xf32, #tpu.memory_space<hbm>>) target(%dma_start3A_823 : memref<128xf32, #tpu.memory_space<vmem>>) offsets(%dma_start3A_826 : memref<128xi32, #tpu.memory_space<vmem>>) semaphore(%arg16 : memref<!tpu.dma_semaphore, #tpu.memory_space<semaphore_mem>>)
      %dma_start3A_829 = arith.constant 3 : i32
      %dma_start3A_830 = arith.constant 3 : i32
      %dma_start3A_831 = arith.constant 0 : i32
      %dma_start3A_832 = tpu.memref_slice %arg11[%dma_start3A_830, %dma_start3A_831] : memref<4x128xf32, #tpu.memory_space<vmem>> -> memref<1x128xf32, #tpu.memory_space<vmem>>
      %dma_start3A_833 = tpu.memref_squeeze %dma_start3A_832 : memref<1x128xf32, #tpu.memory_space<vmem>> -> memref<128xf32, #tpu.memory_space<vmem>>
      %dma_start3A_834 = arith.constant 0 : i32
      %dma_start3A_835 = tpu.memref_slice %arg9[%dma_start3A_829, %dma_start3A_834] : memref<4x128xi32, #tpu.memory_space<vmem>> -> memref<1x128xi32, #tpu.memory_space<vmem>>
      %dma_start3A_836 = tpu.memref_squeeze %dma_start3A_835 : memref<1x128xi32, #tpu.memory_space<vmem>> -> memref<128xi32, #tpu.memory_space<vmem>>
      %dma_start3A_837 = arith.constant 0 : i32
      %dma_start3A_838 = tpu.memref_slice %arg3[%dma_start3A_837] : memref<67108864xf32, #tpu.memory_space<hbm>> -> memref<67108864xf32, #tpu.memory_space<hbm>>
      tpu.enqueue_indirect_dma source(%dma_start3A_838 : memref<67108864xf32, #tpu.memory_space<hbm>>) target(%dma_start3A_833 : memref<128xf32, #tpu.memory_space<vmem>>) offsets(%dma_start3A_836 : memref<128xi32, #tpu.memory_space<vmem>>) semaphore(%arg16 : memref<!tpu.dma_semaphore, #tpu.memory_space<semaphore_mem>>)
      %dma_wait3A_839 = arith.constant 0 : i32
      %dma_wait3A_840 = arith.constant 0 : i32
      %dma_wait3A_841 = arith.constant 0 : i32
      %dma_wait3A_842 = tpu.memref_slice %arg10[%dma_wait3A_840, %dma_wait3A_841] : memref<4x128xf32, #tpu.memory_space<vmem>> -> memref<1x128xf32, #tpu.memory_space<vmem>>
      %dma_wait3A_843 = tpu.memref_squeeze %dma_wait3A_842 : memref<1x128xf32, #tpu.memory_space<vmem>> -> memref<128xf32, #tpu.memory_space<vmem>>
      %dma_wait3A_844 = arith.constant 0 : i32
      %dma_wait3A_845 = tpu.memref_slice %arg8[%dma_wait3A_839, %dma_wait3A_844] : memref<4x128xi32, #tpu.memory_space<vmem>> -> memref<1x128xi32, #tpu.memory_space<vmem>>
      %dma_wait3A_846 = tpu.memref_squeeze %dma_wait3A_845 : memref<1x128xi32, #tpu.memory_space<vmem>> -> memref<128xi32, #tpu.memory_space<vmem>>
      %dma_wait3A_847 = arith.constant 0 : i32
      %dma_wait3A_848 = tpu.memref_slice %arg3[%dma_wait3A_847] : memref<67108864xf32, #tpu.memory_space<hbm>> -> memref<67108864xf32, #tpu.memory_space<hbm>>
      tpu.wait_indirect_dma semaphore(%arg15 : memref<!tpu.dma_semaphore, #tpu.memory_space<semaphore_mem>>) src(%dma_wait3A_848 : memref<67108864xf32, #tpu.memory_space<hbm>>) dst(%dma_wait3A_843 : memref<128xf32, #tpu.memory_space<vmem>>)
      %dma_wait3A_849 = arith.constant 1 : i32
      %dma_wait3A_850 = arith.constant 1 : i32
      %dma_wait3A_851 = arith.constant 0 : i32
      %dma_wait3A_852 = tpu.memref_slice %arg10[%dma_wait3A_850, %dma_wait3A_851] : memref<4x128xf32, #tpu.memory_space<vmem>> -> memref<1x128xf32, #tpu.memory_space<vmem>>
      %dma_wait3A_853 = tpu.memref_squeeze %dma_wait3A_852 : memref<1x128xf32, #tpu.memory_space<vmem>> -> memref<128xf32, #tpu.memory_space<vmem>>
      %dma_wait3A_854 = arith.constant 0 : i32
      %dma_wait3A_855 = tpu.memref_slice %arg8[%dma_wait3A_849, %dma_wait3A_854] : memref<4x128xi32, #tpu.memory_space<vmem>> -> memref<1x128xi32, #tpu.memory_space<vmem>>
      %dma_wait3A_856 = tpu.memref_squeeze %dma_wait3A_855 : memref<1x128xi32, #tpu.memory_space<vmem>> -> memref<128xi32, #tpu.memory_space<vmem>>
      %dma_wait3A_857 = arith.constant 0 : i32
      %dma_wait3A_858 = tpu.memref_slice %arg3[%dma_wait3A_857] : memref<67108864xf32, #tpu.memory_space<hbm>> -> memref<67108864xf32, #tpu.memory_space<hbm>>
      tpu.wait_indirect_dma semaphore(%arg15 : memref<!tpu.dma_semaphore, #tpu.memory_space<semaphore_mem>>) src(%dma_wait3A_858 : memref<67108864xf32, #tpu.memory_space<hbm>>) dst(%dma_wait3A_853 : memref<128xf32, #tpu.memory_space<vmem>>)
      %dma_wait3A_859 = arith.constant 2 : i32
      %dma_wait3A_860 = arith.constant 2 : i32
      %dma_wait3A_861 = arith.constant 0 : i32
      %dma_wait3A_862 = tpu.memref_slice %arg10[%dma_wait3A_860, %dma_wait3A_861] : memref<4x128xf32, #tpu.memory_space<vmem>> -> memref<1x128xf32, #tpu.memory_space<vmem>>
      %dma_wait3A_863 = tpu.memref_squeeze %dma_wait3A_862 : memref<1x128xf32, #tpu.memory_space<vmem>> -> memref<128xf32, #tpu.memory_space<vmem>>
      %dma_wait3A_864 = arith.constant 0 : i32
      %dma_wait3A_865 = tpu.memref_slice %arg8[%dma_wait3A_859, %dma_wait3A_864] : memref<4x128xi32, #tpu.memory_space<vmem>> -> memref<1x128xi32, #tpu.memory_space<vmem>>
      %dma_wait3A_866 = tpu.memref_squeeze %dma_wait3A_865 : memref<1x128xi32, #tpu.memory_space<vmem>> -> memref<128xi32, #tpu.memory_space<vmem>>
      %dma_wait3A_867 = arith.constant 0 : i32
      %dma_wait3A_868 = tpu.memref_slice %arg3[%dma_wait3A_867] : memref<67108864xf32, #tpu.memory_space<hbm>> -> memref<67108864xf32, #tpu.memory_space<hbm>>
      tpu.wait_indirect_dma semaphore(%arg15 : memref<!tpu.dma_semaphore, #tpu.memory_space<semaphore_mem>>) src(%dma_wait3A_868 : memref<67108864xf32, #tpu.memory_space<hbm>>) dst(%dma_wait3A_863 : memref<128xf32, #tpu.memory_space<vmem>>)
      %dma_wait3A_869 = arith.constant 3 : i32
      %dma_wait3A_870 = arith.constant 3 : i32
      %dma_wait3A_871 = arith.constant 0 : i32
      %dma_wait3A_872 = tpu.memref_slice %arg10[%dma_wait3A_870, %dma_wait3A_871] : memref<4x128xf32, #tpu.memory_space<vmem>> -> memref<1x128xf32, #tpu.memory_space<vmem>>
      %dma_wait3A_873 = tpu.memref_squeeze %dma_wait3A_872 : memref<1x128xf32, #tpu.memory_space<vmem>> -> memref<128xf32, #tpu.memory_space<vmem>>
      %dma_wait3A_874 = arith.constant 0 : i32
      %dma_wait3A_875 = tpu.memref_slice %arg8[%dma_wait3A_869, %dma_wait3A_874] : memref<4x128xi32, #tpu.memory_space<vmem>> -> memref<1x128xi32, #tpu.memory_space<vmem>>
      %dma_wait3A_876 = tpu.memref_squeeze %dma_wait3A_875 : memref<1x128xi32, #tpu.memory_space<vmem>> -> memref<128xi32, #tpu.memory_space<vmem>>
      %dma_wait3A_877 = arith.constant 0 : i32
      %dma_wait3A_878 = tpu.memref_slice %arg3[%dma_wait3A_877] : memref<67108864xf32, #tpu.memory_space<hbm>> -> memref<67108864xf32, #tpu.memory_space<hbm>>
      tpu.wait_indirect_dma semaphore(%arg15 : memref<!tpu.dma_semaphore, #tpu.memory_space<semaphore_mem>>) src(%dma_wait3A_878 : memref<67108864xf32, #tpu.memory_space<hbm>>) dst(%dma_wait3A_873 : memref<128xf32, #tpu.memory_space<vmem>>)
      %get3A_879 = arith.constant 0 : i32
      %get3A_880 = arith.index_cast %get3A_879 : i32 to index
      %get3A_881 = arith.constant 0 : index
      %get3A_882 = tpu.vector_load %arg10[%get3A_880, %get3A_881] {strides = array<i32>} : memref<4x128xf32, #tpu.memory_space<vmem>>, vector<16xf32>,
      %get3A_883 = arith.constant 1 : i32
      %get3A_884 = arith.index_cast %get3A_883 : i32 to index
      %get3A_885 = arith.constant 0 : index
      %get3A_886 = tpu.vector_load %arg10[%get3A_884, %get3A_885] {strides = array<i32>} : memref<4x128xf32, #tpu.memory_space<vmem>>, vector<16xf32>,
      %get3A_887 = arith.constant 2 : i32
      %get3A_888 = arith.index_cast %get3A_887 : i32 to index
      %get3A_889 = arith.constant 0 : index
      %get3A_890 = tpu.vector_load %arg10[%get3A_888, %get3A_889] {strides = array<i32>} : memref<4x128xf32, #tpu.memory_space<vmem>>, vector<16xf32>,
      %get3A_891 = arith.constant 3 : i32
      %get3A_892 = arith.index_cast %get3A_891 : i32 to index
      %get3A_893 = arith.constant 0 : index
      %get3A_894 = tpu.vector_load %arg10[%get3A_892, %get3A_893] {strides = array<i32>} : memref<4x128xf32, #tpu.memory_space<vmem>>, vector<16xf32>,
      %mul3A_895 = arith.mulf %get3A_5, %get3A_882 : vector<16xf32>
      %add3A_896 = arith.addf %get3A_37, %mul3A_895 : vector<16xf32>
      %mul3A_897 = arith.mulf %get3A_7, %get3A_886 : vector<16xf32>
      %add3A_898 = arith.addf %add3A_896, %mul3A_897 : vector<16xf32>
      %mul3A_899 = arith.mulf %get3A_9, %get3A_890 : vector<16xf32>
      %add3A_900 = arith.addf %add3A_898, %mul3A_899 : vector<16xf32>
      %mul3A_901 = arith.mulf %get3A_11, %get3A_894 : vector<16xf32>
      %add3A_902 = arith.addf %add3A_900, %mul3A_901 : vector<16xf32>
      %mul3A_903 = arith.constant 512 : i32
      %mul3A_904 = arith.muli %multiple_of3A, %mul3A_903 : i32
      %add3A_905 = arith.constant 0 : i32
      %add3A_906 = arith.addi %mul3A_904, %add3A_905 : i32
      %add3A_907 = arith.constant 0 : i32
      %add3A_908 = arith.addi %add3A_906, %add3A_907 : i32
      %swap3A_909 = arith.index_cast %add3A_908 : i32 to index
      %swap3A_910 = tpu.vector_load %arg12[%swap3A_909] {strides = array<i32>} : memref<53248xf32, #tpu.memory_space<vmem>>, vector<16xf32>,
      tpu.vector_store %arg12[%swap3A_909], %add3A_902 {strides = array<i32>} : memref<53248xf32, #tpu.memory_space<vmem>>, vector<16xf32>,
      %mul3A_911 = arith.mulf %get3A_13, %get3A_882 : vector<16xf32>
      %add3A_912 = arith.addf %get3A_39, %mul3A_911 : vector<16xf32>
      %mul3A_913 = arith.mulf %get3A_15, %get3A_886 : vector<16xf32>
      %add3A_914 = arith.addf %add3A_912, %mul3A_913 : vector<16xf32>
      %mul3A_915 = arith.mulf %get3A_17, %get3A_890 : vector<16xf32>
      %add3A_916 = arith.addf %add3A_914, %mul3A_915 : vector<16xf32>
      %mul3A_917 = arith.mulf %get3A_19, %get3A_894 : vector<16xf32>
      %add3A_918 = arith.addf %add3A_916, %mul3A_917 : vector<16xf32>
      %mul3A_919 = arith.constant 512 : i32
      %mul3A_920 = arith.muli %multiple_of3A, %mul3A_919 : i32
      %add3A_921 = arith.constant 128 : i32
      %add3A_922 = arith.addi %mul3A_920, %add3A_921 : i32
      %add3A_923 = arith.constant 0 : i32
      %add3A_924 = arith.addi %add3A_922, %add3A_923 : i32
      %swap3A_925 = arith.index_cast %add3A_924 : i32 to index
      %swap3A_926 = tpu.vector_load %arg12[%swap3A_925] {strides = array<i32>} : memref<53248xf32, #tpu.memory_space<vmem>>, vector<16xf32>,
      tpu.vector_store %arg12[%swap3A_925], %add3A_918 {strides = array<i32>} : memref<53248xf32, #tpu.memory_space<vmem>>, vector<16xf32>,
      %mul3A_927 = arith.mulf %get3A_21, %get3A_882 : vector<16xf32>
      %add3A_928 = arith.addf %get3A_41, %mul3A_927 : vector<16xf32>
      %mul3A_929 = arith.mulf %get3A_23, %get3A_886 : vector<16xf32>
      %add3A_930 = arith.addf %add3A_928, %mul3A_929 : vector<16xf32>
      %mul3A_931 = arith.mulf %get3A_25, %get3A_890 : vector<16xf32>
      %add3A_932 = arith.addf %add3A_930, %mul3A_931 : vector<16xf32>
      %mul3A_933 = arith.mulf %get3A_27, %get3A_894 : vector<16xf32>
      %add3A_934 = arith.addf %add3A_932, %mul3A_933 : vector<16xf32>
      %mul3A_935 = arith.constant 512 : i32
      %mul3A_936 = arith.muli %multiple_of3A, %mul3A_935 : i32
      %add3A_937 = arith.constant 256 : i32
      %add3A_938 = arith.addi %mul3A_936, %add3A_937 : i32
      %add3A_939 = arith.constant 0 : i32
      %add3A_940 = arith.addi %add3A_938, %add3A_939 : i32
      %swap3A_941 = arith.index_cast %add3A_940 : i32 to index
      %swap3A_942 = tpu.vector_load %arg12[%swap3A_941] {strides = array<i32>} : memref<53248xf32, #tpu.memory_space<vmem>>, vector<16xf32>,
      tpu.vector_store %arg12[%swap3A_941], %add3A_934 {strides = array<i32>} : memref<53248xf32, #tpu.memory_space<vmem>>, vector<16xf32>,
      %mul3A_943 = arith.mulf %get3A_29, %get3A_882 : vector<16xf32>
      %add3A_944 = arith.addf %get3A_43, %mul3A_943 : vector<16xf32>
      %mul3A_945 = arith.mulf %get3A_31, %get3A_886 : vector<16xf32>
      %add3A_946 = arith.addf %add3A_944, %mul3A_945 : vector<16xf32>
      %mul3A_947 = arith.mulf %get3A_33, %get3A_890 : vector<16xf32>
      %add3A_948 = arith.addf %add3A_946, %mul3A_947 : vector<16xf32>
      %mul3A_949 = arith.mulf %get3A_35, %get3A_894 : vector<16xf32>
      %add3A_950 = arith.addf %add3A_948, %mul3A_949 : vector<16xf32>
      %mul3A_951 = arith.constant 512 : i32
      %mul3A_952 = arith.muli %multiple_of3A, %mul3A_951 : i32
      %add3A_953 = arith.constant 384 : i32
      %add3A_954 = arith.addi %mul3A_952, %add3A_953 : i32
      %add3A_955 = arith.constant 0 : i32
      %add3A_956 = arith.addi %add3A_954, %add3A_955 : i32
      %swap3A_957 = arith.index_cast %add3A_956 : i32 to index
      %swap3A_958 = tpu.vector_load %arg12[%swap3A_957] {strides = array<i32>} : memref<53248xf32, #tpu.memory_space<vmem>>, vector<16xf32>,
      tpu.vector_store %arg12[%swap3A_957], %add3A_950 {strides = array<i32>} : memref<53248xf32, #tpu.memory_space<vmem>>, vector<16xf32>,
      %get3A_959 = arith.constant 0 : i32
      %get3A_960 = arith.index_cast %get3A_959 : i32 to index
      %get3A_961 = arith.constant 16 : index
      %get3A_962 = tpu.vector_load %arg10[%get3A_960, %get3A_961] {strides = array<i32>} : memref<4x128xf32, #tpu.memory_space<vmem>>, vector<16xf32>,
      %get3A_963 = arith.constant 1 : i32
      %get3A_964 = arith.index_cast %get3A_963 : i32 to index
      %get3A_965 = arith.constant 16 : index
      %get3A_966 = tpu.vector_load %arg10[%get3A_964, %get3A_965] {strides = array<i32>} : memref<4x128xf32, #tpu.memory_space<vmem>>, vector<16xf32>,
      %get3A_967 = arith.constant 2 : i32
      %get3A_968 = arith.index_cast %get3A_967 : i32 to index
      %get3A_969 = arith.constant 16 : index
      %get3A_970 = tpu.vector_load %arg10[%get3A_968, %get3A_969] {strides = array<i32>} : memref<4x128xf32, #tpu.memory_space<vmem>>, vector<16xf32>,
      %get3A_971 = arith.constant 3 : i32
      %get3A_972 = arith.index_cast %get3A_971 : i32 to index
      %get3A_973 = arith.constant 16 : index
      %get3A_974 = tpu.vector_load %arg10[%get3A_972, %get3A_973] {strides = array<i32>} : memref<4x128xf32, #tpu.memory_space<vmem>>, vector<16xf32>,
      %mul3A_975 = arith.mulf %get3A_5, %get3A_962 : vector<16xf32>
      %add3A_976 = arith.addf %get3A_37, %mul3A_975 : vector<16xf32>
      %mul3A_977 = arith.mulf %get3A_7, %get3A_966 : vector<16xf32>
      %add3A_978 = arith.addf %add3A_976, %mul3A_977 : vector<16xf32>
      %mul3A_979 = arith.mulf %get3A_9, %get3A_970 : vector<16xf32>
      %add3A_980 = arith.addf %add3A_978, %mul3A_979 : vector<16xf32>
      %mul3A_981 = arith.mulf %get3A_11, %get3A_974 : vector<16xf32>
      %add3A_982 = arith.addf %add3A_980, %mul3A_981 : vector<16xf32>
      %mul3A_983 = arith.constant 512 : i32
      %mul3A_984 = arith.muli %multiple_of3A, %mul3A_983 : i32
      %add3A_985 = arith.constant 0 : i32
      %add3A_986 = arith.addi %mul3A_984, %add3A_985 : i32
      %add3A_987 = arith.constant 16 : i32
      %add3A_988 = arith.addi %add3A_986, %add3A_987 : i32
      %swap3A_989 = arith.index_cast %add3A_988 : i32 to index
      %swap3A_990 = tpu.vector_load %arg12[%swap3A_989] {strides = array<i32>} : memref<53248xf32, #tpu.memory_space<vmem>>, vector<16xf32>,
      tpu.vector_store %arg12[%swap3A_989], %add3A_982 {strides = array<i32>} : memref<53248xf32, #tpu.memory_space<vmem>>, vector<16xf32>,
      %mul3A_991 = arith.mulf %get3A_13, %get3A_962 : vector<16xf32>
      %add3A_992 = arith.addf %get3A_39, %mul3A_991 : vector<16xf32>
      %mul3A_993 = arith.mulf %get3A_15, %get3A_966 : vector<16xf32>
      %add3A_994 = arith.addf %add3A_992, %mul3A_993 : vector<16xf32>
      %mul3A_995 = arith.mulf %get3A_17, %get3A_970 : vector<16xf32>
      %add3A_996 = arith.addf %add3A_994, %mul3A_995 : vector<16xf32>
      %mul3A_997 = arith.mulf %get3A_19, %get3A_974 : vector<16xf32>
      %add3A_998 = arith.addf %add3A_996, %mul3A_997 : vector<16xf32>
      %mul3A_999 = arith.constant 512 : i32
      %mul3A_1000 = arith.muli %multiple_of3A, %mul3A_999 : i32
      %add3A_1001 = arith.constant 128 : i32
      %add3A_1002 = arith.addi %mul3A_1000, %add3A_1001 : i32
      %add3A_1003 = arith.constant 16 : i32
      %add3A_1004 = arith.addi %add3A_1002, %add3A_1003 : i32
      %swap3A_1005 = arith.index_cast %add3A_1004 : i32 to index
      %swap3A_1006 = tpu.vector_load %arg12[%swap3A_1005] {strides = array<i32>} : memref<53248xf32, #tpu.memory_space<vmem>>, vector<16xf32>,
      tpu.vector_store %arg12[%swap3A_1005], %add3A_998 {strides = array<i32>} : memref<53248xf32, #tpu.memory_space<vmem>>, vector<16xf32>,
      %mul3A_1007 = arith.mulf %get3A_21, %get3A_962 : vector<16xf32>
      %add3A_1008 = arith.addf %get3A_41, %mul3A_1007 : vector<16xf32>
      %mul3A_1009 = arith.mulf %get3A_23, %get3A_966 : vector<16xf32>
      %add3A_1010 = arith.addf %add3A_1008, %mul3A_1009 : vector<16xf32>
      %mul3A_1011 = arith.mulf %get3A_25, %get3A_970 : vector<16xf32>
      %add3A_1012 = arith.addf %add3A_1010, %mul3A_1011 : vector<16xf32>
      %mul3A_1013 = arith.mulf %get3A_27, %get3A_974 : vector<16xf32>
      %add3A_1014 = arith.addf %add3A_1012, %mul3A_1013 : vector<16xf32>
      %mul3A_1015 = arith.constant 512 : i32
      %mul3A_1016 = arith.muli %multiple_of3A, %mul3A_1015 : i32
      %add3A_1017 = arith.constant 256 : i32
      %add3A_1018 = arith.addi %mul3A_1016, %add3A_1017 : i32
      %add3A_1019 = arith.constant 16 : i32
      %add3A_1020 = arith.addi %add3A_1018, %add3A_1019 : i32
      %swap3A_1021 = arith.index_cast %add3A_1020 : i32 to index
      %swap3A_1022 = tpu.vector_load %arg12[%swap3A_1021] {strides = array<i32>} : memref<53248xf32, #tpu.memory_space<vmem>>, vector<16xf32>,
      tpu.vector_store %arg12[%swap3A_1021], %add3A_1014 {strides = array<i32>} : memref<53248xf32, #tpu.memory_space<vmem>>, vector<16xf32>,
      %mul3A_1023 = arith.mulf %get3A_29, %get3A_962 : vector<16xf32>
      %add3A_1024 = arith.addf %get3A_43, %mul3A_1023 : vector<16xf32>
      %mul3A_1025 = arith.mulf %get3A_31, %get3A_966 : vector<16xf32>
      %add3A_1026 = arith.addf %add3A_1024, %mul3A_1025 : vector<16xf32>
      %mul3A_1027 = arith.mulf %get3A_33, %get3A_970 : vector<16xf32>
      %add3A_1028 = arith.addf %add3A_1026, %mul3A_1027 : vector<16xf32>
      %mul3A_1029 = arith.mulf %get3A_35, %get3A_974 : vector<16xf32>
      %add3A_1030 = arith.addf %add3A_1028, %mul3A_1029 : vector<16xf32>
      %mul3A_1031 = arith.constant 512 : i32
      %mul3A_1032 = arith.muli %multiple_of3A, %mul3A_1031 : i32
      %add3A_1033 = arith.constant 384 : i32
      %add3A_1034 = arith.addi %mul3A_1032, %add3A_1033 : i32
      %add3A_1035 = arith.constant 16 : i32
      %add3A_1036 = arith.addi %add3A_1034, %add3A_1035 : i32
      %swap3A_1037 = arith.index_cast %add3A_1036 : i32 to index
      %swap3A_1038 = tpu.vector_load %arg12[%swap3A_1037] {strides = array<i32>} : memref<53248xf32, #tpu.memory_space<vmem>>, vector<16xf32>,
      tpu.vector_store %arg12[%swap3A_1037], %add3A_1030 {strides = array<i32>} : memref<53248xf32, #tpu.memory_space<vmem>>, vector<16xf32>,
      %get3A_1039 = arith.constant 0 : i32
      %get3A_1040 = arith.index_cast %get3A_1039 : i32 to index
      %get3A_1041 = arith.constant 32 : index
      %get3A_1042 = tpu.vector_load %arg10[%get3A_1040, %get3A_1041] {strides = array<i32>} : memref<4x128xf32, #tpu.memory_space<vmem>>, vector<16xf32>,
      %get3A_1043 = arith.constant 1 : i32
      %get3A_1044 = arith.index_cast %get3A_1043 : i32 to index
      %get3A_1045 = arith.constant 32 : index
      %get3A_1046 = tpu.vector_load %arg10[%get3A_1044, %get3A_1045] {strides = array<i32>} : memref<4x128xf32, #tpu.memory_space<vmem>>, vector<16xf32>,
      %get3A_1047 = arith.constant 2 : i32
      %get3A_1048 = arith.index_cast %get3A_1047 : i32 to index
      %get3A_1049 = arith.constant 32 : index
      %get3A_1050 = tpu.vector_load %arg10[%get3A_1048, %get3A_1049] {strides = array<i32>} : memref<4x128xf32, #tpu.memory_space<vmem>>, vector<16xf32>,
      %get3A_1051 = arith.constant 3 : i32
      %get3A_1052 = arith.index_cast %get3A_1051 : i32 to index
      %get3A_1053 = arith.constant 32 : index
      %get3A_1054 = tpu.vector_load %arg10[%get3A_1052, %get3A_1053] {strides = array<i32>} : memref<4x128xf32, #tpu.memory_space<vmem>>, vector<16xf32>,
      %mul3A_1055 = arith.mulf %get3A_5, %get3A_1042 : vector<16xf32>
      %add3A_1056 = arith.addf %get3A_37, %mul3A_1055 : vector<16xf32>
      %mul3A_1057 = arith.mulf %get3A_7, %get3A_1046 : vector<16xf32>
      %add3A_1058 = arith.addf %add3A_1056, %mul3A_1057 : vector<16xf32>
      %mul3A_1059 = arith.mulf %get3A_9, %get3A_1050 : vector<16xf32>
      %add3A_1060 = arith.addf %add3A_1058, %mul3A_1059 : vector<16xf32>
      %mul3A_1061 = arith.mulf %get3A_11, %get3A_1054 : vector<16xf32>
      %add3A_1062 = arith.addf %add3A_1060, %mul3A_1061 : vector<16xf32>
      %mul3A_1063 = arith.constant 512 : i32
      %mul3A_1064 = arith.muli %multiple_of3A, %mul3A_1063 : i32
      %add3A_1065 = arith.constant 0 : i32
      %add3A_1066 = arith.addi %mul3A_1064, %add3A_1065 : i32
      %add3A_1067 = arith.constant 32 : i32
      %add3A_1068 = arith.addi %add3A_1066, %add3A_1067 : i32
      %swap3A_1069 = arith.index_cast %add3A_1068 : i32 to index
      %swap3A_1070 = tpu.vector_load %arg12[%swap3A_1069] {strides = array<i32>} : memref<53248xf32, #tpu.memory_space<vmem>>, vector<16xf32>,
      tpu.vector_store %arg12[%swap3A_1069], %add3A_1062 {strides = array<i32>} : memref<53248xf32, #tpu.memory_space<vmem>>, vector<16xf32>,
      %mul3A_1071 = arith.mulf %get3A_13, %get3A_1042 : vector<16xf32>
      %add3A_1072 = arith.addf %get3A_39, %mul3A_1071 : vector<16xf32>
      %mul3A_1073 = arith.mulf %get3A_15, %get3A_1046 : vector<16xf32>
      %add3A_1074 = arith.addf %add3A_1072, %mul3A_1073 : vector<16xf32>
      %mul3A_1075 = arith.mulf %get3A_17, %get3A_1050 : vector<16xf32>
      %add3A_1076 = arith.addf %add3A_1074, %mul3A_1075 : vector<16xf32>
      %mul3A_1077 = arith.mulf %get3A_19, %get3A_1054 : vector<16xf32>
      %add3A_1078 = arith.addf %add3A_1076, %mul3A_1077 : vector<16xf32>
      %mul3A_1079 = arith.constant 512 : i32
      %mul3A_1080 = arith.muli %multiple_of3A, %mul3A_1079 : i32
      %add3A_1081 = arith.constant 128 : i32
      %add3A_1082 = arith.addi %mul3A_1080, %add3A_1081 : i32
      %add3A_1083 = arith.constant 32 : i32
      %add3A_1084 = arith.addi %add3A_1082, %add3A_1083 : i32
      %swap3A_1085 = arith.index_cast %add3A_1084 : i32 to index
      %swap3A_1086 = tpu.vector_load %arg12[%swap3A_1085] {strides = array<i32>} : memref<53248xf32, #tpu.memory_space<vmem>>, vector<16xf32>,
      tpu.vector_store %arg12[%swap3A_1085], %add3A_1078 {strides = array<i32>} : memref<53248xf32, #tpu.memory_space<vmem>>, vector<16xf32>,
      %mul3A_1087 = arith.mulf %get3A_21, %get3A_1042 : vector<16xf32>
      %add3A_1088 = arith.addf %get3A_41, %mul3A_1087 : vector<16xf32>
      %mul3A_1089 = arith.mulf %get3A_23, %get3A_1046 : vector<16xf32>
      %add3A_1090 = arith.addf %add3A_1088, %mul3A_1089 : vector<16xf32>
      %mul3A_1091 = arith.mulf %get3A_25, %get3A_1050 : vector<16xf32>
      %add3A_1092 = arith.addf %add3A_1090, %mul3A_1091 : vector<16xf32>
      %mul3A_1093 = arith.mulf %get3A_27, %get3A_1054 : vector<16xf32>
      %add3A_1094 = arith.addf %add3A_1092, %mul3A_1093 : vector<16xf32>
      %mul3A_1095 = arith.constant 512 : i32
      %mul3A_1096 = arith.muli %multiple_of3A, %mul3A_1095 : i32
      %add3A_1097 = arith.constant 256 : i32
      %add3A_1098 = arith.addi %mul3A_1096, %add3A_1097 : i32
      %add3A_1099 = arith.constant 32 : i32
      %add3A_1100 = arith.addi %add3A_1098, %add3A_1099 : i32
      %swap3A_1101 = arith.index_cast %add3A_1100 : i32 to index
      %swap3A_1102 = tpu.vector_load %arg12[%swap3A_1101] {strides = array<i32>} : memref<53248xf32, #tpu.memory_space<vmem>>, vector<16xf32>,
      tpu.vector_store %arg12[%swap3A_1101], %add3A_1094 {strides = array<i32>} : memref<53248xf32, #tpu.memory_space<vmem>>, vector<16xf32>,
      %mul3A_1103 = arith.mulf %get3A_29, %get3A_1042 : vector<16xf32>
      %add3A_1104 = arith.addf %get3A_43, %mul3A_1103 : vector<16xf32>
      %mul3A_1105 = arith.mulf %get3A_31, %get3A_1046 : vector<16xf32>
      %add3A_1106 = arith.addf %add3A_1104, %mul3A_1105 : vector<16xf32>
      %mul3A_1107 = arith.mulf %get3A_33, %get3A_1050 : vector<16xf32>
      %add3A_1108 = arith.addf %add3A_1106, %mul3A_1107 : vector<16xf32>
      %mul3A_1109 = arith.mulf %get3A_35, %get3A_1054 : vector<16xf32>
      %add3A_1110 = arith.addf %add3A_1108, %mul3A_1109 : vector<16xf32>
      %mul3A_1111 = arith.constant 512 : i32
      %mul3A_1112 = arith.muli %multiple_of3A, %mul3A_1111 : i32
      %add3A_1113 = arith.constant 384 : i32
      %add3A_1114 = arith.addi %mul3A_1112, %add3A_1113 : i32
      %add3A_1115 = arith.constant 32 : i32
      %add3A_1116 = arith.addi %add3A_1114, %add3A_1115 : i32
      %swap3A_1117 = arith.index_cast %add3A_1116 : i32 to index
      %swap3A_1118 = tpu.vector_load %arg12[%swap3A_1117] {strides = array<i32>} : memref<53248xf32, #tpu.memory_space<vmem>>, vector<16xf32>,
      tpu.vector_store %arg12[%swap3A_1117], %add3A_1110 {strides = array<i32>} : memref<53248xf32, #tpu.memory_space<vmem>>, vector<16xf32>,
      %get3A_1119 = arith.constant 0 : i32
      %get3A_1120 = arith.index_cast %get3A_1119 : i32 to index
      %get3A_1121 = arith.constant 48 : index
      %get3A_1122 = tpu.vector_load %arg10[%get3A_1120, %get3A_1121] {strides = array<i32>} : memref<4x128xf32, #tpu.memory_space<vmem>>, vector<16xf32>,
      %get3A_1123 = arith.constant 1 : i32
      %get3A_1124 = arith.index_cast %get3A_1123 : i32 to index
      %get3A_1125 = arith.constant 48 : index
      %get3A_1126 = tpu.vector_load %arg10[%get3A_1124, %get3A_1125] {strides = array<i32>} : memref<4x128xf32, #tpu.memory_space<vmem>>, vector<16xf32>,
      %get3A_1127 = arith.constant 2 : i32
      %get3A_1128 = arith.index_cast %get3A_1127 : i32 to index
      %get3A_1129 = arith.constant 48 : index
      %get3A_1130 = tpu.vector_load %arg10[%get3A_1128, %get3A_1129] {strides = array<i32>} : memref<4x128xf32, #tpu.memory_space<vmem>>, vector<16xf32>,
      %get3A_1131 = arith.constant 3 : i32
      %get3A_1132 = arith.index_cast %get3A_1131 : i32 to index
      %get3A_1133 = arith.constant 48 : index
      %get3A_1134 = tpu.vector_load %arg10[%get3A_1132, %get3A_1133] {strides = array<i32>} : memref<4x128xf32, #tpu.memory_space<vmem>>, vector<16xf32>,
      %mul3A_1135 = arith.mulf %get3A_5, %get3A_1122 : vector<16xf32>
      %add3A_1136 = arith.addf %get3A_37, %mul3A_1135 : vector<16xf32>
      %mul3A_1137 = arith.mulf %get3A_7, %get3A_1126 : vector<16xf32>
      %add3A_1138 = arith.addf %add3A_1136, %mul3A_1137 : vector<16xf32>
      %mul3A_1139 = arith.mulf %get3A_9, %get3A_1130 : vector<16xf32>
      %add3A_1140 = arith.addf %add3A_1138, %mul3A_1139 : vector<16xf32>
      %mul3A_1141 = arith.mulf %get3A_11, %get3A_1134 : vector<16xf32>
      %add3A_1142 = arith.addf %add3A_1140, %mul3A_1141 : vector<16xf32>
      %mul3A_1143 = arith.constant 512 : i32
      %mul3A_1144 = arith.muli %multiple_of3A, %mul3A_1143 : i32
      %add3A_1145 = arith.constant 0 : i32
      %add3A_1146 = arith.addi %mul3A_1144, %add3A_1145 : i32
      %add3A_1147 = arith.constant 48 : i32
      %add3A_1148 = arith.addi %add3A_1146, %add3A_1147 : i32
      %swap3A_1149 = arith.index_cast %add3A_1148 : i32 to index
      %swap3A_1150 = tpu.vector_load %arg12[%swap3A_1149] {strides = array<i32>} : memref<53248xf32, #tpu.memory_space<vmem>>, vector<16xf32>,
      tpu.vector_store %arg12[%swap3A_1149], %add3A_1142 {strides = array<i32>} : memref<53248xf32, #tpu.memory_space<vmem>>, vector<16xf32>,
      %mul3A_1151 = arith.mulf %get3A_13, %get3A_1122 : vector<16xf32>
      %add3A_1152 = arith.addf %get3A_39, %mul3A_1151 : vector<16xf32>
      %mul3A_1153 = arith.mulf %get3A_15, %get3A_1126 : vector<16xf32>
      %add3A_1154 = arith.addf %add3A_1152, %mul3A_1153 : vector<16xf32>
      %mul3A_1155 = arith.mulf %get3A_17, %get3A_1130 : vector<16xf32>
      %add3A_1156 = arith.addf %add3A_1154, %mul3A_1155 : vector<16xf32>
      %mul3A_1157 = arith.mulf %get3A_19, %get3A_1134 : vector<16xf32>
      %add3A_1158 = arith.addf %add3A_1156, %mul3A_1157 : vector<16xf32>
      %mul3A_1159 = arith.constant 512 : i32
      %mul3A_1160 = arith.muli %multiple_of3A, %mul3A_1159 : i32
      %add3A_1161 = arith.constant 128 : i32
      %add3A_1162 = arith.addi %mul3A_1160, %add3A_1161 : i32
      %add3A_1163 = arith.constant 48 : i32
      %add3A_1164 = arith.addi %add3A_1162, %add3A_1163 : i32
      %swap3A_1165 = arith.index_cast %add3A_1164 : i32 to index
      %swap3A_1166 = tpu.vector_load %arg12[%swap3A_1165] {strides = array<i32>} : memref<53248xf32, #tpu.memory_space<vmem>>, vector<16xf32>,
      tpu.vector_store %arg12[%swap3A_1165], %add3A_1158 {strides = array<i32>} : memref<53248xf32, #tpu.memory_space<vmem>>, vector<16xf32>,
      %mul3A_1167 = arith.mulf %get3A_21, %get3A_1122 : vector<16xf32>
      %add3A_1168 = arith.addf %get3A_41, %mul3A_1167 : vector<16xf32>
      %mul3A_1169 = arith.mulf %get3A_23, %get3A_1126 : vector<16xf32>
      %add3A_1170 = arith.addf %add3A_1168, %mul3A_1169 : vector<16xf32>
      %mul3A_1171 = arith.mulf %get3A_25, %get3A_1130 : vector<16xf32>
      %add3A_1172 = arith.addf %add3A_1170, %mul3A_1171 : vector<16xf32>
      %mul3A_1173 = arith.mulf %get3A_27, %get3A_1134 : vector<16xf32>
      %add3A_1174 = arith.addf %add3A_1172, %mul3A_1173 : vector<16xf32>
      %mul3A_1175 = arith.constant 512 : i32
      %mul3A_1176 = arith.muli %multiple_of3A, %mul3A_1175 : i32
      %add3A_1177 = arith.constant 256 : i32
      %add3A_1178 = arith.addi %mul3A_1176, %add3A_1177 : i32
      %add3A_1179 = arith.constant 48 : i32
      %add3A_1180 = arith.addi %add3A_1178, %add3A_1179 : i32
      %swap3A_1181 = arith.index_cast %add3A_1180 : i32 to index
      %swap3A_1182 = tpu.vector_load %arg12[%swap3A_1181] {strides = array<i32>} : memref<53248xf32, #tpu.memory_space<vmem>>, vector<16xf32>,
      tpu.vector_store %arg12[%swap3A_1181], %add3A_1174 {strides = array<i32>} : memref<53248xf32, #tpu.memory_space<vmem>>, vector<16xf32>,
      %mul3A_1183 = arith.mulf %get3A_29, %get3A_1122 : vector<16xf32>
      %add3A_1184 = arith.addf %get3A_43, %mul3A_1183 : vector<16xf32>
      %mul3A_1185 = arith.mulf %get3A_31, %get3A_1126 : vector<16xf32>
      %add3A_1186 = arith.addf %add3A_1184, %mul3A_1185 : vector<16xf32>
      %mul3A_1187 = arith.mulf %get3A_33, %get3A_1130 : vector<16xf32>
      %add3A_1188 = arith.addf %add3A_1186, %mul3A_1187 : vector<16xf32>
      %mul3A_1189 = arith.mulf %get3A_35, %get3A_1134 : vector<16xf32>
      %add3A_1190 = arith.addf %add3A_1188, %mul3A_1189 : vector<16xf32>
      %mul3A_1191 = arith.constant 512 : i32
      %mul3A_1192 = arith.muli %multiple_of3A, %mul3A_1191 : i32
      %add3A_1193 = arith.constant 384 : i32
      %add3A_1194 = arith.addi %mul3A_1192, %add3A_1193 : i32
      %add3A_1195 = arith.constant 48 : i32
      %add3A_1196 = arith.addi %add3A_1194, %add3A_1195 : i32
      %swap3A_1197 = arith.index_cast %add3A_1196 : i32 to index
      %swap3A_1198 = tpu.vector_load %arg12[%swap3A_1197] {strides = array<i32>} : memref<53248xf32, #tpu.memory_space<vmem>>, vector<16xf32>,
      tpu.vector_store %arg12[%swap3A_1197], %add3A_1190 {strides = array<i32>} : memref<53248xf32, #tpu.memory_space<vmem>>, vector<16xf32>,
      %get3A_1199 = arith.constant 0 : i32
      %get3A_1200 = arith.index_cast %get3A_1199 : i32 to index
      %get3A_1201 = arith.constant 64 : index
      %get3A_1202 = tpu.vector_load %arg10[%get3A_1200, %get3A_1201] {strides = array<i32>} : memref<4x128xf32, #tpu.memory_space<vmem>>, vector<16xf32>,
      %get3A_1203 = arith.constant 1 : i32
      %get3A_1204 = arith.index_cast %get3A_1203 : i32 to index
      %get3A_1205 = arith.constant 64 : index
      %get3A_1206 = tpu.vector_load %arg10[%get3A_1204, %get3A_1205] {strides = array<i32>} : memref<4x128xf32, #tpu.memory_space<vmem>>, vector<16xf32>,
      %get3A_1207 = arith.constant 2 : i32
      %get3A_1208 = arith.index_cast %get3A_1207 : i32 to index
      %get3A_1209 = arith.constant 64 : index
      %get3A_1210 = tpu.vector_load %arg10[%get3A_1208, %get3A_1209] {strides = array<i32>} : memref<4x128xf32, #tpu.memory_space<vmem>>, vector<16xf32>,
      %get3A_1211 = arith.constant 3 : i32
      %get3A_1212 = arith.index_cast %get3A_1211 : i32 to index
      %get3A_1213 = arith.constant 64 : index
      %get3A_1214 = tpu.vector_load %arg10[%get3A_1212, %get3A_1213] {strides = array<i32>} : memref<4x128xf32, #tpu.memory_space<vmem>>, vector<16xf32>,
      %mul3A_1215 = arith.mulf %get3A_5, %get3A_1202 : vector<16xf32>
      %add3A_1216 = arith.addf %get3A_37, %mul3A_1215 : vector<16xf32>
      %mul3A_1217 = arith.mulf %get3A_7, %get3A_1206 : vector<16xf32>
      %add3A_1218 = arith.addf %add3A_1216, %mul3A_1217 : vector<16xf32>
      %mul3A_1219 = arith.mulf %get3A_9, %get3A_1210 : vector<16xf32>
      %add3A_1220 = arith.addf %add3A_1218, %mul3A_1219 : vector<16xf32>
      %mul3A_1221 = arith.mulf %get3A_11, %get3A_1214 : vector<16xf32>
      %add3A_1222 = arith.addf %add3A_1220, %mul3A_1221 : vector<16xf32>
      %mul3A_1223 = arith.constant 512 : i32
      %mul3A_1224 = arith.muli %multiple_of3A, %mul3A_1223 : i32
      %add3A_1225 = arith.constant 0 : i32
      %add3A_1226 = arith.addi %mul3A_1224, %add3A_1225 : i32
      %add3A_1227 = arith.constant 64 : i32
      %add3A_1228 = arith.addi %add3A_1226, %add3A_1227 : i32
      %swap3A_1229 = arith.index_cast %add3A_1228 : i32 to index
      %swap3A_1230 = tpu.vector_load %arg12[%swap3A_1229] {strides = array<i32>} : memref<53248xf32, #tpu.memory_space<vmem>>, vector<16xf32>,
      tpu.vector_store %arg12[%swap3A_1229], %add3A_1222 {strides = array<i32>} : memref<53248xf32, #tpu.memory_space<vmem>>, vector<16xf32>,
      %mul3A_1231 = arith.mulf %get3A_13, %get3A_1202 : vector<16xf32>
      %add3A_1232 = arith.addf %get3A_39, %mul3A_1231 : vector<16xf32>
      %mul3A_1233 = arith.mulf %get3A_15, %get3A_1206 : vector<16xf32>
      %add3A_1234 = arith.addf %add3A_1232, %mul3A_1233 : vector<16xf32>
      %mul3A_1235 = arith.mulf %get3A_17, %get3A_1210 : vector<16xf32>
      %add3A_1236 = arith.addf %add3A_1234, %mul3A_1235 : vector<16xf32>
      %mul3A_1237 = arith.mulf %get3A_19, %get3A_1214 : vector<16xf32>
      %add3A_1238 = arith.addf %add3A_1236, %mul3A_1237 : vector<16xf32>
      %mul3A_1239 = arith.constant 512 : i32
      %mul3A_1240 = arith.muli %multiple_of3A, %mul3A_1239 : i32
      %add3A_1241 = arith.constant 128 : i32
      %add3A_1242 = arith.addi %mul3A_1240, %add3A_1241 : i32
      %add3A_1243 = arith.constant 64 : i32
      %add3A_1244 = arith.addi %add3A_1242, %add3A_1243 : i32
      %swap3A_1245 = arith.index_cast %add3A_1244 : i32 to index
      %swap3A_1246 = tpu.vector_load %arg12[%swap3A_1245] {strides = array<i32>} : memref<53248xf32, #tpu.memory_space<vmem>>, vector<16xf32>,
      tpu.vector_store %arg12[%swap3A_1245], %add3A_1238 {strides = array<i32>} : memref<53248xf32, #tpu.memory_space<vmem>>, vector<16xf32>,
      %mul3A_1247 = arith.mulf %get3A_21, %get3A_1202 : vector<16xf32>
      %add3A_1248 = arith.addf %get3A_41, %mul3A_1247 : vector<16xf32>
      %mul3A_1249 = arith.mulf %get3A_23, %get3A_1206 : vector<16xf32>
      %add3A_1250 = arith.addf %add3A_1248, %mul3A_1249 : vector<16xf32>
      %mul3A_1251 = arith.mulf %get3A_25, %get3A_1210 : vector<16xf32>
      %add3A_1252 = arith.addf %add3A_1250, %mul3A_1251 : vector<16xf32>
      %mul3A_1253 = arith.mulf %get3A_27, %get3A_1214 : vector<16xf32>
      %add3A_1254 = arith.addf %add3A_1252, %mul3A_1253 : vector<16xf32>
      %mul3A_1255 = arith.constant 512 : i32
      %mul3A_1256 = arith.muli %multiple_of3A, %mul3A_1255 : i32
      %add3A_1257 = arith.constant 256 : i32
      %add3A_1258 = arith.addi %mul3A_1256, %add3A_1257 : i32
      %add3A_1259 = arith.constant 64 : i32
      %add3A_1260 = arith.addi %add3A_1258, %add3A_1259 : i32
      %swap3A_1261 = arith.index_cast %add3A_1260 : i32 to index
      %swap3A_1262 = tpu.vector_load %arg12[%swap3A_1261] {strides = array<i32>} : memref<53248xf32, #tpu.memory_space<vmem>>, vector<16xf32>,
      tpu.vector_store %arg12[%swap3A_1261], %add3A_1254 {strides = array<i32>} : memref<53248xf32, #tpu.memory_space<vmem>>, vector<16xf32>,
      %mul3A_1263 = arith.mulf %get3A_29, %get3A_1202 : vector<16xf32>
      %add3A_1264 = arith.addf %get3A_43, %mul3A_1263 : vector<16xf32>
      %mul3A_1265 = arith.mulf %get3A_31, %get3A_1206 : vector<16xf32>
      %add3A_1266 = arith.addf %add3A_1264, %mul3A_1265 : vector<16xf32>
      %mul3A_1267 = arith.mulf %get3A_33, %get3A_1210 : vector<16xf32>
      %add3A_1268 = arith.addf %add3A_1266, %mul3A_1267 : vector<16xf32>
      %mul3A_1269 = arith.mulf %get3A_35, %get3A_1214 : vector<16xf32>
      %add3A_1270 = arith.addf %add3A_1268, %mul3A_1269 : vector<16xf32>
      %mul3A_1271 = arith.constant 512 : i32
      %mul3A_1272 = arith.muli %multiple_of3A, %mul3A_1271 : i32
      %add3A_1273 = arith.constant 384 : i32
      %add3A_1274 = arith.addi %mul3A_1272, %add3A_1273 : i32
      %add3A_1275 = arith.constant 64 : i32
      %add3A_1276 = arith.addi %add3A_1274, %add3A_1275 : i32
      %swap3A_1277 = arith.index_cast %add3A_1276 : i32 to index
      %swap3A_1278 = tpu.vector_load %arg12[%swap3A_1277] {strides = array<i32>} : memref<53248xf32, #tpu.memory_space<vmem>>, vector<16xf32>,
      tpu.vector_store %arg12[%swap3A_1277], %add3A_1270 {strides = array<i32>} : memref<53248xf32, #tpu.memory_space<vmem>>, vector<16xf32>,
      %get3A_1279 = arith.constant 0 : i32
      %get3A_1280 = arith.index_cast %get3A_1279 : i32 to index
      %get3A_1281 = arith.constant 80 : index
      %get3A_1282 = tpu.vector_load %arg10[%get3A_1280, %get3A_1281] {strides = array<i32>} : memref<4x128xf32, #tpu.memory_space<vmem>>, vector<16xf32>,
      %get3A_1283 = arith.constant 1 : i32
      %get3A_1284 = arith.index_cast %get3A_1283 : i32 to index
      %get3A_1285 = arith.constant 80 : index
      %get3A_1286 = tpu.vector_load %arg10[%get3A_1284, %get3A_1285] {strides = array<i32>} : memref<4x128xf32, #tpu.memory_space<vmem>>, vector<16xf32>,
      %get3A_1287 = arith.constant 2 : i32
      %get3A_1288 = arith.index_cast %get3A_1287 : i32 to index
      %get3A_1289 = arith.constant 80 : index
      %get3A_1290 = tpu.vector_load %arg10[%get3A_1288, %get3A_1289] {strides = array<i32>} : memref<4x128xf32, #tpu.memory_space<vmem>>, vector<16xf32>,
      %get3A_1291 = arith.constant 3 : i32
      %get3A_1292 = arith.index_cast %get3A_1291 : i32 to index
      %get3A_1293 = arith.constant 80 : index
      %get3A_1294 = tpu.vector_load %arg10[%get3A_1292, %get3A_1293] {strides = array<i32>} : memref<4x128xf32, #tpu.memory_space<vmem>>, vector<16xf32>,
      %mul3A_1295 = arith.mulf %get3A_5, %get3A_1282 : vector<16xf32>
      %add3A_1296 = arith.addf %get3A_37, %mul3A_1295 : vector<16xf32>
      %mul3A_1297 = arith.mulf %get3A_7, %get3A_1286 : vector<16xf32>
      %add3A_1298 = arith.addf %add3A_1296, %mul3A_1297 : vector<16xf32>
      %mul3A_1299 = arith.mulf %get3A_9, %get3A_1290 : vector<16xf32>
      %add3A_1300 = arith.addf %add3A_1298, %mul3A_1299 : vector<16xf32>
      %mul3A_1301 = arith.mulf %get3A_11, %get3A_1294 : vector<16xf32>
      %add3A_1302 = arith.addf %add3A_1300, %mul3A_1301 : vector<16xf32>
      %mul3A_1303 = arith.constant 512 : i32
      %mul3A_1304 = arith.muli %multiple_of3A, %mul3A_1303 : i32
      %add3A_1305 = arith.constant 0 : i32
      %add3A_1306 = arith.addi %mul3A_1304, %add3A_1305 : i32
      %add3A_1307 = arith.constant 80 : i32
      %add3A_1308 = arith.addi %add3A_1306, %add3A_1307 : i32
      %swap3A_1309 = arith.index_cast %add3A_1308 : i32 to index
      %swap3A_1310 = tpu.vector_load %arg12[%swap3A_1309] {strides = array<i32>} : memref<53248xf32, #tpu.memory_space<vmem>>, vector<16xf32>,
      tpu.vector_store %arg12[%swap3A_1309], %add3A_1302 {strides = array<i32>} : memref<53248xf32, #tpu.memory_space<vmem>>, vector<16xf32>,
      %mul3A_1311 = arith.mulf %get3A_13, %get3A_1282 : vector<16xf32>
      %add3A_1312 = arith.addf %get3A_39, %mul3A_1311 : vector<16xf32>
      %mul3A_1313 = arith.mulf %get3A_15, %get3A_1286 : vector<16xf32>
      %add3A_1314 = arith.addf %add3A_1312, %mul3A_1313 : vector<16xf32>
      %mul3A_1315 = arith.mulf %get3A_17, %get3A_1290 : vector<16xf32>
      %add3A_1316 = arith.addf %add3A_1314, %mul3A_1315 : vector<16xf32>
      %mul3A_1317 = arith.mulf %get3A_19, %get3A_1294 : vector<16xf32>
      %add3A_1318 = arith.addf %add3A_1316, %mul3A_1317 : vector<16xf32>
      %mul3A_1319 = arith.constant 512 : i32
      %mul3A_1320 = arith.muli %multiple_of3A, %mul3A_1319 : i32
      %add3A_1321 = arith.constant 128 : i32
      %add3A_1322 = arith.addi %mul3A_1320, %add3A_1321 : i32
      %add3A_1323 = arith.constant 80 : i32
      %add3A_1324 = arith.addi %add3A_1322, %add3A_1323 : i32
      %swap3A_1325 = arith.index_cast %add3A_1324 : i32 to index
      %swap3A_1326 = tpu.vector_load %arg12[%swap3A_1325] {strides = array<i32>} : memref<53248xf32, #tpu.memory_space<vmem>>, vector<16xf32>,
      tpu.vector_store %arg12[%swap3A_1325], %add3A_1318 {strides = array<i32>} : memref<53248xf32, #tpu.memory_space<vmem>>, vector<16xf32>,
      %mul3A_1327 = arith.mulf %get3A_21, %get3A_1282 : vector<16xf32>
      %add3A_1328 = arith.addf %get3A_41, %mul3A_1327 : vector<16xf32>
      %mul3A_1329 = arith.mulf %get3A_23, %get3A_1286 : vector<16xf32>
      %add3A_1330 = arith.addf %add3A_1328, %mul3A_1329 : vector<16xf32>
      %mul3A_1331 = arith.mulf %get3A_25, %get3A_1290 : vector<16xf32>
      %add3A_1332 = arith.addf %add3A_1330, %mul3A_1331 : vector<16xf32>
      %mul3A_1333 = arith.mulf %get3A_27, %get3A_1294 : vector<16xf32>
      %add3A_1334 = arith.addf %add3A_1332, %mul3A_1333 : vector<16xf32>
      %mul3A_1335 = arith.constant 512 : i32
      %mul3A_1336 = arith.muli %multiple_of3A, %mul3A_1335 : i32
      %add3A_1337 = arith.constant 256 : i32
      %add3A_1338 = arith.addi %mul3A_1336, %add3A_1337 : i32
      %add3A_1339 = arith.constant 80 : i32
      %add3A_1340 = arith.addi %add3A_1338, %add3A_1339 : i32
      %swap3A_1341 = arith.index_cast %add3A_1340 : i32 to index
      %swap3A_1342 = tpu.vector_load %arg12[%swap3A_1341] {strides = array<i32>} : memref<53248xf32, #tpu.memory_space<vmem>>, vector<16xf32>,
      tpu.vector_store %arg12[%swap3A_1341], %add3A_1334 {strides = array<i32>} : memref<53248xf32, #tpu.memory_space<vmem>>, vector<16xf32>,
      %mul3A_1343 = arith.mulf %get3A_29, %get3A_1282 : vector<16xf32>
      %add3A_1344 = arith.addf %get3A_43, %mul3A_1343 : vector<16xf32>
      %mul3A_1345 = arith.mulf %get3A_31, %get3A_1286 : vector<16xf32>
      %add3A_1346 = arith.addf %add3A_1344, %mul3A_1345 : vector<16xf32>
      %mul3A_1347 = arith.mulf %get3A_33, %get3A_1290 : vector<16xf32>
      %add3A_1348 = arith.addf %add3A_1346, %mul3A_1347 : vector<16xf32>
      %mul3A_1349 = arith.mulf %get3A_35, %get3A_1294 : vector<16xf32>
      %add3A_1350 = arith.addf %add3A_1348, %mul3A_1349 : vector<16xf32>
      %mul3A_1351 = arith.constant 512 : i32
      %mul3A_1352 = arith.muli %multiple_of3A, %mul3A_1351 : i32
      %add3A_1353 = arith.constant 384 : i32
      %add3A_1354 = arith.addi %mul3A_1352, %add3A_1353 : i32
      %add3A_1355 = arith.constant 80 : i32
      %add3A_1356 = arith.addi %add3A_1354, %add3A_1355 : i32
      %swap3A_1357 = arith.index_cast %add3A_1356 : i32 to index
      %swap3A_1358 = tpu.vector_load %arg12[%swap3A_1357] {strides = array<i32>} : memref<53248xf32, #tpu.memory_space<vmem>>, vector<16xf32>,
      tpu.vector_store %arg12[%swap3A_1357], %add3A_1350 {strides = array<i32>} : memref<53248xf32, #tpu.memory_space<vmem>>, vector<16xf32>,
      %get3A_1359 = arith.constant 0 : i32
      %get3A_1360 = arith.index_cast %get3A_1359 : i32 to index
      %get3A_1361 = arith.constant 96 : index
      %get3A_1362 = tpu.vector_load %arg10[%get3A_1360, %get3A_1361] {strides = array<i32>} : memref<4x128xf32, #tpu.memory_space<vmem>>, vector<16xf32>,
      %get3A_1363 = arith.constant 1 : i32
      %get3A_1364 = arith.index_cast %get3A_1363 : i32 to index
      %get3A_1365 = arith.constant 96 : index
      %get3A_1366 = tpu.vector_load %arg10[%get3A_1364, %get3A_1365] {strides = array<i32>} : memref<4x128xf32, #tpu.memory_space<vmem>>, vector<16xf32>,
      %get3A_1367 = arith.constant 2 : i32
      %get3A_1368 = arith.index_cast %get3A_1367 : i32 to index
      %get3A_1369 = arith.constant 96 : index
      %get3A_1370 = tpu.vector_load %arg10[%get3A_1368, %get3A_1369] {strides = array<i32>} : memref<4x128xf32, #tpu.memory_space<vmem>>, vector<16xf32>,
      %get3A_1371 = arith.constant 3 : i32
      %get3A_1372 = arith.index_cast %get3A_1371 : i32 to index
      %get3A_1373 = arith.constant 96 : index
      %get3A_1374 = tpu.vector_load %arg10[%get3A_1372, %get3A_1373] {strides = array<i32>} : memref<4x128xf32, #tpu.memory_space<vmem>>, vector<16xf32>,
      %mul3A_1375 = arith.mulf %get3A_5, %get3A_1362 : vector<16xf32>
      %add3A_1376 = arith.addf %get3A_37, %mul3A_1375 : vector<16xf32>
      %mul3A_1377 = arith.mulf %get3A_7, %get3A_1366 : vector<16xf32>
      %add3A_1378 = arith.addf %add3A_1376, %mul3A_1377 : vector<16xf32>
      %mul3A_1379 = arith.mulf %get3A_9, %get3A_1370 : vector<16xf32>
      %add3A_1380 = arith.addf %add3A_1378, %mul3A_1379 : vector<16xf32>
      %mul3A_1381 = arith.mulf %get3A_11, %get3A_1374 : vector<16xf32>
      %add3A_1382 = arith.addf %add3A_1380, %mul3A_1381 : vector<16xf32>
      %mul3A_1383 = arith.constant 512 : i32
      %mul3A_1384 = arith.muli %multiple_of3A, %mul3A_1383 : i32
      %add3A_1385 = arith.constant 0 : i32
      %add3A_1386 = arith.addi %mul3A_1384, %add3A_1385 : i32
      %add3A_1387 = arith.constant 96 : i32
      %add3A_1388 = arith.addi %add3A_1386, %add3A_1387 : i32
      %swap3A_1389 = arith.index_cast %add3A_1388 : i32 to index
      %swap3A_1390 = tpu.vector_load %arg12[%swap3A_1389] {strides = array<i32>} : memref<53248xf32, #tpu.memory_space<vmem>>, vector<16xf32>,
      tpu.vector_store %arg12[%swap3A_1389], %add3A_1382 {strides = array<i32>} : memref<53248xf32, #tpu.memory_space<vmem>>, vector<16xf32>,
      %mul3A_1391 = arith.mulf %get3A_13, %get3A_1362 : vector<16xf32>
      %add3A_1392 = arith.addf %get3A_39, %mul3A_1391 : vector<16xf32>
      %mul3A_1393 = arith.mulf %get3A_15, %get3A_1366 : vector<16xf32>
      %add3A_1394 = arith.addf %add3A_1392, %mul3A_1393 : vector<16xf32>
      %mul3A_1395 = arith.mulf %get3A_17, %get3A_1370 : vector<16xf32>
      %add3A_1396 = arith.addf %add3A_1394, %mul3A_1395 : vector<16xf32>
      %mul3A_1397 = arith.mulf %get3A_19, %get3A_1374 : vector<16xf32>
      %add3A_1398 = arith.addf %add3A_1396, %mul3A_1397 : vector<16xf32>
      %mul3A_1399 = arith.constant 512 : i32
      %mul3A_1400 = arith.muli %multiple_of3A, %mul3A_1399 : i32
      %add3A_1401 = arith.constant 128 : i32
      %add3A_1402 = arith.addi %mul3A_1400, %add3A_1401 : i32
      %add3A_1403 = arith.constant 96 : i32
      %add3A_1404 = arith.addi %add3A_1402, %add3A_1403 : i32
      %swap3A_1405 = arith.index_cast %add3A_1404 : i32 to index
      %swap3A_1406 = tpu.vector_load %arg12[%swap3A_1405] {strides = array<i32>} : memref<53248xf32, #tpu.memory_space<vmem>>, vector<16xf32>,
      tpu.vector_store %arg12[%swap3A_1405], %add3A_1398 {strides = array<i32>} : memref<53248xf32, #tpu.memory_space<vmem>>, vector<16xf32>,
      %mul3A_1407 = arith.mulf %get3A_21, %get3A_1362 : vector<16xf32>
      %add3A_1408 = arith.addf %get3A_41, %mul3A_1407 : vector<16xf32>
      %mul3A_1409 = arith.mulf %get3A_23, %get3A_1366 : vector<16xf32>
      %add3A_1410 = arith.addf %add3A_1408, %mul3A_1409 : vector<16xf32>
      %mul3A_1411 = arith.mulf %get3A_25, %get3A_1370 : vector<16xf32>
      %add3A_1412 = arith.addf %add3A_1410, %mul3A_1411 : vector<16xf32>
      %mul3A_1413 = arith.mulf %get3A_27, %get3A_1374 : vector<16xf32>
      %add3A_1414 = arith.addf %add3A_1412, %mul3A_1413 : vector<16xf32>
      %mul3A_1415 = arith.constant 512 : i32
      %mul3A_1416 = arith.muli %multiple_of3A, %mul3A_1415 : i32
      %add3A_1417 = arith.constant 256 : i32
      %add3A_1418 = arith.addi %mul3A_1416, %add3A_1417 : i32
      %add3A_1419 = arith.constant 96 : i32
      %add3A_1420 = arith.addi %add3A_1418, %add3A_1419 : i32
      %swap3A_1421 = arith.index_cast %add3A_1420 : i32 to index
      %swap3A_1422 = tpu.vector_load %arg12[%swap3A_1421] {strides = array<i32>} : memref<53248xf32, #tpu.memory_space<vmem>>, vector<16xf32>,
      tpu.vector_store %arg12[%swap3A_1421], %add3A_1414 {strides = array<i32>} : memref<53248xf32, #tpu.memory_space<vmem>>, vector<16xf32>,
      %mul3A_1423 = arith.mulf %get3A_29, %get3A_1362 : vector<16xf32>
      %add3A_1424 = arith.addf %get3A_43, %mul3A_1423 : vector<16xf32>
      %mul3A_1425 = arith.mulf %get3A_31, %get3A_1366 : vector<16xf32>
      %add3A_1426 = arith.addf %add3A_1424, %mul3A_1425 : vector<16xf32>
      %mul3A_1427 = arith.mulf %get3A_33, %get3A_1370 : vector<16xf32>
      %add3A_1428 = arith.addf %add3A_1426, %mul3A_1427 : vector<16xf32>
      %mul3A_1429 = arith.mulf %get3A_35, %get3A_1374 : vector<16xf32>
      %add3A_1430 = arith.addf %add3A_1428, %mul3A_1429 : vector<16xf32>
      %mul3A_1431 = arith.constant 512 : i32
      %mul3A_1432 = arith.muli %multiple_of3A, %mul3A_1431 : i32
      %add3A_1433 = arith.constant 384 : i32
      %add3A_1434 = arith.addi %mul3A_1432, %add3A_1433 : i32
      %add3A_1435 = arith.constant 96 : i32
      %add3A_1436 = arith.addi %add3A_1434, %add3A_1435 : i32
      %swap3A_1437 = arith.index_cast %add3A_1436 : i32 to index
      %swap3A_1438 = tpu.vector_load %arg12[%swap3A_1437] {strides = array<i32>} : memref<53248xf32, #tpu.memory_space<vmem>>, vector<16xf32>,
      tpu.vector_store %arg12[%swap3A_1437], %add3A_1430 {strides = array<i32>} : memref<53248xf32, #tpu.memory_space<vmem>>, vector<16xf32>,
      %get3A_1439 = arith.constant 0 : i32
      %get3A_1440 = arith.index_cast %get3A_1439 : i32 to index
      %get3A_1441 = arith.constant 112 : index
      %get3A_1442 = tpu.vector_load %arg10[%get3A_1440, %get3A_1441] {strides = array<i32>} : memref<4x128xf32, #tpu.memory_space<vmem>>, vector<16xf32>,
      %get3A_1443 = arith.constant 1 : i32
      %get3A_1444 = arith.index_cast %get3A_1443 : i32 to index
      %get3A_1445 = arith.constant 112 : index
      %get3A_1446 = tpu.vector_load %arg10[%get3A_1444, %get3A_1445] {strides = array<i32>} : memref<4x128xf32, #tpu.memory_space<vmem>>, vector<16xf32>,
      %get3A_1447 = arith.constant 2 : i32
      %get3A_1448 = arith.index_cast %get3A_1447 : i32 to index
      %get3A_1449 = arith.constant 112 : index
      %get3A_1450 = tpu.vector_load %arg10[%get3A_1448, %get3A_1449] {strides = array<i32>} : memref<4x128xf32, #tpu.memory_space<vmem>>, vector<16xf32>,
      %get3A_1451 = arith.constant 3 : i32
      %get3A_1452 = arith.index_cast %get3A_1451 : i32 to index
      %get3A_1453 = arith.constant 112 : index
      %get3A_1454 = tpu.vector_load %arg10[%get3A_1452, %get3A_1453] {strides = array<i32>} : memref<4x128xf32, #tpu.memory_space<vmem>>, vector<16xf32>,
      %mul3A_1455 = arith.mulf %get3A_5, %get3A_1442 : vector<16xf32>
      %add3A_1456 = arith.addf %get3A_37, %mul3A_1455 : vector<16xf32>
      %mul3A_1457 = arith.mulf %get3A_7, %get3A_1446 : vector<16xf32>
      %add3A_1458 = arith.addf %add3A_1456, %mul3A_1457 : vector<16xf32>
      %mul3A_1459 = arith.mulf %get3A_9, %get3A_1450 : vector<16xf32>
      %add3A_1460 = arith.addf %add3A_1458, %mul3A_1459 : vector<16xf32>
      %mul3A_1461 = arith.mulf %get3A_11, %get3A_1454 : vector<16xf32>
      %add3A_1462 = arith.addf %add3A_1460, %mul3A_1461 : vector<16xf32>
      %mul3A_1463 = arith.constant 512 : i32
      %mul3A_1464 = arith.muli %multiple_of3A, %mul3A_1463 : i32
      %add3A_1465 = arith.constant 0 : i32
      %add3A_1466 = arith.addi %mul3A_1464, %add3A_1465 : i32
      %add3A_1467 = arith.constant 112 : i32
      %add3A_1468 = arith.addi %add3A_1466, %add3A_1467 : i32
      %swap3A_1469 = arith.index_cast %add3A_1468 : i32 to index
      %swap3A_1470 = tpu.vector_load %arg12[%swap3A_1469] {strides = array<i32>} : memref<53248xf32, #tpu.memory_space<vmem>>, vector<16xf32>,
      tpu.vector_store %arg12[%swap3A_1469], %add3A_1462 {strides = array<i32>} : memref<53248xf32, #tpu.memory_space<vmem>>, vector<16xf32>,
      %mul3A_1471 = arith.mulf %get3A_13, %get3A_1442 : vector<16xf32>
      %add3A_1472 = arith.addf %get3A_39, %mul3A_1471 : vector<16xf32>
      %mul3A_1473 = arith.mulf %get3A_15, %get3A_1446 : vector<16xf32>
      %add3A_1474 = arith.addf %add3A_1472, %mul3A_1473 : vector<16xf32>
      %mul3A_1475 = arith.mulf %get3A_17, %get3A_1450 : vector<16xf32>
      %add3A_1476 = arith.addf %add3A_1474, %mul3A_1475 : vector<16xf32>
      %mul3A_1477 = arith.mulf %get3A_19, %get3A_1454 : vector<16xf32>
      %add3A_1478 = arith.addf %add3A_1476, %mul3A_1477 : vector<16xf32>
      %mul3A_1479 = arith.constant 512 : i32
      %mul3A_1480 = arith.muli %multiple_of3A, %mul3A_1479 : i32
      %add3A_1481 = arith.constant 128 : i32
      %add3A_1482 = arith.addi %mul3A_1480, %add3A_1481 : i32
      %add3A_1483 = arith.constant 112 : i32
      %add3A_1484 = arith.addi %add3A_1482, %add3A_1483 : i32
      %swap3A_1485 = arith.index_cast %add3A_1484 : i32 to index
      %swap3A_1486 = tpu.vector_load %arg12[%swap3A_1485] {strides = array<i32>} : memref<53248xf32, #tpu.memory_space<vmem>>, vector<16xf32>,
      tpu.vector_store %arg12[%swap3A_1485], %add3A_1478 {strides = array<i32>} : memref<53248xf32, #tpu.memory_space<vmem>>, vector<16xf32>,
      %mul3A_1487 = arith.mulf %get3A_21, %get3A_1442 : vector<16xf32>
      %add3A_1488 = arith.addf %get3A_41, %mul3A_1487 : vector<16xf32>
      %mul3A_1489 = arith.mulf %get3A_23, %get3A_1446 : vector<16xf32>
      %add3A_1490 = arith.addf %add3A_1488, %mul3A_1489 : vector<16xf32>
      %mul3A_1491 = arith.mulf %get3A_25, %get3A_1450 : vector<16xf32>
      %add3A_1492 = arith.addf %add3A_1490, %mul3A_1491 : vector<16xf32>
      %mul3A_1493 = arith.mulf %get3A_27, %get3A_1454 : vector<16xf32>
      %add3A_1494 = arith.addf %add3A_1492, %mul3A_1493 : vector<16xf32>
      %mul3A_1495 = arith.constant 512 : i32
      %mul3A_1496 = arith.muli %multiple_of3A, %mul3A_1495 : i32
      %add3A_1497 = arith.constant 256 : i32
      %add3A_1498 = arith.addi %mul3A_1496, %add3A_1497 : i32
      %add3A_1499 = arith.constant 112 : i32
      %add3A_1500 = arith.addi %add3A_1498, %add3A_1499 : i32
      %swap3A_1501 = arith.index_cast %add3A_1500 : i32 to index
      %swap3A_1502 = tpu.vector_load %arg12[%swap3A_1501] {strides = array<i32>} : memref<53248xf32, #tpu.memory_space<vmem>>, vector<16xf32>,
      tpu.vector_store %arg12[%swap3A_1501], %add3A_1494 {strides = array<i32>} : memref<53248xf32, #tpu.memory_space<vmem>>, vector<16xf32>,
      %mul3A_1503 = arith.mulf %get3A_29, %get3A_1442 : vector<16xf32>
      %add3A_1504 = arith.addf %get3A_43, %mul3A_1503 : vector<16xf32>
      %mul3A_1505 = arith.mulf %get3A_31, %get3A_1446 : vector<16xf32>
      %add3A_1506 = arith.addf %add3A_1504, %mul3A_1505 : vector<16xf32>
      %mul3A_1507 = arith.mulf %get3A_33, %get3A_1450 : vector<16xf32>
      %add3A_1508 = arith.addf %add3A_1506, %mul3A_1507 : vector<16xf32>
      %mul3A_1509 = arith.mulf %get3A_35, %get3A_1454 : vector<16xf32>
      %add3A_1510 = arith.addf %add3A_1508, %mul3A_1509 : vector<16xf32>
      %mul3A_1511 = arith.constant 512 : i32
      %mul3A_1512 = arith.muli %multiple_of3A, %mul3A_1511 : i32
      %add3A_1513 = arith.constant 384 : i32
      %add3A_1514 = arith.addi %mul3A_1512, %add3A_1513 : i32
      %add3A_1515 = arith.constant 112 : i32
      %add3A_1516 = arith.addi %add3A_1514, %add3A_1515 : i32
      %swap3A_1517 = arith.index_cast %add3A_1516 : i32 to index
      %swap3A_1518 = tpu.vector_load %arg12[%swap3A_1517] {strides = array<i32>} : memref<53248xf32, #tpu.memory_space<vmem>>, vector<16xf32>,
      tpu.vector_store %arg12[%swap3A_1517], %add3A_1510 {strides = array<i32>} : memref<53248xf32, #tpu.memory_space<vmem>>, vector<16xf32>,
      %mul3A_1519 = arith.constant 512 : i32
      %mul3A_1520 = arith.muli %multiple_of3A, %mul3A_1519 : i32
      %multiple_of3A_1521 = tpu.assume_multiple %mul3A_1520, 8 : i32
      %mul3A_1522 = arith.constant 512 : i32
      %mul3A_1523 = arith.muli %multiple_of3A, %mul3A_1522 : i32
      %add3A_1524 = arith.addi %mul3A_45, %mul3A_1523 : i32
      %multiple_of3A_1525 = tpu.assume_multiple %add3A_1524, 8 : i32
      %dma_start3A_1526 = tpu.memref_slice %arg12[%multiple_of3A_1521] : memref<53248xf32, #tpu.memory_space<vmem>> -> memref<512xf32, #tpu.memory_space<vmem>>
      %dma_start3A_1527 = tpu.memref_slice %arg6[%multiple_of3A_1525] : memref<1703936xf32, #tpu.memory_space<hbm>> -> memref<512xf32, #tpu.memory_space<hbm>>
      %dma_start3A_1528 = tpu.memref_slice %arg6[%multiple_of3A_1525] : memref<1703936xf32, #tpu.memory_space<hbm>> -> memref<512xf32, #tpu.memory_space<hbm>>
      %dma_start3A_1529 = tpu.memref_slice %arg12[%multiple_of3A_1521] : memref<53248xf32, #tpu.memory_space<vmem>> -> memref<512xf32, #tpu.memory_space<vmem>>
      tpu.enqueue_dma source(%dma_start3A_1529 : memref<512xf32, #tpu.memory_space<vmem>>) target(%dma_start3A_1528 : memref<512xf32, #tpu.memory_space<hbm>>) target_semaphore(%arg17 : memref<!tpu.dma_semaphore, #tpu.memory_space<semaphore_mem>>)
      %add3A_1530 = arith.constant 2 : i32
      %add3A_1531 = arith.addi %multiple_of3A, %add3A_1530 : i32
      %get3A_1532 = arith.index_cast %add3A_1531 : i32 to index
      %get3A_1533 = arith.constant 0 : index
      %get3A_1534 = tpu.vector_load %arg7[%get3A_1532, %get3A_1533] {strides = array<i32>} : memref<105x128xi32, #tpu.memory_space<vmem>>, vector<16xi32>,
      %shift_right_arithmetic3A_1535 = arith.constant 7 : i32
      %shift_right_arithmetic3A_1536 = vector.broadcast %shift_right_arithmetic3A_1535 : i32 to vector<16xi32>
      %shift_right_arithmetic3A_1537 = arith.shrsi %get3A_1534, %shift_right_arithmetic3A_1536 : vector<16xi32>
      %shift_left3A_1538 = arith.constant 9 : i32
      %shift_left3A_1539 = vector.broadcast %shift_left3A_1538 : i32 to vector<16xi32>
      %shift_left3A_1540 = arith.shli %shift_right_arithmetic3A_1537, %shift_left3A_1539 : vector<16xi32>
      %and3A_1541 = arith.constant 127 : i32
      %and3A_1542 = vector.broadcast %and3A_1541 : i32 to vector<16xi32>
      %and3A_1543 = arith.andi %get3A_1534, %and3A_1542 : vector<16xi32>
      %add3A_1544 = arith.addi %shift_left3A_1540, %and3A_1543 : vector<16xi32>
      %add3A_1545 = arith.constant 0 : i32
      %add3A_1546 = vector.broadcast %add3A_1545 : i32 to vector<16xi32>
      %add3A_1547 = arith.addi %add3A_1544, %add3A_1546 : vector<16xi32>
      %swap3A_1548 = arith.constant 0 : i32
      %swap3A_1549 = arith.index_cast %swap3A_1548 : i32 to index
      %swap3A_1550 = arith.constant 0 : index
      %swap3A_1551 = tpu.vector_load %arg8[%swap3A_1549, %swap3A_1550] {strides = array<i32>} : memref<4x128xi32, #tpu.memory_space<vmem>>, vector<16xi32>,
      tpu.vector_store %arg8[%swap3A_1549, %swap3A_1550], %add3A_1547 {strides = array<i32>} : memref<4x128xi32, #tpu.memory_space<vmem>>, vector<16xi32>,
      %add3A_1552 = arith.constant 128 : i32
      %add3A_1553 = vector.broadcast %add3A_1552 : i32 to vector<16xi32>
      %add3A_1554 = arith.addi %add3A_1544, %add3A_1553 : vector<16xi32>
      %swap3A_1555 = arith.constant 1 : i32
      %swap3A_1556 = arith.index_cast %swap3A_1555 : i32 to index
      %swap3A_1557 = arith.constant 0 : index
      %swap3A_1558 = tpu.vector_load %arg8[%swap3A_1556, %swap3A_1557] {strides = array<i32>} : memref<4x128xi32, #tpu.memory_space<vmem>>, vector<16xi32>,
      tpu.vector_store %arg8[%swap3A_1556, %swap3A_1557], %add3A_1554 {strides = array<i32>} : memref<4x128xi32, #tpu.memory_space<vmem>>, vector<16xi32>,
      %add3A_1559 = arith.constant 256 : i32
      %add3A_1560 = vector.broadcast %add3A_1559 : i32 to vector<16xi32>
      %add3A_1561 = arith.addi %add3A_1544, %add3A_1560 : vector<16xi32>
      %swap3A_1562 = arith.constant 2 : i32
      %swap3A_1563 = arith.index_cast %swap3A_1562 : i32 to index
      %swap3A_1564 = arith.constant 0 : index
      %swap3A_1565 = tpu.vector_load %arg8[%swap3A_1563, %swap3A_1564] {strides = array<i32>} : memref<4x128xi32, #tpu.memory_space<vmem>>, vector<16xi32>,
      tpu.vector_store %arg8[%swap3A_1563, %swap3A_1564], %add3A_1561 {strides = array<i32>} : memref<4x128xi32, #tpu.memory_space<vmem>>, vector<16xi32>,
      %add3A_1566 = arith.constant 384 : i32
      %add3A_1567 = vector.broadcast %add3A_1566 : i32 to vector<16xi32>
      %add3A_1568 = arith.addi %add3A_1544, %add3A_1567 : vector<16xi32>
      %swap3A_1569 = arith.constant 3 : i32
      %swap3A_1570 = arith.index_cast %swap3A_1569 : i32 to index
      %swap3A_1571 = arith.constant 0 : index
      %swap3A_1572 = tpu.vector_load %arg8[%swap3A_1570, %swap3A_1571] {strides = array<i32>} : memref<4x128xi32, #tpu.memory_space<vmem>>, vector<16xi32>,
      tpu.vector_store %arg8[%swap3A_1570, %swap3A_1571], %add3A_1568 {strides = array<i32>} : memref<4x128xi32, #tpu.memory_space<vmem>>, vector<16xi32>,
      %get3A_1573 = arith.index_cast %add3A_1531 : i32 to index
      %get3A_1574 = arith.constant 16 : index
      %get3A_1575 = tpu.vector_load %arg7[%get3A_1573, %get3A_1574] {strides = array<i32>} : memref<105x128xi32, #tpu.memory_space<vmem>>, vector<16xi32>,
      %shift_right_arithmetic3A_1576 = arith.constant 7 : i32
      %shift_right_arithmetic3A_1577 = vector.broadcast %shift_right_arithmetic3A_1576 : i32 to vector<16xi32>
      %shift_right_arithmetic3A_1578 = arith.shrsi %get3A_1575, %shift_right_arithmetic3A_1577 : vector<16xi32>
      %shift_left3A_1579 = arith.constant 9 : i32
      %shift_left3A_1580 = vector.broadcast %shift_left3A_1579 : i32 to vector<16xi32>
      %shift_left3A_1581 = arith.shli %shift_right_arithmetic3A_1578, %shift_left3A_1580 : vector<16xi32>
      %and3A_1582 = arith.constant 127 : i32
      %and3A_1583 = vector.broadcast %and3A_1582 : i32 to vector<16xi32>
      %and3A_1584 = arith.andi %get3A_1575, %and3A_1583 : vector<16xi32>
      %add3A_1585 = arith.addi %shift_left3A_1581, %and3A_1584 : vector<16xi32>
      %add3A_1586 = arith.constant 0 : i32
      %add3A_1587 = vector.broadcast %add3A_1586 : i32 to vector<16xi32>
      %add3A_1588 = arith.addi %add3A_1585, %add3A_1587 : vector<16xi32>
      %swap3A_1589 = arith.constant 0 : i32
      %swap3A_1590 = arith.index_cast %swap3A_1589 : i32 to index
      %swap3A_1591 = arith.constant 16 : index
      %swap3A_1592 = tpu.vector_load %arg8[%swap3A_1590, %swap3A_1591] {strides = array<i32>} : memref<4x128xi32, #tpu.memory_space<vmem>>, vector<16xi32>,
      tpu.vector_store %arg8[%swap3A_1590, %swap3A_1591], %add3A_1588 {strides = array<i32>} : memref<4x128xi32, #tpu.memory_space<vmem>>, vector<16xi32>,
      %add3A_1593 = arith.constant 128 : i32
      %add3A_1594 = vector.broadcast %add3A_1593 : i32 to vector<16xi32>
      %add3A_1595 = arith.addi %add3A_1585, %add3A_1594 : vector<16xi32>
      %swap3A_1596 = arith.constant 1 : i32
      %swap3A_1597 = arith.index_cast %swap3A_1596 : i32 to index
      %swap3A_1598 = arith.constant 16 : index
      %swap3A_1599 = tpu.vector_load %arg8[%swap3A_1597, %swap3A_1598] {strides = array<i32>} : memref<4x128xi32, #tpu.memory_space<vmem>>, vector<16xi32>,
      tpu.vector_store %arg8[%swap3A_1597, %swap3A_1598], %add3A_1595 {strides = array<i32>} : memref<4x128xi32, #tpu.memory_space<vmem>>, vector<16xi32>,
      %add3A_1600 = arith.constant 256 : i32
      %add3A_1601 = vector.broadcast %add3A_1600 : i32 to vector<16xi32>
      %add3A_1602 = arith.addi %add3A_1585, %add3A_1601 : vector<16xi32>
      %swap3A_1603 = arith.constant 2 : i32
      %swap3A_1604 = arith.index_cast %swap3A_1603 : i32 to index
      %swap3A_1605 = arith.constant 16 : index
      %swap3A_1606 = tpu.vector_load %arg8[%swap3A_1604, %swap3A_1605] {strides = array<i32>} : memref<4x128xi32, #tpu.memory_space<vmem>>, vector<16xi32>,
      tpu.vector_store %arg8[%swap3A_1604, %swap3A_1605], %add3A_1602 {strides = array<i32>} : memref<4x128xi32, #tpu.memory_space<vmem>>, vector<16xi32>,
      %add3A_1607 = arith.constant 384 : i32
      %add3A_1608 = vector.broadcast %add3A_1607 : i32 to vector<16xi32>
      %add3A_1609 = arith.addi %add3A_1585, %add3A_1608 : vector<16xi32>
      %swap3A_1610 = arith.constant 3 : i32
      %swap3A_1611 = arith.index_cast %swap3A_1610 : i32 to index
      %swap3A_1612 = arith.constant 16 : index
      %swap3A_1613 = tpu.vector_load %arg8[%swap3A_1611, %swap3A_1612] {strides = array<i32>} : memref<4x128xi32, #tpu.memory_space<vmem>>, vector<16xi32>,
      tpu.vector_store %arg8[%swap3A_1611, %swap3A_1612], %add3A_1609 {strides = array<i32>} : memref<4x128xi32, #tpu.memory_space<vmem>>, vector<16xi32>,
      %get3A_1614 = arith.index_cast %add3A_1531 : i32 to index
      %get3A_1615 = arith.constant 32 : index
      %get3A_1616 = tpu.vector_load %arg7[%get3A_1614, %get3A_1615] {strides = array<i32>} : memref<105x128xi32, #tpu.memory_space<vmem>>, vector<16xi32>,
      %shift_right_arithmetic3A_1617 = arith.constant 7 : i32
      %shift_right_arithmetic3A_1618 = vector.broadcast %shift_right_arithmetic3A_1617 : i32 to vector<16xi32>
      %shift_right_arithmetic3A_1619 = arith.shrsi %get3A_1616, %shift_right_arithmetic3A_1618 : vector<16xi32>
      %shift_left3A_1620 = arith.constant 9 : i32
      %shift_left3A_1621 = vector.broadcast %shift_left3A_1620 : i32 to vector<16xi32>
      %shift_left3A_1622 = arith.shli %shift_right_arithmetic3A_1619, %shift_left3A_1621 : vector<16xi32>
      %and3A_1623 = arith.constant 127 : i32
      %and3A_1624 = vector.broadcast %and3A_1623 : i32 to vector<16xi32>
      %and3A_1625 = arith.andi %get3A_1616, %and3A_1624 : vector<16xi32>
      %add3A_1626 = arith.addi %shift_left3A_1622, %and3A_1625 : vector<16xi32>
      %add3A_1627 = arith.constant 0 : i32
      %add3A_1628 = vector.broadcast %add3A_1627 : i32 to vector<16xi32>
      %add3A_1629 = arith.addi %add3A_1626, %add3A_1628 : vector<16xi32>
      %swap3A_1630 = arith.constant 0 : i32
      %swap3A_1631 = arith.index_cast %swap3A_1630 : i32 to index
      %swap3A_1632 = arith.constant 32 : index
      %swap3A_1633 = tpu.vector_load %arg8[%swap3A_1631, %swap3A_1632] {strides = array<i32>} : memref<4x128xi32, #tpu.memory_space<vmem>>, vector<16xi32>,
      tpu.vector_store %arg8[%swap3A_1631, %swap3A_1632], %add3A_1629 {strides = array<i32>} : memref<4x128xi32, #tpu.memory_space<vmem>>, vector<16xi32>,
      %add3A_1634 = arith.constant 128 : i32
      %add3A_1635 = vector.broadcast %add3A_1634 : i32 to vector<16xi32>
      %add3A_1636 = arith.addi %add3A_1626, %add3A_1635 : vector<16xi32>
      %swap3A_1637 = arith.constant 1 : i32
      %swap3A_1638 = arith.index_cast %swap3A_1637 : i32 to index
      %swap3A_1639 = arith.constant 32 : index
      %swap3A_1640 = tpu.vector_load %arg8[%swap3A_1638, %swap3A_1639] {strides = array<i32>} : memref<4x128xi32, #tpu.memory_space<vmem>>, vector<16xi32>,
      tpu.vector_store %arg8[%swap3A_1638, %swap3A_1639], %add3A_1636 {strides = array<i32>} : memref<4x128xi32, #tpu.memory_space<vmem>>, vector<16xi32>,
      %add3A_1641 = arith.constant 256 : i32
      %add3A_1642 = vector.broadcast %add3A_1641 : i32 to vector<16xi32>
      %add3A_1643 = arith.addi %add3A_1626, %add3A_1642 : vector<16xi32>
      %swap3A_1644 = arith.constant 2 : i32
      %swap3A_1645 = arith.index_cast %swap3A_1644 : i32 to index
      %swap3A_1646 = arith.constant 32 : index
      %swap3A_1647 = tpu.vector_load %arg8[%swap3A_1645, %swap3A_1646] {strides = array<i32>} : memref<4x128xi32, #tpu.memory_space<vmem>>, vector<16xi32>,
      tpu.vector_store %arg8[%swap3A_1645, %swap3A_1646], %add3A_1643 {strides = array<i32>} : memref<4x128xi32, #tpu.memory_space<vmem>>, vector<16xi32>,
      %add3A_1648 = arith.constant 384 : i32
      %add3A_1649 = vector.broadcast %add3A_1648 : i32 to vector<16xi32>
      %add3A_1650 = arith.addi %add3A_1626, %add3A_1649 : vector<16xi32>
      %swap3A_1651 = arith.constant 3 : i32
      %swap3A_1652 = arith.index_cast %swap3A_1651 : i32 to index
      %swap3A_1653 = arith.constant 32 : index
      %swap3A_1654 = tpu.vector_load %arg8[%swap3A_1652, %swap3A_1653] {strides = array<i32>} : memref<4x128xi32, #tpu.memory_space<vmem>>, vector<16xi32>,
      tpu.vector_store %arg8[%swap3A_1652, %swap3A_1653], %add3A_1650 {strides = array<i32>} : memref<4x128xi32, #tpu.memory_space<vmem>>, vector<16xi32>,
      %get3A_1655 = arith.index_cast %add3A_1531 : i32 to index
      %get3A_1656 = arith.constant 48 : index
      %get3A_1657 = tpu.vector_load %arg7[%get3A_1655, %get3A_1656] {strides = array<i32>} : memref<105x128xi32, #tpu.memory_space<vmem>>, vector<16xi32>,
      %shift_right_arithmetic3A_1658 = arith.constant 7 : i32
      %shift_right_arithmetic3A_1659 = vector.broadcast %shift_right_arithmetic3A_1658 : i32 to vector<16xi32>
      %shift_right_arithmetic3A_1660 = arith.shrsi %get3A_1657, %shift_right_arithmetic3A_1659 : vector<16xi32>
      %shift_left3A_1661 = arith.constant 9 : i32
      %shift_left3A_1662 = vector.broadcast %shift_left3A_1661 : i32 to vector<16xi32>
      %shift_left3A_1663 = arith.shli %shift_right_arithmetic3A_1660, %shift_left3A_1662 : vector<16xi32>
      %and3A_1664 = arith.constant 127 : i32
      %and3A_1665 = vector.broadcast %and3A_1664 : i32 to vector<16xi32>
      %and3A_1666 = arith.andi %get3A_1657, %and3A_1665 : vector<16xi32>
      %add3A_1667 = arith.addi %shift_left3A_1663, %and3A_1666 : vector<16xi32>
      %add3A_1668 = arith.constant 0 : i32
      %add3A_1669 = vector.broadcast %add3A_1668 : i32 to vector<16xi32>
      %add3A_1670 = arith.addi %add3A_1667, %add3A_1669 : vector<16xi32>
      %swap3A_1671 = arith.constant 0 : i32
      %swap3A_1672 = arith.index_cast %swap3A_1671 : i32 to index
      %swap3A_1673 = arith.constant 48 : index
      %swap3A_1674 = tpu.vector_load %arg8[%swap3A_1672, %swap3A_1673] {strides = array<i32>} : memref<4x128xi32, #tpu.memory_space<vmem>>, vector<16xi32>,
      tpu.vector_store %arg8[%swap3A_1672, %swap3A_1673], %add3A_1670 {strides = array<i32>} : memref<4x128xi32, #tpu.memory_space<vmem>>, vector<16xi32>,
      %add3A_1675 = arith.constant 128 : i32
      %add3A_1676 = vector.broadcast %add3A_1675 : i32 to vector<16xi32>
      %add3A_1677 = arith.addi %add3A_1667, %add3A_1676 : vector<16xi32>
      %swap3A_1678 = arith.constant 1 : i32
      %swap3A_1679 = arith.index_cast %swap3A_1678 : i32 to index
      %swap3A_1680 = arith.constant 48 : index
      %swap3A_1681 = tpu.vector_load %arg8[%swap3A_1679, %swap3A_1680] {strides = array<i32>} : memref<4x128xi32, #tpu.memory_space<vmem>>, vector<16xi32>,
      tpu.vector_store %arg8[%swap3A_1679, %swap3A_1680], %add3A_1677 {strides = array<i32>} : memref<4x128xi32, #tpu.memory_space<vmem>>, vector<16xi32>,
      %add3A_1682 = arith.constant 256 : i32
      %add3A_1683 = vector.broadcast %add3A_1682 : i32 to vector<16xi32>
      %add3A_1684 = arith.addi %add3A_1667, %add3A_1683 : vector<16xi32>
      %swap3A_1685 = arith.constant 2 : i32
      %swap3A_1686 = arith.index_cast %swap3A_1685 : i32 to index
      %swap3A_1687 = arith.constant 48 : index
      %swap3A_1688 = tpu.vector_load %arg8[%swap3A_1686, %swap3A_1687] {strides = array<i32>} : memref<4x128xi32, #tpu.memory_space<vmem>>, vector<16xi32>,
      tpu.vector_store %arg8[%swap3A_1686, %swap3A_1687], %add3A_1684 {strides = array<i32>} : memref<4x128xi32, #tpu.memory_space<vmem>>, vector<16xi32>,
      %add3A_1689 = arith.constant 384 : i32
      %add3A_1690 = vector.broadcast %add3A_1689 : i32 to vector<16xi32>
      %add3A_1691 = arith.addi %add3A_1667, %add3A_1690 : vector<16xi32>
      %swap3A_1692 = arith.constant 3 : i32
      %swap3A_1693 = arith.index_cast %swap3A_1692 : i32 to index
      %swap3A_1694 = arith.constant 48 : index
      %swap3A_1695 = tpu.vector_load %arg8[%swap3A_1693, %swap3A_1694] {strides = array<i32>} : memref<4x128xi32, #tpu.memory_space<vmem>>, vector<16xi32>,
      tpu.vector_store %arg8[%swap3A_1693, %swap3A_1694], %add3A_1691 {strides = array<i32>} : memref<4x128xi32, #tpu.memory_space<vmem>>, vector<16xi32>,
      %get3A_1696 = arith.index_cast %add3A_1531 : i32 to index
      %get3A_1697 = arith.constant 64 : index
      %get3A_1698 = tpu.vector_load %arg7[%get3A_1696, %get3A_1697] {strides = array<i32>} : memref<105x128xi32, #tpu.memory_space<vmem>>, vector<16xi32>,
      %shift_right_arithmetic3A_1699 = arith.constant 7 : i32
      %shift_right_arithmetic3A_1700 = vector.broadcast %shift_right_arithmetic3A_1699 : i32 to vector<16xi32>
      %shift_right_arithmetic3A_1701 = arith.shrsi %get3A_1698, %shift_right_arithmetic3A_1700 : vector<16xi32>
      %shift_left3A_1702 = arith.constant 9 : i32
      %shift_left3A_1703 = vector.broadcast %shift_left3A_1702 : i32 to vector<16xi32>
      %shift_left3A_1704 = arith.shli %shift_right_arithmetic3A_1701, %shift_left3A_1703 : vector<16xi32>
      %and3A_1705 = arith.constant 127 : i32
      %and3A_1706 = vector.broadcast %and3A_1705 : i32 to vector<16xi32>
      %and3A_1707 = arith.andi %get3A_1698, %and3A_1706 : vector<16xi32>
      %add3A_1708 = arith.addi %shift_left3A_1704, %and3A_1707 : vector<16xi32>
      %add3A_1709 = arith.constant 0 : i32
      %add3A_1710 = vector.broadcast %add3A_1709 : i32 to vector<16xi32>
      %add3A_1711 = arith.addi %add3A_1708, %add3A_1710 : vector<16xi32>
      %swap3A_1712 = arith.constant 0 : i32
      %swap3A_1713 = arith.index_cast %swap3A_1712 : i32 to index
      %swap3A_1714 = arith.constant 64 : index
      %swap3A_1715 = tpu.vector_load %arg8[%swap3A_1713, %swap3A_1714] {strides = array<i32>} : memref<4x128xi32, #tpu.memory_space<vmem>>, vector<16xi32>,
      tpu.vector_store %arg8[%swap3A_1713, %swap3A_1714], %add3A_1711 {strides = array<i32>} : memref<4x128xi32, #tpu.memory_space<vmem>>, vector<16xi32>,
      %add3A_1716 = arith.constant 128 : i32
      %add3A_1717 = vector.broadcast %add3A_1716 : i32 to vector<16xi32>
      %add3A_1718 = arith.addi %add3A_1708, %add3A_1717 : vector<16xi32>
      %swap3A_1719 = arith.constant 1 : i32
      %swap3A_1720 = arith.index_cast %swap3A_1719 : i32 to index
      %swap3A_1721 = arith.constant 64 : index
      %swap3A_1722 = tpu.vector_load %arg8[%swap3A_1720, %swap3A_1721] {strides = array<i32>} : memref<4x128xi32, #tpu.memory_space<vmem>>, vector<16xi32>,
      tpu.vector_store %arg8[%swap3A_1720, %swap3A_1721], %add3A_1718 {strides = array<i32>} : memref<4x128xi32, #tpu.memory_space<vmem>>, vector<16xi32>,
      %add3A_1723 = arith.constant 256 : i32
      %add3A_1724 = vector.broadcast %add3A_1723 : i32 to vector<16xi32>
      %add3A_1725 = arith.addi %add3A_1708, %add3A_1724 : vector<16xi32>
      %swap3A_1726 = arith.constant 2 : i32
      %swap3A_1727 = arith.index_cast %swap3A_1726 : i32 to index
      %swap3A_1728 = arith.constant 64 : index
      %swap3A_1729 = tpu.vector_load %arg8[%swap3A_1727, %swap3A_1728] {strides = array<i32>} : memref<4x128xi32, #tpu.memory_space<vmem>>, vector<16xi32>,
      tpu.vector_store %arg8[%swap3A_1727, %swap3A_1728], %add3A_1725 {strides = array<i32>} : memref<4x128xi32, #tpu.memory_space<vmem>>, vector<16xi32>,
      %add3A_1730 = arith.constant 384 : i32
      %add3A_1731 = vector.broadcast %add3A_1730 : i32 to vector<16xi32>
      %add3A_1732 = arith.addi %add3A_1708, %add3A_1731 : vector<16xi32>
      %swap3A_1733 = arith.constant 3 : i32
      %swap3A_1734 = arith.index_cast %swap3A_1733 : i32 to index
      %swap3A_1735 = arith.constant 64 : index
      %swap3A_1736 = tpu.vector_load %arg8[%swap3A_1734, %swap3A_1735] {strides = array<i32>} : memref<4x128xi32, #tpu.memory_space<vmem>>, vector<16xi32>,
      tpu.vector_store %arg8[%swap3A_1734, %swap3A_1735], %add3A_1732 {strides = array<i32>} : memref<4x128xi32, #tpu.memory_space<vmem>>, vector<16xi32>,
      %get3A_1737 = arith.index_cast %add3A_1531 : i32 to index
      %get3A_1738 = arith.constant 80 : index
      %get3A_1739 = tpu.vector_load %arg7[%get3A_1737, %get3A_1738] {strides = array<i32>} : memref<105x128xi32, #tpu.memory_space<vmem>>, vector<16xi32>,
      %shift_right_arithmetic3A_1740 = arith.constant 7 : i32
      %shift_right_arithmetic3A_1741 = vector.broadcast %shift_right_arithmetic3A_1740 : i32 to vector<16xi32>
      %shift_right_arithmetic3A_1742 = arith.shrsi %get3A_1739, %shift_right_arithmetic3A_1741 : vector<16xi32>
      %shift_left3A_1743 = arith.constant 9 : i32
      %shift_left3A_1744 = vector.broadcast %shift_left3A_1743 : i32 to vector<16xi32>
      %shift_left3A_1745 = arith.shli %shift_right_arithmetic3A_1742, %shift_left3A_1744 : vector<16xi32>
      %and3A_1746 = arith.constant 127 : i32
      %and3A_1747 = vector.broadcast %and3A_1746 : i32 to vector<16xi32>
      %and3A_1748 = arith.andi %get3A_1739, %and3A_1747 : vector<16xi32>
      %add3A_1749 = arith.addi %shift_left3A_1745, %and3A_1748 : vector<16xi32>
      %add3A_1750 = arith.constant 0 : i32
      %add3A_1751 = vector.broadcast %add3A_1750 : i32 to vector<16xi32>
      %add3A_1752 = arith.addi %add3A_1749, %add3A_1751 : vector<16xi32>
      %swap3A_1753 = arith.constant 0 : i32
      %swap3A_1754 = arith.index_cast %swap3A_1753 : i32 to index
      %swap3A_1755 = arith.constant 80 : index
      %swap3A_1756 = tpu.vector_load %arg8[%swap3A_1754, %swap3A_1755] {strides = array<i32>} : memref<4x128xi32, #tpu.memory_space<vmem>>, vector<16xi32>,
      tpu.vector_store %arg8[%swap3A_1754, %swap3A_1755], %add3A_1752 {strides = array<i32>} : memref<4x128xi32, #tpu.memory_space<vmem>>, vector<16xi32>,
      %add3A_1757 = arith.constant 128 : i32
      %add3A_1758 = vector.broadcast %add3A_1757 : i32 to vector<16xi32>
      %add3A_1759 = arith.addi %add3A_1749, %add3A_1758 : vector<16xi32>
      %swap3A_1760 = arith.constant 1 : i32
      %swap3A_1761 = arith.index_cast %swap3A_1760 : i32 to index
      %swap3A_1762 = arith.constant 80 : index
      %swap3A_1763 = tpu.vector_load %arg8[%swap3A_1761, %swap3A_1762] {strides = array<i32>} : memref<4x128xi32, #tpu.memory_space<vmem>>, vector<16xi32>,
      tpu.vector_store %arg8[%swap3A_1761, %swap3A_1762], %add3A_1759 {strides = array<i32>} : memref<4x128xi32, #tpu.memory_space<vmem>>, vector<16xi32>,
      %add3A_1764 = arith.constant 256 : i32
      %add3A_1765 = vector.broadcast %add3A_1764 : i32 to vector<16xi32>
      %add3A_1766 = arith.addi %add3A_1749, %add3A_1765 : vector<16xi32>
      %swap3A_1767 = arith.constant 2 : i32
      %swap3A_1768 = arith.index_cast %swap3A_1767 : i32 to index
      %swap3A_1769 = arith.constant 80 : index
      %swap3A_1770 = tpu.vector_load %arg8[%swap3A_1768, %swap3A_1769] {strides = array<i32>} : memref<4x128xi32, #tpu.memory_space<vmem>>, vector<16xi32>,
      tpu.vector_store %arg8[%swap3A_1768, %swap3A_1769], %add3A_1766 {strides = array<i32>} : memref<4x128xi32, #tpu.memory_space<vmem>>, vector<16xi32>,
      %add3A_1771 = arith.constant 384 : i32
      %add3A_1772 = vector.broadcast %add3A_1771 : i32 to vector<16xi32>
      %add3A_1773 = arith.addi %add3A_1749, %add3A_1772 : vector<16xi32>
      %swap3A_1774 = arith.constant 3 : i32
      %swap3A_1775 = arith.index_cast %swap3A_1774 : i32 to index
      %swap3A_1776 = arith.constant 80 : index
      %swap3A_1777 = tpu.vector_load %arg8[%swap3A_1775, %swap3A_1776] {strides = array<i32>} : memref<4x128xi32, #tpu.memory_space<vmem>>, vector<16xi32>,
      tpu.vector_store %arg8[%swap3A_1775, %swap3A_1776], %add3A_1773 {strides = array<i32>} : memref<4x128xi32, #tpu.memory_space<vmem>>, vector<16xi32>,
      %get3A_1778 = arith.index_cast %add3A_1531 : i32 to index
      %get3A_1779 = arith.constant 96 : index
      %get3A_1780 = tpu.vector_load %arg7[%get3A_1778, %get3A_1779] {strides = array<i32>} : memref<105x128xi32, #tpu.memory_space<vmem>>, vector<16xi32>,
      %shift_right_arithmetic3A_1781 = arith.constant 7 : i32
      %shift_right_arithmetic3A_1782 = vector.broadcast %shift_right_arithmetic3A_1781 : i32 to vector<16xi32>
      %shift_right_arithmetic3A_1783 = arith.shrsi %get3A_1780, %shift_right_arithmetic3A_1782 : vector<16xi32>
      %shift_left3A_1784 = arith.constant 9 : i32
      %shift_left3A_1785 = vector.broadcast %shift_left3A_1784 : i32 to vector<16xi32>
      %shift_left3A_1786 = arith.shli %shift_right_arithmetic3A_1783, %shift_left3A_1785 : vector<16xi32>
      %and3A_1787 = arith.constant 127 : i32
      %and3A_1788 = vector.broadcast %and3A_1787 : i32 to vector<16xi32>
      %and3A_1789 = arith.andi %get3A_1780, %and3A_1788 : vector<16xi32>
      %add3A_1790 = arith.addi %shift_left3A_1786, %and3A_1789 : vector<16xi32>
      %add3A_1791 = arith.constant 0 : i32
      %add3A_1792 = vector.broadcast %add3A_1791 : i32 to vector<16xi32>
      %add3A_1793 = arith.addi %add3A_1790, %add3A_1792 : vector<16xi32>
      %swap3A_1794 = arith.constant 0 : i32
      %swap3A_1795 = arith.index_cast %swap3A_1794 : i32 to index
      %swap3A_1796 = arith.constant 96 : index
      %swap3A_1797 = tpu.vector_load %arg8[%swap3A_1795, %swap3A_1796] {strides = array<i32>} : memref<4x128xi32, #tpu.memory_space<vmem>>, vector<16xi32>,
      tpu.vector_store %arg8[%swap3A_1795, %swap3A_1796], %add3A_1793 {strides = array<i32>} : memref<4x128xi32, #tpu.memory_space<vmem>>, vector<16xi32>,
      %add3A_1798 = arith.constant 128 : i32
      %add3A_1799 = vector.broadcast %add3A_1798 : i32 to vector<16xi32>
      %add3A_1800 = arith.addi %add3A_1790, %add3A_1799 : vector<16xi32>
      %swap3A_1801 = arith.constant 1 : i32
      %swap3A_1802 = arith.index_cast %swap3A_1801 : i32 to index
      %swap3A_1803 = arith.constant 96 : index
      %swap3A_1804 = tpu.vector_load %arg8[%swap3A_1802, %swap3A_1803] {strides = array<i32>} : memref<4x128xi32, #tpu.memory_space<vmem>>, vector<16xi32>,
      tpu.vector_store %arg8[%swap3A_1802, %swap3A_1803], %add3A_1800 {strides = array<i32>} : memref<4x128xi32, #tpu.memory_space<vmem>>, vector<16xi32>,
      %add3A_1805 = arith.constant 256 : i32
      %add3A_1806 = vector.broadcast %add3A_1805 : i32 to vector<16xi32>
      %add3A_1807 = arith.addi %add3A_1790, %add3A_1806 : vector<16xi32>
      %swap3A_1808 = arith.constant 2 : i32
      %swap3A_1809 = arith.index_cast %swap3A_1808 : i32 to index
      %swap3A_1810 = arith.constant 96 : index
      %swap3A_1811 = tpu.vector_load %arg8[%swap3A_1809, %swap3A_1810] {strides = array<i32>} : memref<4x128xi32, #tpu.memory_space<vmem>>, vector<16xi32>,
      tpu.vector_store %arg8[%swap3A_1809, %swap3A_1810], %add3A_1807 {strides = array<i32>} : memref<4x128xi32, #tpu.memory_space<vmem>>, vector<16xi32>,
      %add3A_1812 = arith.constant 384 : i32
      %add3A_1813 = vector.broadcast %add3A_1812 : i32 to vector<16xi32>
      %add3A_1814 = arith.addi %add3A_1790, %add3A_1813 : vector<16xi32>
      %swap3A_1815 = arith.constant 3 : i32
      %swap3A_1816 = arith.index_cast %swap3A_1815 : i32 to index
      %swap3A_1817 = arith.constant 96 : index
      %swap3A_1818 = tpu.vector_load %arg8[%swap3A_1816, %swap3A_1817] {strides = array<i32>} : memref<4x128xi32, #tpu.memory_space<vmem>>, vector<16xi32>,
      tpu.vector_store %arg8[%swap3A_1816, %swap3A_1817], %add3A_1814 {strides = array<i32>} : memref<4x128xi32, #tpu.memory_space<vmem>>, vector<16xi32>,
      %get3A_1819 = arith.index_cast %add3A_1531 : i32 to index
      %get3A_1820 = arith.constant 112 : index
      %get3A_1821 = tpu.vector_load %arg7[%get3A_1819, %get3A_1820] {strides = array<i32>} : memref<105x128xi32, #tpu.memory_space<vmem>>, vector<16xi32>,
      %shift_right_arithmetic3A_1822 = arith.constant 7 : i32
      %shift_right_arithmetic3A_1823 = vector.broadcast %shift_right_arithmetic3A_1822 : i32 to vector<16xi32>
      %shift_right_arithmetic3A_1824 = arith.shrsi %get3A_1821, %shift_right_arithmetic3A_1823 : vector<16xi32>
      %shift_left3A_1825 = arith.constant 9 : i32
      %shift_left3A_1826 = vector.broadcast %shift_left3A_1825 : i32 to vector<16xi32>
      %shift_left3A_1827 = arith.shli %shift_right_arithmetic3A_1824, %shift_left3A_1826 : vector<16xi32>
      %and3A_1828 = arith.constant 127 : i32
      %and3A_1829 = vector.broadcast %and3A_1828 : i32 to vector<16xi32>
      %and3A_1830 = arith.andi %get3A_1821, %and3A_1829 : vector<16xi32>
      %add3A_1831 = arith.addi %shift_left3A_1827, %and3A_1830 : vector<16xi32>
      %add3A_1832 = arith.constant 0 : i32
      %add3A_1833 = vector.broadcast %add3A_1832 : i32 to vector<16xi32>
      %add3A_1834 = arith.addi %add3A_1831, %add3A_1833 : vector<16xi32>
      %swap3A_1835 = arith.constant 0 : i32
      %swap3A_1836 = arith.index_cast %swap3A_1835 : i32 to index
      %swap3A_1837 = arith.constant 112 : index
      %swap3A_1838 = tpu.vector_load %arg8[%swap3A_1836, %swap3A_1837] {strides = array<i32>} : memref<4x128xi32, #tpu.memory_space<vmem>>, vector<16xi32>,
      tpu.vector_store %arg8[%swap3A_1836, %swap3A_1837], %add3A_1834 {strides = array<i32>} : memref<4x128xi32, #tpu.memory_space<vmem>>, vector<16xi32>,
      %add3A_1839 = arith.constant 128 : i32
      %add3A_1840 = vector.broadcast %add3A_1839 : i32 to vector<16xi32>
      %add3A_1841 = arith.addi %add3A_1831, %add3A_1840 : vector<16xi32>
      %swap3A_1842 = arith.constant 1 : i32
      %swap3A_1843 = arith.index_cast %swap3A_1842 : i32 to index
      %swap3A_1844 = arith.constant 112 : index
      %swap3A_1845 = tpu.vector_load %arg8[%swap3A_1843, %swap3A_1844] {strides = array<i32>} : memref<4x128xi32, #tpu.memory_space<vmem>>, vector<16xi32>,
      tpu.vector_store %arg8[%swap3A_1843, %swap3A_1844], %add3A_1841 {strides = array<i32>} : memref<4x128xi32, #tpu.memory_space<vmem>>, vector<16xi32>,
      %add3A_1846 = arith.constant 256 : i32
      %add3A_1847 = vector.broadcast %add3A_1846 : i32 to vector<16xi32>
      %add3A_1848 = arith.addi %add3A_1831, %add3A_1847 : vector<16xi32>
      %swap3A_1849 = arith.constant 2 : i32
      %swap3A_1850 = arith.index_cast %swap3A_1849 : i32 to index
      %swap3A_1851 = arith.constant 112 : index
      %swap3A_1852 = tpu.vector_load %arg8[%swap3A_1850, %swap3A_1851] {strides = array<i32>} : memref<4x128xi32, #tpu.memory_space<vmem>>, vector<16xi32>,
      tpu.vector_store %arg8[%swap3A_1850, %swap3A_1851], %add3A_1848 {strides = array<i32>} : memref<4x128xi32, #tpu.memory_space<vmem>>, vector<16xi32>,
      %add3A_1853 = arith.constant 384 : i32
      %add3A_1854 = vector.broadcast %add3A_1853 : i32 to vector<16xi32>
      %add3A_1855 = arith.addi %add3A_1831, %add3A_1854 : vector<16xi32>
      %swap3A_1856 = arith.constant 3 : i32
      %swap3A_1857 = arith.index_cast %swap3A_1856 : i32 to index
      %swap3A_1858 = arith.constant 112 : index
      %swap3A_1859 = tpu.vector_load %arg8[%swap3A_1857, %swap3A_1858] {strides = array<i32>} : memref<4x128xi32, #tpu.memory_space<vmem>>, vector<16xi32>,
      tpu.vector_store %arg8[%swap3A_1857, %swap3A_1858], %add3A_1855 {strides = array<i32>} : memref<4x128xi32, #tpu.memory_space<vmem>>, vector<16xi32>,
      %dma_start3A_1860 = arith.constant 0 : i32
      %dma_start3A_1861 = arith.constant 0 : i32
      %dma_start3A_1862 = arith.constant 0 : i32
      %dma_start3A_1863 = tpu.memref_slice %arg10[%dma_start3A_1861, %dma_start3A_1862] : memref<4x128xf32, #tpu.memory_space<vmem>> -> memref<1x128xf32, #tpu.memory_space<vmem>>
      %dma_start3A_1864 = tpu.memref_squeeze %dma_start3A_1863 : memref<1x128xf32, #tpu.memory_space<vmem>> -> memref<128xf32, #tpu.memory_space<vmem>>
      %dma_start3A_1865 = arith.constant 0 : i32
      %dma_start3A_1866 = tpu.memref_slice %arg8[%dma_start3A_1860, %dma_start3A_1865] : memref<4x128xi32, #tpu.memory_space<vmem>> -> memref<1x128xi32, #tpu.memory_space<vmem>>
      %dma_start3A_1867 = tpu.memref_squeeze %dma_start3A_1866 : memref<1x128xi32, #tpu.memory_space<vmem>> -> memref<128xi32, #tpu.memory_space<vmem>>
      %dma_start3A_1868 = arith.constant 0 : i32
      %dma_start3A_1869 = tpu.memref_slice %arg3[%dma_start3A_1868] : memref<67108864xf32, #tpu.memory_space<hbm>> -> memref<67108864xf32, #tpu.memory_space<hbm>>
      tpu.enqueue_indirect_dma source(%dma_start3A_1869 : memref<67108864xf32, #tpu.memory_space<hbm>>) target(%dma_start3A_1864 : memref<128xf32, #tpu.memory_space<vmem>>) offsets(%dma_start3A_1867 : memref<128xi32, #tpu.memory_space<vmem>>) semaphore(%arg15 : memref<!tpu.dma_semaphore, #tpu.memory_space<semaphore_mem>>)
      %dma_start3A_1870 = arith.constant 1 : i32
      %dma_start3A_1871 = arith.constant 1 : i32
      %dma_start3A_1872 = arith.constant 0 : i32
      %dma_start3A_1873 = tpu.memref_slice %arg10[%dma_start3A_1871, %dma_start3A_1872] : memref<4x128xf32, #tpu.memory_space<vmem>> -> memref<1x128xf32, #tpu.memory_space<vmem>>
      %dma_start3A_1874 = tpu.memref_squeeze %dma_start3A_1873 : memref<1x128xf32, #tpu.memory_space<vmem>> -> memref<128xf32, #tpu.memory_space<vmem>>
      %dma_start3A_1875 = arith.constant 0 : i32
      %dma_start3A_1876 = tpu.memref_slice %arg8[%dma_start3A_1870, %dma_start3A_1875] : memref<4x128xi32, #tpu.memory_space<vmem>> -> memref<1x128xi32, #tpu.memory_space<vmem>>
      %dma_start3A_1877 = tpu.memref_squeeze %dma_start3A_1876 : memref<1x128xi32, #tpu.memory_space<vmem>> -> memref<128xi32, #tpu.memory_space<vmem>>
      %dma_start3A_1878 = arith.constant 0 : i32
      %dma_start3A_1879 = tpu.memref_slice %arg3[%dma_start3A_1878] : memref<67108864xf32, #tpu.memory_space<hbm>> -> memref<67108864xf32, #tpu.memory_space<hbm>>
      tpu.enqueue_indirect_dma source(%dma_start3A_1879 : memref<67108864xf32, #tpu.memory_space<hbm>>) target(%dma_start3A_1874 : memref<128xf32, #tpu.memory_space<vmem>>) offsets(%dma_start3A_1877 : memref<128xi32, #tpu.memory_space<vmem>>) semaphore(%arg15 : memref<!tpu.dma_semaphore, #tpu.memory_space<semaphore_mem>>)
      %dma_start3A_1880 = arith.constant 2 : i32
      %dma_start3A_1881 = arith.constant 2 : i32
      %dma_start3A_1882 = arith.constant 0 : i32
      %dma_start3A_1883 = tpu.memref_slice %arg10[%dma_start3A_1881, %dma_start3A_1882] : memref<4x128xf32, #tpu.memory_space<vmem>> -> memref<1x128xf32, #tpu.memory_space<vmem>>
      %dma_start3A_1884 = tpu.memref_squeeze %dma_start3A_1883 : memref<1x128xf32, #tpu.memory_space<vmem>> -> memref<128xf32, #tpu.memory_space<vmem>>
      %dma_start3A_1885 = arith.constant 0 : i32
      %dma_start3A_1886 = tpu.memref_slice %arg8[%dma_start3A_1880, %dma_start3A_1885] : memref<4x128xi32, #tpu.memory_space<vmem>> -> memref<1x128xi32, #tpu.memory_space<vmem>>
      %dma_start3A_1887 = tpu.memref_squeeze %dma_start3A_1886 : memref<1x128xi32, #tpu.memory_space<vmem>> -> memref<128xi32, #tpu.memory_space<vmem>>
      %dma_start3A_1888 = arith.constant 0 : i32
      %dma_start3A_1889 = tpu.memref_slice %arg3[%dma_start3A_1888] : memref<67108864xf32, #tpu.memory_space<hbm>> -> memref<67108864xf32, #tpu.memory_space<hbm>>
      tpu.enqueue_indirect_dma source(%dma_start3A_1889 : memref<67108864xf32, #tpu.memory_space<hbm>>) target(%dma_start3A_1884 : memref<128xf32, #tpu.memory_space<vmem>>) offsets(%dma_start3A_1887 : memref<128xi32, #tpu.memory_space<vmem>>) semaphore(%arg15 : memref<!tpu.dma_semaphore, #tpu.memory_space<semaphore_mem>>)
      %dma_start3A_1890 = arith.constant 3 : i32
      %dma_start3A_1891 = arith.constant 3 : i32
      %dma_start3A_1892 = arith.constant 0 : i32
      %dma_start3A_1893 = tpu.memref_slice %arg10[%dma_start3A_1891, %dma_start3A_1892] : memref<4x128xf32, #tpu.memory_space<vmem>> -> memref<1x128xf32, #tpu.memory_space<vmem>>
      %dma_start3A_1894 = tpu.memref_squeeze %dma_start3A_1893 : memref<1x128xf32, #tpu.memory_space<vmem>> -> memref<128xf32, #tpu.memory_space<vmem>>
      %dma_start3A_1895 = arith.constant 0 : i32
      %dma_start3A_1896 = tpu.memref_slice %arg8[%dma_start3A_1890, %dma_start3A_1895] : memref<4x128xi32, #tpu.memory_space<vmem>> -> memref<1x128xi32, #tpu.memory_space<vmem>>
      %dma_start3A_1897 = tpu.memref_squeeze %dma_start3A_1896 : memref<1x128xi32, #tpu.memory_space<vmem>> -> memref<128xi32, #tpu.memory_space<vmem>>
      %dma_start3A_1898 = arith.constant 0 : i32
      %dma_start3A_1899 = tpu.memref_slice %arg3[%dma_start3A_1898] : memref<67108864xf32, #tpu.memory_space<hbm>> -> memref<67108864xf32, #tpu.memory_space<hbm>>
      tpu.enqueue_indirect_dma source(%dma_start3A_1899 : memref<67108864xf32, #tpu.memory_space<hbm>>) target(%dma_start3A_1894 : memref<128xf32, #tpu.memory_space<vmem>>) offsets(%dma_start3A_1897 : memref<128xi32, #tpu.memory_space<vmem>>) semaphore(%arg15 : memref<!tpu.dma_semaphore, #tpu.memory_space<semaphore_mem>>)
      %dma_wait3A_1900 = arith.constant 0 : i32
      %dma_wait3A_1901 = arith.constant 0 : i32
      %dma_wait3A_1902 = arith.constant 0 : i32
      %dma_wait3A_1903 = tpu.memref_slice %arg11[%dma_wait3A_1901, %dma_wait3A_1902] : memref<4x128xf32, #tpu.memory_space<vmem>> -> memref<1x128xf32, #tpu.memory_space<vmem>>
      %dma_wait3A_1904 = tpu.memref_squeeze %dma_wait3A_1903 : memref<1x128xf32, #tpu.memory_space<vmem>> -> memref<128xf32, #tpu.memory_space<vmem>>
      %dma_wait3A_1905 = arith.constant 0 : i32
      %dma_wait3A_1906 = tpu.memref_slice %arg9[%dma_wait3A_1900, %dma_wait3A_1905] : memref<4x128xi32, #tpu.memory_space<vmem>> -> memref<1x128xi32, #tpu.memory_space<vmem>>
      %dma_wait3A_1907 = tpu.memref_squeeze %dma_wait3A_1906 : memref<1x128xi32, #tpu.memory_space<vmem>> -> memref<128xi32, #tpu.memory_space<vmem>>
      %dma_wait3A_1908 = arith.constant 0 : i32
      %dma_wait3A_1909 = tpu.memref_slice %arg3[%dma_wait3A_1908] : memref<67108864xf32, #tpu.memory_space<hbm>> -> memref<67108864xf32, #tpu.memory_space<hbm>>
      tpu.wait_indirect_dma semaphore(%arg16 : memref<!tpu.dma_semaphore, #tpu.memory_space<semaphore_mem>>) src(%dma_wait3A_1909 : memref<67108864xf32, #tpu.memory_space<hbm>>) dst(%dma_wait3A_1904 : memref<128xf32, #tpu.memory_space<vmem>>)
      %dma_wait3A_1910 = arith.constant 1 : i32
      %dma_wait3A_1911 = arith.constant 1 : i32
      %dma_wait3A_1912 = arith.constant 0 : i32
      %dma_wait3A_1913 = tpu.memref_slice %arg11[%dma_wait3A_1911, %dma_wait3A_1912] : memref<4x128xf32, #tpu.memory_space<vmem>> -> memref<1x128xf32, #tpu.memory_space<vmem>>
      %dma_wait3A_1914 = tpu.memref_squeeze %dma_wait3A_1913 : memref<1x128xf32, #tpu.memory_space<vmem>> -> memref<128xf32, #tpu.memory_space<vmem>>
      %dma_wait3A_1915 = arith.constant 0 : i32
      %dma_wait3A_1916 = tpu.memref_slice %arg9[%dma_wait3A_1910, %dma_wait3A_1915] : memref<4x128xi32, #tpu.memory_space<vmem>> -> memref<1x128xi32, #tpu.memory_space<vmem>>
      %dma_wait3A_1917 = tpu.memref_squeeze %dma_wait3A_1916 : memref<1x128xi32, #tpu.memory_space<vmem>> -> memref<128xi32, #tpu.memory_space<vmem>>
      %dma_wait3A_1918 = arith.constant 0 : i32
      %dma_wait3A_1919 = tpu.memref_slice %arg3[%dma_wait3A_1918] : memref<67108864xf32, #tpu.memory_space<hbm>> -> memref<67108864xf32, #tpu.memory_space<hbm>>
      tpu.wait_indirect_dma semaphore(%arg16 : memref<!tpu.dma_semaphore, #tpu.memory_space<semaphore_mem>>) src(%dma_wait3A_1919 : memref<67108864xf32, #tpu.memory_space<hbm>>) dst(%dma_wait3A_1914 : memref<128xf32, #tpu.memory_space<vmem>>)
      %dma_wait3A_1920 = arith.constant 2 : i32
      %dma_wait3A_1921 = arith.constant 2 : i32
      %dma_wait3A_1922 = arith.constant 0 : i32
      %dma_wait3A_1923 = tpu.memref_slice %arg11[%dma_wait3A_1921, %dma_wait3A_1922] : memref<4x128xf32, #tpu.memory_space<vmem>> -> memref<1x128xf32, #tpu.memory_space<vmem>>
      %dma_wait3A_1924 = tpu.memref_squeeze %dma_wait3A_1923 : memref<1x128xf32, #tpu.memory_space<vmem>> -> memref<128xf32, #tpu.memory_space<vmem>>
      %dma_wait3A_1925 = arith.constant 0 : i32
      %dma_wait3A_1926 = tpu.memref_slice %arg9[%dma_wait3A_1920, %dma_wait3A_1925] : memref<4x128xi32, #tpu.memory_space<vmem>> -> memref<1x128xi32, #tpu.memory_space<vmem>>
      %dma_wait3A_1927 = tpu.memref_squeeze %dma_wait3A_1926 : memref<1x128xi32, #tpu.memory_space<vmem>> -> memref<128xi32, #tpu.memory_space<vmem>>
      %dma_wait3A_1928 = arith.constant 0 : i32
      %dma_wait3A_1929 = tpu.memref_slice %arg3[%dma_wait3A_1928] : memref<67108864xf32, #tpu.memory_space<hbm>> -> memref<67108864xf32, #tpu.memory_space<hbm>>
      tpu.wait_indirect_dma semaphore(%arg16 : memref<!tpu.dma_semaphore, #tpu.memory_space<semaphore_mem>>) src(%dma_wait3A_1929 : memref<67108864xf32, #tpu.memory_space<hbm>>) dst(%dma_wait3A_1924 : memref<128xf32, #tpu.memory_space<vmem>>)
      %dma_wait3A_1930 = arith.constant 3 : i32
      %dma_wait3A_1931 = arith.constant 3 : i32
      %dma_wait3A_1932 = arith.constant 0 : i32
      %dma_wait3A_1933 = tpu.memref_slice %arg11[%dma_wait3A_1931, %dma_wait3A_1932] : memref<4x128xf32, #tpu.memory_space<vmem>> -> memref<1x128xf32, #tpu.memory_space<vmem>>
      %dma_wait3A_1934 = tpu.memref_squeeze %dma_wait3A_1933 : memref<1x128xf32, #tpu.memory_space<vmem>> -> memref<128xf32, #tpu.memory_space<vmem>>
      %dma_wait3A_1935 = arith.constant 0 : i32
      %dma_wait3A_1936 = tpu.memref_slice %arg9[%dma_wait3A_1930, %dma_wait3A_1935] : memref<4x128xi32, #tpu.memory_space<vmem>> -> memref<1x128xi32, #tpu.memory_space<vmem>>
      %dma_wait3A_1937 = tpu.memref_squeeze %dma_wait3A_1936 : memref<1x128xi32, #tpu.memory_space<vmem>> -> memref<128xi32, #tpu.memory_space<vmem>>
      %dma_wait3A_1938 = arith.constant 0 : i32
      %dma_wait3A_1939 = tpu.memref_slice %arg3[%dma_wait3A_1938] : memref<67108864xf32, #tpu.memory_space<hbm>> -> memref<67108864xf32, #tpu.memory_space<hbm>>
      tpu.wait_indirect_dma semaphore(%arg16 : memref<!tpu.dma_semaphore, #tpu.memory_space<semaphore_mem>>) src(%dma_wait3A_1939 : memref<67108864xf32, #tpu.memory_space<hbm>>) dst(%dma_wait3A_1934 : memref<128xf32, #tpu.memory_space<vmem>>)
      %add3A_1940 = arith.constant 1 : i32
      %add3A_1941 = arith.addi %multiple_of3A, %add3A_1940 : i32
      %get3A_1942 = arith.constant 0 : i32
      %get3A_1943 = arith.index_cast %get3A_1942 : i32 to index
      %get3A_1944 = arith.constant 0 : index
      %get3A_1945 = tpu.vector_load %arg11[%get3A_1943, %get3A_1944] {strides = array<i32>} : memref<4x128xf32, #tpu.memory_space<vmem>>, vector<16xf32>,
      %get3A_1946 = arith.constant 1 : i32
      %get3A_1947 = arith.index_cast %get3A_1946 : i32 to index
      %get3A_1948 = arith.constant 0 : index
      %get3A_1949 = tpu.vector_load %arg11[%get3A_1947, %get3A_1948] {strides = array<i32>} : memref<4x128xf32, #tpu.memory_space<vmem>>, vector<16xf32>,
      %get3A_1950 = arith.constant 2 : i32
      %get3A_1951 = arith.index_cast %get3A_1950 : i32 to index
      %get3A_1952 = arith.constant 0 : index
      %get3A_1953 = tpu.vector_load %arg11[%get3A_1951, %get3A_1952] {strides = array<i32>} : memref<4x128xf32, #tpu.memory_space<vmem>>, vector<16xf32>,
      %get3A_1954 = arith.constant 3 : i32
      %get3A_1955 = arith.index_cast %get3A_1954 : i32 to index
      %get3A_1956 = arith.constant 0 : index
      %get3A_1957 = tpu.vector_load %arg11[%get3A_1955, %get3A_1956] {strides = array<i32>} : memref<4x128xf32, #tpu.memory_space<vmem>>, vector<16xf32>,
      %mul3A_1958 = arith.mulf %get3A_5, %get3A_1945 : vector<16xf32>
      %add3A_1959 = arith.addf %get3A_37, %mul3A_1958 : vector<16xf32>
      %mul3A_1960 = arith.mulf %get3A_7, %get3A_1949 : vector<16xf32>
      %add3A_1961 = arith.addf %add3A_1959, %mul3A_1960 : vector<16xf32>
      %mul3A_1962 = arith.mulf %get3A_9, %get3A_1953 : vector<16xf32>
      %add3A_1963 = arith.addf %add3A_1961, %mul3A_1962 : vector<16xf32>
      %mul3A_1964 = arith.mulf %get3A_11, %get3A_1957 : vector<16xf32>
      %add3A_1965 = arith.addf %add3A_1963, %mul3A_1964 : vector<16xf32>
      %mul3A_1966 = arith.constant 512 : i32
      %mul3A_1967 = arith.muli %add3A_1941, %mul3A_1966 : i32
      %add3A_1968 = arith.constant 0 : i32
      %add3A_1969 = arith.addi %mul3A_1967, %add3A_1968 : i32
      %add3A_1970 = arith.constant 0 : i32
      %add3A_1971 = arith.addi %add3A_1969, %add3A_1970 : i32
      %swap3A_1972 = arith.index_cast %add3A_1971 : i32 to index
      %swap3A_1973 = tpu.vector_load %arg12[%swap3A_1972] {strides = array<i32>} : memref<53248xf32, #tpu.memory_space<vmem>>, vector<16xf32>,
      tpu.vector_store %arg12[%swap3A_1972], %add3A_1965 {strides = array<i32>} : memref<53248xf32, #tpu.memory_space<vmem>>, vector<16xf32>,
      %mul3A_1974 = arith.mulf %get3A_13, %get3A_1945 : vector<16xf32>
      %add3A_1975 = arith.addf %get3A_39, %mul3A_1974 : vector<16xf32>
      %mul3A_1976 = arith.mulf %get3A_15, %get3A_1949 : vector<16xf32>
      %add3A_1977 = arith.addf %add3A_1975, %mul3A_1976 : vector<16xf32>
      %mul3A_1978 = arith.mulf %get3A_17, %get3A_1953 : vector<16xf32>
      %add3A_1979 = arith.addf %add3A_1977, %mul3A_1978 : vector<16xf32>
      %mul3A_1980 = arith.mulf %get3A_19, %get3A_1957 : vector<16xf32>
      %add3A_1981 = arith.addf %add3A_1979, %mul3A_1980 : vector<16xf32>
      %mul3A_1982 = arith.constant 512 : i32
      %mul3A_1983 = arith.muli %add3A_1941, %mul3A_1982 : i32
      %add3A_1984 = arith.constant 128 : i32
      %add3A_1985 = arith.addi %mul3A_1983, %add3A_1984 : i32
      %add3A_1986 = arith.constant 0 : i32
      %add3A_1987 = arith.addi %add3A_1985, %add3A_1986 : i32
      %swap3A_1988 = arith.index_cast %add3A_1987 : i32 to index
      %swap3A_1989 = tpu.vector_load %arg12[%swap3A_1988] {strides = array<i32>} : memref<53248xf32, #tpu.memory_space<vmem>>, vector<16xf32>,
      tpu.vector_store %arg12[%swap3A_1988], %add3A_1981 {strides = array<i32>} : memref<53248xf32, #tpu.memory_space<vmem>>, vector<16xf32>,
      %mul3A_1990 = arith.mulf %get3A_21, %get3A_1945 : vector<16xf32>
      %add3A_1991 = arith.addf %get3A_41, %mul3A_1990 : vector<16xf32>
      %mul3A_1992 = arith.mulf %get3A_23, %get3A_1949 : vector<16xf32>
      %add3A_1993 = arith.addf %add3A_1991, %mul3A_1992 : vector<16xf32>
      %mul3A_1994 = arith.mulf %get3A_25, %get3A_1953 : vector<16xf32>
      %add3A_1995 = arith.addf %add3A_1993, %mul3A_1994 : vector<16xf32>
      %mul3A_1996 = arith.mulf %get3A_27, %get3A_1957 : vector<16xf32>
      %add3A_1997 = arith.addf %add3A_1995, %mul3A_1996 : vector<16xf32>
      %mul3A_1998 = arith.constant 512 : i32
      %mul3A_1999 = arith.muli %add3A_1941, %mul3A_1998 : i32
      %add3A_2000 = arith.constant 256 : i32
      %add3A_2001 = arith.addi %mul3A_1999, %add3A_2000 : i32
      %add3A_2002 = arith.constant 0 : i32
      %add3A_2003 = arith.addi %add3A_2001, %add3A_2002 : i32
      %swap3A_2004 = arith.index_cast %add3A_2003 : i32 to index
      %swap3A_2005 = tpu.vector_load %arg12[%swap3A_2004] {strides = array<i32>} : memref<53248xf32, #tpu.memory_space<vmem>>, vector<16xf32>,
      tpu.vector_store %arg12[%swap3A_2004], %add3A_1997 {strides = array<i32>} : memref<53248xf32, #tpu.memory_space<vmem>>, vector<16xf32>,
      %mul3A_2006 = arith.mulf %get3A_29, %get3A_1945 : vector<16xf32>
      %add3A_2007 = arith.addf %get3A_43, %mul3A_2006 : vector<16xf32>
      %mul3A_2008 = arith.mulf %get3A_31, %get3A_1949 : vector<16xf32>
      %add3A_2009 = arith.addf %add3A_2007, %mul3A_2008 : vector<16xf32>
      %mul3A_2010 = arith.mulf %get3A_33, %get3A_1953 : vector<16xf32>
      %add3A_2011 = arith.addf %add3A_2009, %mul3A_2010 : vector<16xf32>
      %mul3A_2012 = arith.mulf %get3A_35, %get3A_1957 : vector<16xf32>
      %add3A_2013 = arith.addf %add3A_2011, %mul3A_2012 : vector<16xf32>
      %mul3A_2014 = arith.constant 512 : i32
      %mul3A_2015 = arith.muli %add3A_1941, %mul3A_2014 : i32
      %add3A_2016 = arith.constant 384 : i32
      %add3A_2017 = arith.addi %mul3A_2015, %add3A_2016 : i32
      %add3A_2018 = arith.constant 0 : i32
      %add3A_2019 = arith.addi %add3A_2017, %add3A_2018 : i32
      %swap3A_2020 = arith.index_cast %add3A_2019 : i32 to index
      %swap3A_2021 = tpu.vector_load %arg12[%swap3A_2020] {strides = array<i32>} : memref<53248xf32, #tpu.memory_space<vmem>>, vector<16xf32>,
      tpu.vector_store %arg12[%swap3A_2020], %add3A_2013 {strides = array<i32>} : memref<53248xf32, #tpu.memory_space<vmem>>, vector<16xf32>,
      %get3A_2022 = arith.constant 0 : i32
      %get3A_2023 = arith.index_cast %get3A_2022 : i32 to index
      %get3A_2024 = arith.constant 16 : index
      %get3A_2025 = tpu.vector_load %arg11[%get3A_2023, %get3A_2024] {strides = array<i32>} : memref<4x128xf32, #tpu.memory_space<vmem>>, vector<16xf32>,
      %get3A_2026 = arith.constant 1 : i32
      %get3A_2027 = arith.index_cast %get3A_2026 : i32 to index
      %get3A_2028 = arith.constant 16 : index
      %get3A_2029 = tpu.vector_load %arg11[%get3A_2027, %get3A_2028] {strides = array<i32>} : memref<4x128xf32, #tpu.memory_space<vmem>>, vector<16xf32>,
      %get3A_2030 = arith.constant 2 : i32
      %get3A_2031 = arith.index_cast %get3A_2030 : i32 to index
      %get3A_2032 = arith.constant 16 : index
      %get3A_2033 = tpu.vector_load %arg11[%get3A_2031, %get3A_2032] {strides = array<i32>} : memref<4x128xf32, #tpu.memory_space<vmem>>, vector<16xf32>,
      %get3A_2034 = arith.constant 3 : i32
      %get3A_2035 = arith.index_cast %get3A_2034 : i32 to index
      %get3A_2036 = arith.constant 16 : index
      %get3A_2037 = tpu.vector_load %arg11[%get3A_2035, %get3A_2036] {strides = array<i32>} : memref<4x128xf32, #tpu.memory_space<vmem>>, vector<16xf32>,
      %mul3A_2038 = arith.mulf %get3A_5, %get3A_2025 : vector<16xf32>
      %add3A_2039 = arith.addf %get3A_37, %mul3A_2038 : vector<16xf32>
      %mul3A_2040 = arith.mulf %get3A_7, %get3A_2029 : vector<16xf32>
      %add3A_2041 = arith.addf %add3A_2039, %mul3A_2040 : vector<16xf32>
      %mul3A_2042 = arith.mulf %get3A_9, %get3A_2033 : vector<16xf32>
      %add3A_2043 = arith.addf %add3A_2041, %mul3A_2042 : vector<16xf32>
      %mul3A_2044 = arith.mulf %get3A_11, %get3A_2037 : vector<16xf32>
      %add3A_2045 = arith.addf %add3A_2043, %mul3A_2044 : vector<16xf32>
      %mul3A_2046 = arith.constant 512 : i32
      %mul3A_2047 = arith.muli %add3A_1941, %mul3A_2046 : i32
      %add3A_2048 = arith.constant 0 : i32
      %add3A_2049 = arith.addi %mul3A_2047, %add3A_2048 : i32
      %add3A_2050 = arith.constant 16 : i32
      %add3A_2051 = arith.addi %add3A_2049, %add3A_2050 : i32
      %swap3A_2052 = arith.index_cast %add3A_2051 : i32 to index
      %swap3A_2053 = tpu.vector_load %arg12[%swap3A_2052] {strides = array<i32>} : memref<53248xf32, #tpu.memory_space<vmem>>, vector<16xf32>,
      tpu.vector_store %arg12[%swap3A_2052], %add3A_2045 {strides = array<i32>} : memref<53248xf32, #tpu.memory_space<vmem>>, vector<16xf32>,
      %mul3A_2054 = arith.mulf %get3A_13, %get3A_2025 : vector<16xf32>
      %add3A_2055 = arith.addf %get3A_39, %mul3A_2054 : vector<16xf32>
      %mul3A_2056 = arith.mulf %get3A_15, %get3A_2029 : vector<16xf32>
      %add3A_2057 = arith.addf %add3A_2055, %mul3A_2056 : vector<16xf32>
      %mul3A_2058 = arith.mulf %get3A_17, %get3A_2033 : vector<16xf32>
      %add3A_2059 = arith.addf %add3A_2057, %mul3A_2058 : vector<16xf32>
      %mul3A_2060 = arith.mulf %get3A_19, %get3A_2037 : vector<16xf32>
      %add3A_2061 = arith.addf %add3A_2059, %mul3A_2060 : vector<16xf32>
      %mul3A_2062 = arith.constant 512 : i32
      %mul3A_2063 = arith.muli %add3A_1941, %mul3A_2062 : i32
      %add3A_2064 = arith.constant 128 : i32
      %add3A_2065 = arith.addi %mul3A_2063, %add3A_2064 : i32
      %add3A_2066 = arith.constant 16 : i32
      %add3A_2067 = arith.addi %add3A_2065, %add3A_2066 : i32
      %swap3A_2068 = arith.index_cast %add3A_2067 : i32 to index
      %swap3A_2069 = tpu.vector_load %arg12[%swap3A_2068] {strides = array<i32>} : memref<53248xf32, #tpu.memory_space<vmem>>, vector<16xf32>,
      tpu.vector_store %arg12[%swap3A_2068], %add3A_2061 {strides = array<i32>} : memref<53248xf32, #tpu.memory_space<vmem>>, vector<16xf32>,
      %mul3A_2070 = arith.mulf %get3A_21, %get3A_2025 : vector<16xf32>
      %add3A_2071 = arith.addf %get3A_41, %mul3A_2070 : vector<16xf32>
      %mul3A_2072 = arith.mulf %get3A_23, %get3A_2029 : vector<16xf32>
      %add3A_2073 = arith.addf %add3A_2071, %mul3A_2072 : vector<16xf32>
      %mul3A_2074 = arith.mulf %get3A_25, %get3A_2033 : vector<16xf32>
      %add3A_2075 = arith.addf %add3A_2073, %mul3A_2074 : vector<16xf32>
      %mul3A_2076 = arith.mulf %get3A_27, %get3A_2037 : vector<16xf32>
      %add3A_2077 = arith.addf %add3A_2075, %mul3A_2076 : vector<16xf32>
      %mul3A_2078 = arith.constant 512 : i32
      %mul3A_2079 = arith.muli %add3A_1941, %mul3A_2078 : i32
      %add3A_2080 = arith.constant 256 : i32
      %add3A_2081 = arith.addi %mul3A_2079, %add3A_2080 : i32
      %add3A_2082 = arith.constant 16 : i32
      %add3A_2083 = arith.addi %add3A_2081, %add3A_2082 : i32
      %swap3A_2084 = arith.index_cast %add3A_2083 : i32 to index
      %swap3A_2085 = tpu.vector_load %arg12[%swap3A_2084] {strides = array<i32>} : memref<53248xf32, #tpu.memory_space<vmem>>, vector<16xf32>,
      tpu.vector_store %arg12[%swap3A_2084], %add3A_2077 {strides = array<i32>} : memref<53248xf32, #tpu.memory_space<vmem>>, vector<16xf32>,
      %mul3A_2086 = arith.mulf %get3A_29, %get3A_2025 : vector<16xf32>
      %add3A_2087 = arith.addf %get3A_43, %mul3A_2086 : vector<16xf32>
      %mul3A_2088 = arith.mulf %get3A_31, %get3A_2029 : vector<16xf32>
      %add3A_2089 = arith.addf %add3A_2087, %mul3A_2088 : vector<16xf32>
      %mul3A_2090 = arith.mulf %get3A_33, %get3A_2033 : vector<16xf32>
      %add3A_2091 = arith.addf %add3A_2089, %mul3A_2090 : vector<16xf32>
      %mul3A_2092 = arith.mulf %get3A_35, %get3A_2037 : vector<16xf32>
      %add3A_2093 = arith.addf %add3A_2091, %mul3A_2092 : vector<16xf32>
      %mul3A_2094 = arith.constant 512 : i32
      %mul3A_2095 = arith.muli %add3A_1941, %mul3A_2094 : i32
      %add3A_2096 = arith.constant 384 : i32
      %add3A_2097 = arith.addi %mul3A_2095, %add3A_2096 : i32
      %add3A_2098 = arith.constant 16 : i32
      %add3A_2099 = arith.addi %add3A_2097, %add3A_2098 : i32
      %swap3A_2100 = arith.index_cast %add3A_2099 : i32 to index
      %swap3A_2101 = tpu.vector_load %arg12[%swap3A_2100] {strides = array<i32>} : memref<53248xf32, #tpu.memory_space<vmem>>, vector<16xf32>,
      tpu.vector_store %arg12[%swap3A_2100], %add3A_2093 {strides = array<i32>} : memref<53248xf32, #tpu.memory_space<vmem>>, vector<16xf32>,
      %get3A_2102 = arith.constant 0 : i32
      %get3A_2103 = arith.index_cast %get3A_2102 : i32 to index
      %get3A_2104 = arith.constant 32 : index
      %get3A_2105 = tpu.vector_load %arg11[%get3A_2103, %get3A_2104] {strides = array<i32>} : memref<4x128xf32, #tpu.memory_space<vmem>>, vector<16xf32>,
      %get3A_2106 = arith.constant 1 : i32
      %get3A_2107 = arith.index_cast %get3A_2106 : i32 to index
      %get3A_2108 = arith.constant 32 : index
      %get3A_2109 = tpu.vector_load %arg11[%get3A_2107, %get3A_2108] {strides = array<i32>} : memref<4x128xf32, #tpu.memory_space<vmem>>, vector<16xf32>,
      %get3A_2110 = arith.constant 2 : i32
      %get3A_2111 = arith.index_cast %get3A_2110 : i32 to index
      %get3A_2112 = arith.constant 32 : index
      %get3A_2113 = tpu.vector_load %arg11[%get3A_2111, %get3A_2112] {strides = array<i32>} : memref<4x128xf32, #tpu.memory_space<vmem>>, vector<16xf32>,
      %get3A_2114 = arith.constant 3 : i32
      %get3A_2115 = arith.index_cast %get3A_2114 : i32 to index
      %get3A_2116 = arith.constant 32 : index
      %get3A_2117 = tpu.vector_load %arg11[%get3A_2115, %get3A_2116] {strides = array<i32>} : memref<4x128xf32, #tpu.memory_space<vmem>>, vector<16xf32>,
      %mul3A_2118 = arith.mulf %get3A_5, %get3A_2105 : vector<16xf32>
      %add3A_2119 = arith.addf %get3A_37, %mul3A_2118 : vector<16xf32>
      %mul3A_2120 = arith.mulf %get3A_7, %get3A_2109 : vector<16xf32>
      %add3A_2121 = arith.addf %add3A_2119, %mul3A_2120 : vector<16xf32>
      %mul3A_2122 = arith.mulf %get3A_9, %get3A_2113 : vector<16xf32>
      %add3A_2123 = arith.addf %add3A_2121, %mul3A_2122 : vector<16xf32>
      %mul3A_2124 = arith.mulf %get3A_11, %get3A_2117 : vector<16xf32>
      %add3A_2125 = arith.addf %add3A_2123, %mul3A_2124 : vector<16xf32>
      %mul3A_2126 = arith.constant 512 : i32
      %mul3A_2127 = arith.muli %add3A_1941, %mul3A_2126 : i32
      %add3A_2128 = arith.constant 0 : i32
      %add3A_2129 = arith.addi %mul3A_2127, %add3A_2128 : i32
      %add3A_2130 = arith.constant 32 : i32
      %add3A_2131 = arith.addi %add3A_2129, %add3A_2130 : i32
      %swap3A_2132 = arith.index_cast %add3A_2131 : i32 to index
      %swap3A_2133 = tpu.vector_load %arg12[%swap3A_2132] {strides = array<i32>} : memref<53248xf32, #tpu.memory_space<vmem>>, vector<16xf32>,
      tpu.vector_store %arg12[%swap3A_2132], %add3A_2125 {strides = array<i32>} : memref<53248xf32, #tpu.memory_space<vmem>>, vector<16xf32>,
      %mul3A_2134 = arith.mulf %get3A_13, %get3A_2105 : vector<16xf32>
      %add3A_2135 = arith.addf %get3A_39, %mul3A_2134 : vector<16xf32>
      %mul3A_2136 = arith.mulf %get3A_15, %get3A_2109 : vector<16xf32>
      %add3A_2137 = arith.addf %add3A_2135, %mul3A_2136 : vector<16xf32>
      %mul3A_2138 = arith.mulf %get3A_17, %get3A_2113 : vector<16xf32>
      %add3A_2139 = arith.addf %add3A_2137, %mul3A_2138 : vector<16xf32>
      %mul3A_2140 = arith.mulf %get3A_19, %get3A_2117 : vector<16xf32>
      %add3A_2141 = arith.addf %add3A_2139, %mul3A_2140 : vector<16xf32>
      %mul3A_2142 = arith.constant 512 : i32
      %mul3A_2143 = arith.muli %add3A_1941, %mul3A_2142 : i32
      %add3A_2144 = arith.constant 128 : i32
      %add3A_2145 = arith.addi %mul3A_2143, %add3A_2144 : i32
      %add3A_2146 = arith.constant 32 : i32
      %add3A_2147 = arith.addi %add3A_2145, %add3A_2146 : i32
      %swap3A_2148 = arith.index_cast %add3A_2147 : i32 to index
      %swap3A_2149 = tpu.vector_load %arg12[%swap3A_2148] {strides = array<i32>} : memref<53248xf32, #tpu.memory_space<vmem>>, vector<16xf32>,
      tpu.vector_store %arg12[%swap3A_2148], %add3A_2141 {strides = array<i32>} : memref<53248xf32, #tpu.memory_space<vmem>>, vector<16xf32>,
      %mul3A_2150 = arith.mulf %get3A_21, %get3A_2105 : vector<16xf32>
      %add3A_2151 = arith.addf %get3A_41, %mul3A_2150 : vector<16xf32>
      %mul3A_2152 = arith.mulf %get3A_23, %get3A_2109 : vector<16xf32>
      %add3A_2153 = arith.addf %add3A_2151, %mul3A_2152 : vector<16xf32>
      %mul3A_2154 = arith.mulf %get3A_25, %get3A_2113 : vector<16xf32>
      %add3A_2155 = arith.addf %add3A_2153, %mul3A_2154 : vector<16xf32>
      %mul3A_2156 = arith.mulf %get3A_27, %get3A_2117 : vector<16xf32>
      %add3A_2157 = arith.addf %add3A_2155, %mul3A_2156 : vector<16xf32>
      %mul3A_2158 = arith.constant 512 : i32
      %mul3A_2159 = arith.muli %add3A_1941, %mul3A_2158 : i32
      %add3A_2160 = arith.constant 256 : i32
      %add3A_2161 = arith.addi %mul3A_2159, %add3A_2160 : i32
      %add3A_2162 = arith.constant 32 : i32
      %add3A_2163 = arith.addi %add3A_2161, %add3A_2162 : i32
      %swap3A_2164 = arith.index_cast %add3A_2163 : i32 to index
      %swap3A_2165 = tpu.vector_load %arg12[%swap3A_2164] {strides = array<i32>} : memref<53248xf32, #tpu.memory_space<vmem>>, vector<16xf32>,
      tpu.vector_store %arg12[%swap3A_2164], %add3A_2157 {strides = array<i32>} : memref<53248xf32, #tpu.memory_space<vmem>>, vector<16xf32>,
      %mul3A_2166 = arith.mulf %get3A_29, %get3A_2105 : vector<16xf32>
      %add3A_2167 = arith.addf %get3A_43, %mul3A_2166 : vector<16xf32>
      %mul3A_2168 = arith.mulf %get3A_31, %get3A_2109 : vector<16xf32>
      %add3A_2169 = arith.addf %add3A_2167, %mul3A_2168 : vector<16xf32>
      %mul3A_2170 = arith.mulf %get3A_33, %get3A_2113 : vector<16xf32>
      %add3A_2171 = arith.addf %add3A_2169, %mul3A_2170 : vector<16xf32>
      %mul3A_2172 = arith.mulf %get3A_35, %get3A_2117 : vector<16xf32>
      %add3A_2173 = arith.addf %add3A_2171, %mul3A_2172 : vector<16xf32>
      %mul3A_2174 = arith.constant 512 : i32
      %mul3A_2175 = arith.muli %add3A_1941, %mul3A_2174 : i32
      %add3A_2176 = arith.constant 384 : i32
      %add3A_2177 = arith.addi %mul3A_2175, %add3A_2176 : i32
      %add3A_2178 = arith.constant 32 : i32
      %add3A_2179 = arith.addi %add3A_2177, %add3A_2178 : i32
      %swap3A_2180 = arith.index_cast %add3A_2179 : i32 to index
      %swap3A_2181 = tpu.vector_load %arg12[%swap3A_2180] {strides = array<i32>} : memref<53248xf32, #tpu.memory_space<vmem>>, vector<16xf32>,
      tpu.vector_store %arg12[%swap3A_2180], %add3A_2173 {strides = array<i32>} : memref<53248xf32, #tpu.memory_space<vmem>>, vector<16xf32>,
      %get3A_2182 = arith.constant 0 : i32
      %get3A_2183 = arith.index_cast %get3A_2182 : i32 to index
      %get3A_2184 = arith.constant 48 : index
      %get3A_2185 = tpu.vector_load %arg11[%get3A_2183, %get3A_2184] {strides = array<i32>} : memref<4x128xf32, #tpu.memory_space<vmem>>, vector<16xf32>,
      %get3A_2186 = arith.constant 1 : i32
      %get3A_2187 = arith.index_cast %get3A_2186 : i32 to index
      %get3A_2188 = arith.constant 48 : index
      %get3A_2189 = tpu.vector_load %arg11[%get3A_2187, %get3A_2188] {strides = array<i32>} : memref<4x128xf32, #tpu.memory_space<vmem>>, vector<16xf32>,
      %get3A_2190 = arith.constant 2 : i32
      %get3A_2191 = arith.index_cast %get3A_2190 : i32 to index
      %get3A_2192 = arith.constant 48 : index
      %get3A_2193 = tpu.vector_load %arg11[%get3A_2191, %get3A_2192] {strides = array<i32>} : memref<4x128xf32, #tpu.memory_space<vmem>>, vector<16xf32>,
      %get3A_2194 = arith.constant 3 : i32
      %get3A_2195 = arith.index_cast %get3A_2194 : i32 to index
      %get3A_2196 = arith.constant 48 : index
      %get3A_2197 = tpu.vector_load %arg11[%get3A_2195, %get3A_2196] {strides = array<i32>} : memref<4x128xf32, #tpu.memory_space<vmem>>, vector<16xf32>,
      %mul3A_2198 = arith.mulf %get3A_5, %get3A_2185 : vector<16xf32>
      %add3A_2199 = arith.addf %get3A_37, %mul3A_2198 : vector<16xf32>
      %mul3A_2200 = arith.mulf %get3A_7, %get3A_2189 : vector<16xf32>
      %add3A_2201 = arith.addf %add3A_2199, %mul3A_2200 : vector<16xf32>
      %mul3A_2202 = arith.mulf %get3A_9, %get3A_2193 : vector<16xf32>
      %add3A_2203 = arith.addf %add3A_2201, %mul3A_2202 : vector<16xf32>
      %mul3A_2204 = arith.mulf %get3A_11, %get3A_2197 : vector<16xf32>
      %add3A_2205 = arith.addf %add3A_2203, %mul3A_2204 : vector<16xf32>
      %mul3A_2206 = arith.constant 512 : i32
      %mul3A_2207 = arith.muli %add3A_1941, %mul3A_2206 : i32
      %add3A_2208 = arith.constant 0 : i32
      %add3A_2209 = arith.addi %mul3A_2207, %add3A_2208 : i32
      %add3A_2210 = arith.constant 48 : i32
      %add3A_2211 = arith.addi %add3A_2209, %add3A_2210 : i32
      %swap3A_2212 = arith.index_cast %add3A_2211 : i32 to index
      %swap3A_2213 = tpu.vector_load %arg12[%swap3A_2212] {strides = array<i32>} : memref<53248xf32, #tpu.memory_space<vmem>>, vector<16xf32>,
      tpu.vector_store %arg12[%swap3A_2212], %add3A_2205 {strides = array<i32>} : memref<53248xf32, #tpu.memory_space<vmem>>, vector<16xf32>,
      %mul3A_2214 = arith.mulf %get3A_13, %get3A_2185 : vector<16xf32>
      %add3A_2215 = arith.addf %get3A_39, %mul3A_2214 : vector<16xf32>
      %mul3A_2216 = arith.mulf %get3A_15, %get3A_2189 : vector<16xf32>
      %add3A_2217 = arith.addf %add3A_2215, %mul3A_2216 : vector<16xf32>
      %mul3A_2218 = arith.mulf %get3A_17, %get3A_2193 : vector<16xf32>
      %add3A_2219 = arith.addf %add3A_2217, %mul3A_2218 : vector<16xf32>
      %mul3A_2220 = arith.mulf %get3A_19, %get3A_2197 : vector<16xf32>
      %add3A_2221 = arith.addf %add3A_2219, %mul3A_2220 : vector<16xf32>
      %mul3A_2222 = arith.constant 512 : i32
      %mul3A_2223 = arith.muli %add3A_1941, %mul3A_2222 : i32
      %add3A_2224 = arith.constant 128 : i32
      %add3A_2225 = arith.addi %mul3A_2223, %add3A_2224 : i32
      %add3A_2226 = arith.constant 48 : i32
      %add3A_2227 = arith.addi %add3A_2225, %add3A_2226 : i32
      %swap3A_2228 = arith.index_cast %add3A_2227 : i32 to index
      %swap3A_2229 = tpu.vector_load %arg12[%swap3A_2228] {strides = array<i32>} : memref<53248xf32, #tpu.memory_space<vmem>>, vector<16xf32>,
      tpu.vector_store %arg12[%swap3A_2228], %add3A_2221 {strides = array<i32>} : memref<53248xf32, #tpu.memory_space<vmem>>, vector<16xf32>,
      %mul3A_2230 = arith.mulf %get3A_21, %get3A_2185 : vector<16xf32>
      %add3A_2231 = arith.addf %get3A_41, %mul3A_2230 : vector<16xf32>
      %mul3A_2232 = arith.mulf %get3A_23, %get3A_2189 : vector<16xf32>
      %add3A_2233 = arith.addf %add3A_2231, %mul3A_2232 : vector<16xf32>
      %mul3A_2234 = arith.mulf %get3A_25, %get3A_2193 : vector<16xf32>
      %add3A_2235 = arith.addf %add3A_2233, %mul3A_2234 : vector<16xf32>
      %mul3A_2236 = arith.mulf %get3A_27, %get3A_2197 : vector<16xf32>
      %add3A_2237 = arith.addf %add3A_2235, %mul3A_2236 : vector<16xf32>
      %mul3A_2238 = arith.constant 512 : i32
      %mul3A_2239 = arith.muli %add3A_1941, %mul3A_2238 : i32
      %add3A_2240 = arith.constant 256 : i32
      %add3A_2241 = arith.addi %mul3A_2239, %add3A_2240 : i32
      %add3A_2242 = arith.constant 48 : i32
      %add3A_2243 = arith.addi %add3A_2241, %add3A_2242 : i32
      %swap3A_2244 = arith.index_cast %add3A_2243 : i32 to index
      %swap3A_2245 = tpu.vector_load %arg12[%swap3A_2244] {strides = array<i32>} : memref<53248xf32, #tpu.memory_space<vmem>>, vector<16xf32>,
      tpu.vector_store %arg12[%swap3A_2244], %add3A_2237 {strides = array<i32>} : memref<53248xf32, #tpu.memory_space<vmem>>, vector<16xf32>,
      %mul3A_2246 = arith.mulf %get3A_29, %get3A_2185 : vector<16xf32>
      %add3A_2247 = arith.addf %get3A_43, %mul3A_2246 : vector<16xf32>
      %mul3A_2248 = arith.mulf %get3A_31, %get3A_2189 : vector<16xf32>
      %add3A_2249 = arith.addf %add3A_2247, %mul3A_2248 : vector<16xf32>
      %mul3A_2250 = arith.mulf %get3A_33, %get3A_2193 : vector<16xf32>
      %add3A_2251 = arith.addf %add3A_2249, %mul3A_2250 : vector<16xf32>
      %mul3A_2252 = arith.mulf %get3A_35, %get3A_2197 : vector<16xf32>
      %add3A_2253 = arith.addf %add3A_2251, %mul3A_2252 : vector<16xf32>
      %mul3A_2254 = arith.constant 512 : i32
      %mul3A_2255 = arith.muli %add3A_1941, %mul3A_2254 : i32
      %add3A_2256 = arith.constant 384 : i32
      %add3A_2257 = arith.addi %mul3A_2255, %add3A_2256 : i32
      %add3A_2258 = arith.constant 48 : i32
      %add3A_2259 = arith.addi %add3A_2257, %add3A_2258 : i32
      %swap3A_2260 = arith.index_cast %add3A_2259 : i32 to index
      %swap3A_2261 = tpu.vector_load %arg12[%swap3A_2260] {strides = array<i32>} : memref<53248xf32, #tpu.memory_space<vmem>>, vector<16xf32>,
      tpu.vector_store %arg12[%swap3A_2260], %add3A_2253 {strides = array<i32>} : memref<53248xf32, #tpu.memory_space<vmem>>, vector<16xf32>,
      %get3A_2262 = arith.constant 0 : i32
      %get3A_2263 = arith.index_cast %get3A_2262 : i32 to index
      %get3A_2264 = arith.constant 64 : index
      %get3A_2265 = tpu.vector_load %arg11[%get3A_2263, %get3A_2264] {strides = array<i32>} : memref<4x128xf32, #tpu.memory_space<vmem>>, vector<16xf32>,
      %get3A_2266 = arith.constant 1 : i32
      %get3A_2267 = arith.index_cast %get3A_2266 : i32 to index
      %get3A_2268 = arith.constant 64 : index
      %get3A_2269 = tpu.vector_load %arg11[%get3A_2267, %get3A_2268] {strides = array<i32>} : memref<4x128xf32, #tpu.memory_space<vmem>>, vector<16xf32>,
      %get3A_2270 = arith.constant 2 : i32
      %get3A_2271 = arith.index_cast %get3A_2270 : i32 to index
      %get3A_2272 = arith.constant 64 : index
      %get3A_2273 = tpu.vector_load %arg11[%get3A_2271, %get3A_2272] {strides = array<i32>} : memref<4x128xf32, #tpu.memory_space<vmem>>, vector<16xf32>,
      %get3A_2274 = arith.constant 3 : i32
      %get3A_2275 = arith.index_cast %get3A_2274 : i32 to index
      %get3A_2276 = arith.constant 64 : index
      %get3A_2277 = tpu.vector_load %arg11[%get3A_2275, %get3A_2276] {strides = array<i32>} : memref<4x128xf32, #tpu.memory_space<vmem>>, vector<16xf32>,
      %mul3A_2278 = arith.mulf %get3A_5, %get3A_2265 : vector<16xf32>
      %add3A_2279 = arith.addf %get3A_37, %mul3A_2278 : vector<16xf32>
      %mul3A_2280 = arith.mulf %get3A_7, %get3A_2269 : vector<16xf32>
      %add3A_2281 = arith.addf %add3A_2279, %mul3A_2280 : vector<16xf32>
      %mul3A_2282 = arith.mulf %get3A_9, %get3A_2273 : vector<16xf32>
      %add3A_2283 = arith.addf %add3A_2281, %mul3A_2282 : vector<16xf32>
      %mul3A_2284 = arith.mulf %get3A_11, %get3A_2277 : vector<16xf32>
      %add3A_2285 = arith.addf %add3A_2283, %mul3A_2284 : vector<16xf32>
      %mul3A_2286 = arith.constant 512 : i32
      %mul3A_2287 = arith.muli %add3A_1941, %mul3A_2286 : i32
      %add3A_2288 = arith.constant 0 : i32
      %add3A_2289 = arith.addi %mul3A_2287, %add3A_2288 : i32
      %add3A_2290 = arith.constant 64 : i32
      %add3A_2291 = arith.addi %add3A_2289, %add3A_2290 : i32
      %swap3A_2292 = arith.index_cast %add3A_2291 : i32 to index
      %swap3A_2293 = tpu.vector_load %arg12[%swap3A_2292] {strides = array<i32>} : memref<53248xf32, #tpu.memory_space<vmem>>, vector<16xf32>,
      tpu.vector_store %arg12[%swap3A_2292], %add3A_2285 {strides = array<i32>} : memref<53248xf32, #tpu.memory_space<vmem>>, vector<16xf32>,
      %mul3A_2294 = arith.mulf %get3A_13, %get3A_2265 : vector<16xf32>
      %add3A_2295 = arith.addf %get3A_39, %mul3A_2294 : vector<16xf32>
      %mul3A_2296 = arith.mulf %get3A_15, %get3A_2269 : vector<16xf32>
      %add3A_2297 = arith.addf %add3A_2295, %mul3A_2296 : vector<16xf32>
      %mul3A_2298 = arith.mulf %get3A_17, %get3A_2273 : vector<16xf32>
      %add3A_2299 = arith.addf %add3A_2297, %mul3A_2298 : vector<16xf32>
      %mul3A_2300 = arith.mulf %get3A_19, %get3A_2277 : vector<16xf32>
      %add3A_2301 = arith.addf %add3A_2299, %mul3A_2300 : vector<16xf32>
      %mul3A_2302 = arith.constant 512 : i32
      %mul3A_2303 = arith.muli %add3A_1941, %mul3A_2302 : i32
      %add3A_2304 = arith.constant 128 : i32
      %add3A_2305 = arith.addi %mul3A_2303, %add3A_2304 : i32
      %add3A_2306 = arith.constant 64 : i32
      %add3A_2307 = arith.addi %add3A_2305, %add3A_2306 : i32
      %swap3A_2308 = arith.index_cast %add3A_2307 : i32 to index
      %swap3A_2309 = tpu.vector_load %arg12[%swap3A_2308] {strides = array<i32>} : memref<53248xf32, #tpu.memory_space<vmem>>, vector<16xf32>,
      tpu.vector_store %arg12[%swap3A_2308], %add3A_2301 {strides = array<i32>} : memref<53248xf32, #tpu.memory_space<vmem>>, vector<16xf32>,
      %mul3A_2310 = arith.mulf %get3A_21, %get3A_2265 : vector<16xf32>
      %add3A_2311 = arith.addf %get3A_41, %mul3A_2310 : vector<16xf32>
      %mul3A_2312 = arith.mulf %get3A_23, %get3A_2269 : vector<16xf32>
      %add3A_2313 = arith.addf %add3A_2311, %mul3A_2312 : vector<16xf32>
      %mul3A_2314 = arith.mulf %get3A_25, %get3A_2273 : vector<16xf32>
      %add3A_2315 = arith.addf %add3A_2313, %mul3A_2314 : vector<16xf32>
      %mul3A_2316 = arith.mulf %get3A_27, %get3A_2277 : vector<16xf32>
      %add3A_2317 = arith.addf %add3A_2315, %mul3A_2316 : vector<16xf32>
      %mul3A_2318 = arith.constant 512 : i32
      %mul3A_2319 = arith.muli %add3A_1941, %mul3A_2318 : i32
      %add3A_2320 = arith.constant 256 : i32
      %add3A_2321 = arith.addi %mul3A_2319, %add3A_2320 : i32
      %add3A_2322 = arith.constant 64 : i32
      %add3A_2323 = arith.addi %add3A_2321, %add3A_2322 : i32
      %swap3A_2324 = arith.index_cast %add3A_2323 : i32 to index
      %swap3A_2325 = tpu.vector_load %arg12[%swap3A_2324] {strides = array<i32>} : memref<53248xf32, #tpu.memory_space<vmem>>, vector<16xf32>,
      tpu.vector_store %arg12[%swap3A_2324], %add3A_2317 {strides = array<i32>} : memref<53248xf32, #tpu.memory_space<vmem>>, vector<16xf32>,
      %mul3A_2326 = arith.mulf %get3A_29, %get3A_2265 : vector<16xf32>
      %add3A_2327 = arith.addf %get3A_43, %mul3A_2326 : vector<16xf32>
      %mul3A_2328 = arith.mulf %get3A_31, %get3A_2269 : vector<16xf32>
      %add3A_2329 = arith.addf %add3A_2327, %mul3A_2328 : vector<16xf32>
      %mul3A_2330 = arith.mulf %get3A_33, %get3A_2273 : vector<16xf32>
      %add3A_2331 = arith.addf %add3A_2329, %mul3A_2330 : vector<16xf32>
      %mul3A_2332 = arith.mulf %get3A_35, %get3A_2277 : vector<16xf32>
      %add3A_2333 = arith.addf %add3A_2331, %mul3A_2332 : vector<16xf32>
      %mul3A_2334 = arith.constant 512 : i32
      %mul3A_2335 = arith.muli %add3A_1941, %mul3A_2334 : i32
      %add3A_2336 = arith.constant 384 : i32
      %add3A_2337 = arith.addi %mul3A_2335, %add3A_2336 : i32
      %add3A_2338 = arith.constant 64 : i32
      %add3A_2339 = arith.addi %add3A_2337, %add3A_2338 : i32
      %swap3A_2340 = arith.index_cast %add3A_2339 : i32 to index
      %swap3A_2341 = tpu.vector_load %arg12[%swap3A_2340] {strides = array<i32>} : memref<53248xf32, #tpu.memory_space<vmem>>, vector<16xf32>,
      tpu.vector_store %arg12[%swap3A_2340], %add3A_2333 {strides = array<i32>} : memref<53248xf32, #tpu.memory_space<vmem>>, vector<16xf32>,
      %get3A_2342 = arith.constant 0 : i32
      %get3A_2343 = arith.index_cast %get3A_2342 : i32 to index
      %get3A_2344 = arith.constant 80 : index
      %get3A_2345 = tpu.vector_load %arg11[%get3A_2343, %get3A_2344] {strides = array<i32>} : memref<4x128xf32, #tpu.memory_space<vmem>>, vector<16xf32>,
      %get3A_2346 = arith.constant 1 : i32
      %get3A_2347 = arith.index_cast %get3A_2346 : i32 to index
      %get3A_2348 = arith.constant 80 : index
      %get3A_2349 = tpu.vector_load %arg11[%get3A_2347, %get3A_2348] {strides = array<i32>} : memref<4x128xf32, #tpu.memory_space<vmem>>, vector<16xf32>,
      %get3A_2350 = arith.constant 2 : i32
      %get3A_2351 = arith.index_cast %get3A_2350 : i32 to index
      %get3A_2352 = arith.constant 80 : index
      %get3A_2353 = tpu.vector_load %arg11[%get3A_2351, %get3A_2352] {strides = array<i32>} : memref<4x128xf32, #tpu.memory_space<vmem>>, vector<16xf32>,
      %get3A_2354 = arith.constant 3 : i32
      %get3A_2355 = arith.index_cast %get3A_2354 : i32 to index
      %get3A_2356 = arith.constant 80 : index
      %get3A_2357 = tpu.vector_load %arg11[%get3A_2355, %get3A_2356] {strides = array<i32>} : memref<4x128xf32, #tpu.memory_space<vmem>>, vector<16xf32>,
      %mul3A_2358 = arith.mulf %get3A_5, %get3A_2345 : vector<16xf32>
      %add3A_2359 = arith.addf %get3A_37, %mul3A_2358 : vector<16xf32>
      %mul3A_2360 = arith.mulf %get3A_7, %get3A_2349 : vector<16xf32>
      %add3A_2361 = arith.addf %add3A_2359, %mul3A_2360 : vector<16xf32>
      %mul3A_2362 = arith.mulf %get3A_9, %get3A_2353 : vector<16xf32>
      %add3A_2363 = arith.addf %add3A_2361, %mul3A_2362 : vector<16xf32>
      %mul3A_2364 = arith.mulf %get3A_11, %get3A_2357 : vector<16xf32>
      %add3A_2365 = arith.addf %add3A_2363, %mul3A_2364 : vector<16xf32>
      %mul3A_2366 = arith.constant 512 : i32
      %mul3A_2367 = arith.muli %add3A_1941, %mul3A_2366 : i32
      %add3A_2368 = arith.constant 0 : i32
      %add3A_2369 = arith.addi %mul3A_2367, %add3A_2368 : i32
      %add3A_2370 = arith.constant 80 : i32
      %add3A_2371 = arith.addi %add3A_2369, %add3A_2370 : i32
      %swap3A_2372 = arith.index_cast %add3A_2371 : i32 to index
      %swap3A_2373 = tpu.vector_load %arg12[%swap3A_2372] {strides = array<i32>} : memref<53248xf32, #tpu.memory_space<vmem>>, vector<16xf32>,
      tpu.vector_store %arg12[%swap3A_2372], %add3A_2365 {strides = array<i32>} : memref<53248xf32, #tpu.memory_space<vmem>>, vector<16xf32>,
      %mul3A_2374 = arith.mulf %get3A_13, %get3A_2345 : vector<16xf32>
      %add3A_2375 = arith.addf %get3A_39, %mul3A_2374 : vector<16xf32>
      %mul3A_2376 = arith.mulf %get3A_15, %get3A_2349 : vector<16xf32>
      %add3A_2377 = arith.addf %add3A_2375, %mul3A_2376 : vector<16xf32>
      %mul3A_2378 = arith.mulf %get3A_17, %get3A_2353 : vector<16xf32>
      %add3A_2379 = arith.addf %add3A_2377, %mul3A_2378 : vector<16xf32>
      %mul3A_2380 = arith.mulf %get3A_19, %get3A_2357 : vector<16xf32>
      %add3A_2381 = arith.addf %add3A_2379, %mul3A_2380 : vector<16xf32>
      %mul3A_2382 = arith.constant 512 : i32
      %mul3A_2383 = arith.muli %add3A_1941, %mul3A_2382 : i32
      %add3A_2384 = arith.constant 128 : i32
      %add3A_2385 = arith.addi %mul3A_2383, %add3A_2384 : i32
      %add3A_2386 = arith.constant 80 : i32
      %add3A_2387 = arith.addi %add3A_2385, %add3A_2386 : i32
      %swap3A_2388 = arith.index_cast %add3A_2387 : i32 to index
      %swap3A_2389 = tpu.vector_load %arg12[%swap3A_2388] {strides = array<i32>} : memref<53248xf32, #tpu.memory_space<vmem>>, vector<16xf32>,
      tpu.vector_store %arg12[%swap3A_2388], %add3A_2381 {strides = array<i32>} : memref<53248xf32, #tpu.memory_space<vmem>>, vector<16xf32>,
      %mul3A_2390 = arith.mulf %get3A_21, %get3A_2345 : vector<16xf32>
      %add3A_2391 = arith.addf %get3A_41, %mul3A_2390 : vector<16xf32>
      %mul3A_2392 = arith.mulf %get3A_23, %get3A_2349 : vector<16xf32>
      %add3A_2393 = arith.addf %add3A_2391, %mul3A_2392 : vector<16xf32>
      %mul3A_2394 = arith.mulf %get3A_25, %get3A_2353 : vector<16xf32>
      %add3A_2395 = arith.addf %add3A_2393, %mul3A_2394 : vector<16xf32>
      %mul3A_2396 = arith.mulf %get3A_27, %get3A_2357 : vector<16xf32>
      %add3A_2397 = arith.addf %add3A_2395, %mul3A_2396 : vector<16xf32>
      %mul3A_2398 = arith.constant 512 : i32
      %mul3A_2399 = arith.muli %add3A_1941, %mul3A_2398 : i32
      %add3A_2400 = arith.constant 256 : i32
      %add3A_2401 = arith.addi %mul3A_2399, %add3A_2400 : i32
      %add3A_2402 = arith.constant 80 : i32
      %add3A_2403 = arith.addi %add3A_2401, %add3A_2402 : i32
      %swap3A_2404 = arith.index_cast %add3A_2403 : i32 to index
      %swap3A_2405 = tpu.vector_load %arg12[%swap3A_2404] {strides = array<i32>} : memref<53248xf32, #tpu.memory_space<vmem>>, vector<16xf32>,
      tpu.vector_store %arg12[%swap3A_2404], %add3A_2397 {strides = array<i32>} : memref<53248xf32, #tpu.memory_space<vmem>>, vector<16xf32>,
      %mul3A_2406 = arith.mulf %get3A_29, %get3A_2345 : vector<16xf32>
      %add3A_2407 = arith.addf %get3A_43, %mul3A_2406 : vector<16xf32>
      %mul3A_2408 = arith.mulf %get3A_31, %get3A_2349 : vector<16xf32>
      %add3A_2409 = arith.addf %add3A_2407, %mul3A_2408 : vector<16xf32>
      %mul3A_2410 = arith.mulf %get3A_33, %get3A_2353 : vector<16xf32>
      %add3A_2411 = arith.addf %add3A_2409, %mul3A_2410 : vector<16xf32>
      %mul3A_2412 = arith.mulf %get3A_35, %get3A_2357 : vector<16xf32>
      %add3A_2413 = arith.addf %add3A_2411, %mul3A_2412 : vector<16xf32>
      %mul3A_2414 = arith.constant 512 : i32
      %mul3A_2415 = arith.muli %add3A_1941, %mul3A_2414 : i32
      %add3A_2416 = arith.constant 384 : i32
      %add3A_2417 = arith.addi %mul3A_2415, %add3A_2416 : i32
      %add3A_2418 = arith.constant 80 : i32
      %add3A_2419 = arith.addi %add3A_2417, %add3A_2418 : i32
      %swap3A_2420 = arith.index_cast %add3A_2419 : i32 to index
      %swap3A_2421 = tpu.vector_load %arg12[%swap3A_2420] {strides = array<i32>} : memref<53248xf32, #tpu.memory_space<vmem>>, vector<16xf32>,
      tpu.vector_store %arg12[%swap3A_2420], %add3A_2413 {strides = array<i32>} : memref<53248xf32, #tpu.memory_space<vmem>>, vector<16xf32>,
      %get3A_2422 = arith.constant 0 : i32
      %get3A_2423 = arith.index_cast %get3A_2422 : i32 to index
      %get3A_2424 = arith.constant 96 : index
      %get3A_2425 = tpu.vector_load %arg11[%get3A_2423, %get3A_2424] {strides = array<i32>} : memref<4x128xf32, #tpu.memory_space<vmem>>, vector<16xf32>,
      %get3A_2426 = arith.constant 1 : i32
      %get3A_2427 = arith.index_cast %get3A_2426 : i32 to index
      %get3A_2428 = arith.constant 96 : index
      %get3A_2429 = tpu.vector_load %arg11[%get3A_2427, %get3A_2428] {strides = array<i32>} : memref<4x128xf32, #tpu.memory_space<vmem>>, vector<16xf32>,
      %get3A_2430 = arith.constant 2 : i32
      %get3A_2431 = arith.index_cast %get3A_2430 : i32 to index
      %get3A_2432 = arith.constant 96 : index
      %get3A_2433 = tpu.vector_load %arg11[%get3A_2431, %get3A_2432] {strides = array<i32>} : memref<4x128xf32, #tpu.memory_space<vmem>>, vector<16xf32>,
      %get3A_2434 = arith.constant 3 : i32
      %get3A_2435 = arith.index_cast %get3A_2434 : i32 to index
      %get3A_2436 = arith.constant 96 : index
      %get3A_2437 = tpu.vector_load %arg11[%get3A_2435, %get3A_2436] {strides = array<i32>} : memref<4x128xf32, #tpu.memory_space<vmem>>, vector<16xf32>,
      %mul3A_2438 = arith.mulf %get3A_5, %get3A_2425 : vector<16xf32>
      %add3A_2439 = arith.addf %get3A_37, %mul3A_2438 : vector<16xf32>
      %mul3A_2440 = arith.mulf %get3A_7, %get3A_2429 : vector<16xf32>
      %add3A_2441 = arith.addf %add3A_2439, %mul3A_2440 : vector<16xf32>
      %mul3A_2442 = arith.mulf %get3A_9, %get3A_2433 : vector<16xf32>
      %add3A_2443 = arith.addf %add3A_2441, %mul3A_2442 : vector<16xf32>
      %mul3A_2444 = arith.mulf %get3A_11, %get3A_2437 : vector<16xf32>
      %add3A_2445 = arith.addf %add3A_2443, %mul3A_2444 : vector<16xf32>
      %mul3A_2446 = arith.constant 512 : i32
      %mul3A_2447 = arith.muli %add3A_1941, %mul3A_2446 : i32
      %add3A_2448 = arith.constant 0 : i32
      %add3A_2449 = arith.addi %mul3A_2447, %add3A_2448 : i32
      %add3A_2450 = arith.constant 96 : i32
      %add3A_2451 = arith.addi %add3A_2449, %add3A_2450 : i32
      %swap3A_2452 = arith.index_cast %add3A_2451 : i32 to index
      %swap3A_2453 = tpu.vector_load %arg12[%swap3A_2452] {strides = array<i32>} : memref<53248xf32, #tpu.memory_space<vmem>>, vector<16xf32>,
      tpu.vector_store %arg12[%swap3A_2452], %add3A_2445 {strides = array<i32>} : memref<53248xf32, #tpu.memory_space<vmem>>, vector<16xf32>,
      %mul3A_2454 = arith.mulf %get3A_13, %get3A_2425 : vector<16xf32>
      %add3A_2455 = arith.addf %get3A_39, %mul3A_2454 : vector<16xf32>
      %mul3A_2456 = arith.mulf %get3A_15, %get3A_2429 : vector<16xf32>
      %add3A_2457 = arith.addf %add3A_2455, %mul3A_2456 : vector<16xf32>
      %mul3A_2458 = arith.mulf %get3A_17, %get3A_2433 : vector<16xf32>
      %add3A_2459 = arith.addf %add3A_2457, %mul3A_2458 : vector<16xf32>
      %mul3A_2460 = arith.mulf %get3A_19, %get3A_2437 : vector<16xf32>
      %add3A_2461 = arith.addf %add3A_2459, %mul3A_2460 : vector<16xf32>
      %mul3A_2462 = arith.constant 512 : i32
      %mul3A_2463 = arith.muli %add3A_1941, %mul3A_2462 : i32
      %add3A_2464 = arith.constant 128 : i32
      %add3A_2465 = arith.addi %mul3A_2463, %add3A_2464 : i32
      %add3A_2466 = arith.constant 96 : i32
      %add3A_2467 = arith.addi %add3A_2465, %add3A_2466 : i32
      %swap3A_2468 = arith.index_cast %add3A_2467 : i32 to index
      %swap3A_2469 = tpu.vector_load %arg12[%swap3A_2468] {strides = array<i32>} : memref<53248xf32, #tpu.memory_space<vmem>>, vector<16xf32>,
      tpu.vector_store %arg12[%swap3A_2468], %add3A_2461 {strides = array<i32>} : memref<53248xf32, #tpu.memory_space<vmem>>, vector<16xf32>,
      %mul3A_2470 = arith.mulf %get3A_21, %get3A_2425 : vector<16xf32>
      %add3A_2471 = arith.addf %get3A_41, %mul3A_2470 : vector<16xf32>
      %mul3A_2472 = arith.mulf %get3A_23, %get3A_2429 : vector<16xf32>
      %add3A_2473 = arith.addf %add3A_2471, %mul3A_2472 : vector<16xf32>
      %mul3A_2474 = arith.mulf %get3A_25, %get3A_2433 : vector<16xf32>
      %add3A_2475 = arith.addf %add3A_2473, %mul3A_2474 : vector<16xf32>
      %mul3A_2476 = arith.mulf %get3A_27, %get3A_2437 : vector<16xf32>
      %add3A_2477 = arith.addf %add3A_2475, %mul3A_2476 : vector<16xf32>
      %mul3A_2478 = arith.constant 512 : i32
      %mul3A_2479 = arith.muli %add3A_1941, %mul3A_2478 : i32
      %add3A_2480 = arith.constant 256 : i32
      %add3A_2481 = arith.addi %mul3A_2479, %add3A_2480 : i32
      %add3A_2482 = arith.constant 96 : i32
      %add3A_2483 = arith.addi %add3A_2481, %add3A_2482 : i32
      %swap3A_2484 = arith.index_cast %add3A_2483 : i32 to index
      %swap3A_2485 = tpu.vector_load %arg12[%swap3A_2484] {strides = array<i32>} : memref<53248xf32, #tpu.memory_space<vmem>>, vector<16xf32>,
      tpu.vector_store %arg12[%swap3A_2484], %add3A_2477 {strides = array<i32>} : memref<53248xf32, #tpu.memory_space<vmem>>, vector<16xf32>,
      %mul3A_2486 = arith.mulf %get3A_29, %get3A_2425 : vector<16xf32>
      %add3A_2487 = arith.addf %get3A_43, %mul3A_2486 : vector<16xf32>
      %mul3A_2488 = arith.mulf %get3A_31, %get3A_2429 : vector<16xf32>
      %add3A_2489 = arith.addf %add3A_2487, %mul3A_2488 : vector<16xf32>
      %mul3A_2490 = arith.mulf %get3A_33, %get3A_2433 : vector<16xf32>
      %add3A_2491 = arith.addf %add3A_2489, %mul3A_2490 : vector<16xf32>
      %mul3A_2492 = arith.mulf %get3A_35, %get3A_2437 : vector<16xf32>
      %add3A_2493 = arith.addf %add3A_2491, %mul3A_2492 : vector<16xf32>
      %mul3A_2494 = arith.constant 512 : i32
      %mul3A_2495 = arith.muli %add3A_1941, %mul3A_2494 : i32
      %add3A_2496 = arith.constant 384 : i32
      %add3A_2497 = arith.addi %mul3A_2495, %add3A_2496 : i32
      %add3A_2498 = arith.constant 96 : i32
      %add3A_2499 = arith.addi %add3A_2497, %add3A_2498 : i32
      %swap3A_2500 = arith.index_cast %add3A_2499 : i32 to index
      %swap3A_2501 = tpu.vector_load %arg12[%swap3A_2500] {strides = array<i32>} : memref<53248xf32, #tpu.memory_space<vmem>>, vector<16xf32>,
      tpu.vector_store %arg12[%swap3A_2500], %add3A_2493 {strides = array<i32>} : memref<53248xf32, #tpu.memory_space<vmem>>, vector<16xf32>,
      %get3A_2502 = arith.constant 0 : i32
      %get3A_2503 = arith.index_cast %get3A_2502 : i32 to index
      %get3A_2504 = arith.constant 112 : index
      %get3A_2505 = tpu.vector_load %arg11[%get3A_2503, %get3A_2504] {strides = array<i32>} : memref<4x128xf32, #tpu.memory_space<vmem>>, vector<16xf32>,
      %get3A_2506 = arith.constant 1 : i32
      %get3A_2507 = arith.index_cast %get3A_2506 : i32 to index
      %get3A_2508 = arith.constant 112 : index
      %get3A_2509 = tpu.vector_load %arg11[%get3A_2507, %get3A_2508] {strides = array<i32>} : memref<4x128xf32, #tpu.memory_space<vmem>>, vector<16xf32>,
      %get3A_2510 = arith.constant 2 : i32
      %get3A_2511 = arith.index_cast %get3A_2510 : i32 to index
      %get3A_2512 = arith.constant 112 : index
      %get3A_2513 = tpu.vector_load %arg11[%get3A_2511, %get3A_2512] {strides = array<i32>} : memref<4x128xf32, #tpu.memory_space<vmem>>, vector<16xf32>,
      %get3A_2514 = arith.constant 3 : i32
      %get3A_2515 = arith.index_cast %get3A_2514 : i32 to index
      %get3A_2516 = arith.constant 112 : index
      %get3A_2517 = tpu.vector_load %arg11[%get3A_2515, %get3A_2516] {strides = array<i32>} : memref<4x128xf32, #tpu.memory_space<vmem>>, vector<16xf32>,
      %mul3A_2518 = arith.mulf %get3A_5, %get3A_2505 : vector<16xf32>
      %add3A_2519 = arith.addf %get3A_37, %mul3A_2518 : vector<16xf32>
      %mul3A_2520 = arith.mulf %get3A_7, %get3A_2509 : vector<16xf32>
      %add3A_2521 = arith.addf %add3A_2519, %mul3A_2520 : vector<16xf32>
      %mul3A_2522 = arith.mulf %get3A_9, %get3A_2513 : vector<16xf32>
      %add3A_2523 = arith.addf %add3A_2521, %mul3A_2522 : vector<16xf32>
      %mul3A_2524 = arith.mulf %get3A_11, %get3A_2517 : vector<16xf32>
      %add3A_2525 = arith.addf %add3A_2523, %mul3A_2524 : vector<16xf32>
      %mul3A_2526 = arith.constant 512 : i32
      %mul3A_2527 = arith.muli %add3A_1941, %mul3A_2526 : i32
      %add3A_2528 = arith.constant 0 : i32
      %add3A_2529 = arith.addi %mul3A_2527, %add3A_2528 : i32
      %add3A_2530 = arith.constant 112 : i32
      %add3A_2531 = arith.addi %add3A_2529, %add3A_2530 : i32
      %swap3A_2532 = arith.index_cast %add3A_2531 : i32 to index
      %swap3A_2533 = tpu.vector_load %arg12[%swap3A_2532] {strides = array<i32>} : memref<53248xf32, #tpu.memory_space<vmem>>, vector<16xf32>,
      tpu.vector_store %arg12[%swap3A_2532], %add3A_2525 {strides = array<i32>} : memref<53248xf32, #tpu.memory_space<vmem>>, vector<16xf32>,
      %mul3A_2534 = arith.mulf %get3A_13, %get3A_2505 : vector<16xf32>
      %add3A_2535 = arith.addf %get3A_39, %mul3A_2534 : vector<16xf32>
      %mul3A_2536 = arith.mulf %get3A_15, %get3A_2509 : vector<16xf32>
      %add3A_2537 = arith.addf %add3A_2535, %mul3A_2536 : vector<16xf32>
      %mul3A_2538 = arith.mulf %get3A_17, %get3A_2513 : vector<16xf32>
      %add3A_2539 = arith.addf %add3A_2537, %mul3A_2538 : vector<16xf32>
      %mul3A_2540 = arith.mulf %get3A_19, %get3A_2517 : vector<16xf32>
      %add3A_2541 = arith.addf %add3A_2539, %mul3A_2540 : vector<16xf32>
      %mul3A_2542 = arith.constant 512 : i32
      %mul3A_2543 = arith.muli %add3A_1941, %mul3A_2542 : i32
      %add3A_2544 = arith.constant 128 : i32
      %add3A_2545 = arith.addi %mul3A_2543, %add3A_2544 : i32
      %add3A_2546 = arith.constant 112 : i32
      %add3A_2547 = arith.addi %add3A_2545, %add3A_2546 : i32
      %swap3A_2548 = arith.index_cast %add3A_2547 : i32 to index
      %swap3A_2549 = tpu.vector_load %arg12[%swap3A_2548] {strides = array<i32>} : memref<53248xf32, #tpu.memory_space<vmem>>, vector<16xf32>,
      tpu.vector_store %arg12[%swap3A_2548], %add3A_2541 {strides = array<i32>} : memref<53248xf32, #tpu.memory_space<vmem>>, vector<16xf32>,
      %mul3A_2550 = arith.mulf %get3A_21, %get3A_2505 : vector<16xf32>
      %add3A_2551 = arith.addf %get3A_41, %mul3A_2550 : vector<16xf32>
      %mul3A_2552 = arith.mulf %get3A_23, %get3A_2509 : vector<16xf32>
      %add3A_2553 = arith.addf %add3A_2551, %mul3A_2552 : vector<16xf32>
      %mul3A_2554 = arith.mulf %get3A_25, %get3A_2513 : vector<16xf32>
      %add3A_2555 = arith.addf %add3A_2553, %mul3A_2554 : vector<16xf32>
      %mul3A_2556 = arith.mulf %get3A_27, %get3A_2517 : vector<16xf32>
      %add3A_2557 = arith.addf %add3A_2555, %mul3A_2556 : vector<16xf32>
      %mul3A_2558 = arith.constant 512 : i32
      %mul3A_2559 = arith.muli %add3A_1941, %mul3A_2558 : i32
      %add3A_2560 = arith.constant 256 : i32
      %add3A_2561 = arith.addi %mul3A_2559, %add3A_2560 : i32
      %add3A_2562 = arith.constant 112 : i32
      %add3A_2563 = arith.addi %add3A_2561, %add3A_2562 : i32
      %swap3A_2564 = arith.index_cast %add3A_2563 : i32 to index
      %swap3A_2565 = tpu.vector_load %arg12[%swap3A_2564] {strides = array<i32>} : memref<53248xf32, #tpu.memory_space<vmem>>, vector<16xf32>,
      tpu.vector_store %arg12[%swap3A_2564], %add3A_2557 {strides = array<i32>} : memref<53248xf32, #tpu.memory_space<vmem>>, vector<16xf32>,
      %mul3A_2566 = arith.mulf %get3A_29, %get3A_2505 : vector<16xf32>
      %add3A_2567 = arith.addf %get3A_43, %mul3A_2566 : vector<16xf32>
      %mul3A_2568 = arith.mulf %get3A_31, %get3A_2509 : vector<16xf32>
      %add3A_2569 = arith.addf %add3A_2567, %mul3A_2568 : vector<16xf32>
      %mul3A_2570 = arith.mulf %get3A_33, %get3A_2513 : vector<16xf32>
      %add3A_2571 = arith.addf %add3A_2569, %mul3A_2570 : vector<16xf32>
      %mul3A_2572 = arith.mulf %get3A_35, %get3A_2517 : vector<16xf32>
      %add3A_2573 = arith.addf %add3A_2571, %mul3A_2572 : vector<16xf32>
      %mul3A_2574 = arith.constant 512 : i32
      %mul3A_2575 = arith.muli %add3A_1941, %mul3A_2574 : i32
      %add3A_2576 = arith.constant 384 : i32
      %add3A_2577 = arith.addi %mul3A_2575, %add3A_2576 : i32
      %add3A_2578 = arith.constant 112 : i32
      %add3A_2579 = arith.addi %add3A_2577, %add3A_2578 : i32
      %swap3A_2580 = arith.index_cast %add3A_2579 : i32 to index
      %swap3A_2581 = tpu.vector_load %arg12[%swap3A_2580] {strides = array<i32>} : memref<53248xf32, #tpu.memory_space<vmem>>, vector<16xf32>,
      tpu.vector_store %arg12[%swap3A_2580], %add3A_2573 {strides = array<i32>} : memref<53248xf32, #tpu.memory_space<vmem>>, vector<16xf32>,
      %mul3A_2582 = arith.constant 512 : i32
      %mul3A_2583 = arith.muli %add3A_1941, %mul3A_2582 : i32
      %multiple_of3A_2584 = tpu.assume_multiple %mul3A_2583, 8 : i32
      %mul3A_2585 = arith.constant 512 : i32
      %mul3A_2586 = arith.muli %add3A_1941, %mul3A_2585 : i32
      %add3A_2587 = arith.addi %mul3A_45, %mul3A_2586 : i32
      %multiple_of3A_2588 = tpu.assume_multiple %add3A_2587, 8 : i32
      %dma_start3A_2589 = tpu.memref_slice %arg12[%multiple_of3A_2584] : memref<53248xf32, #tpu.memory_space<vmem>> -> memref<512xf32, #tpu.memory_space<vmem>>
      %dma_start3A_2590 = tpu.memref_slice %arg6[%multiple_of3A_2588] : memref<1703936xf32, #tpu.memory_space<hbm>> -> memref<512xf32, #tpu.memory_space<hbm>>
      %dma_start3A_2591 = tpu.memref_slice %arg6[%multiple_of3A_2588] : memref<1703936xf32, #tpu.memory_space<hbm>> -> memref<512xf32, #tpu.memory_space<hbm>>
      %dma_start3A_2592 = tpu.memref_slice %arg12[%multiple_of3A_2584] : memref<53248xf32, #tpu.memory_space<vmem>> -> memref<512xf32, #tpu.memory_space<vmem>>
      tpu.enqueue_dma source(%dma_start3A_2592 : memref<512xf32, #tpu.memory_space<vmem>>) target(%dma_start3A_2591 : memref<512xf32, #tpu.memory_space<hbm>>) target_semaphore(%arg17 : memref<!tpu.dma_semaphore, #tpu.memory_space<semaphore_mem>>)
    }
    %scan3A_420 = arith.constant 52 : i32
    %dma_wait3A = arith.constant 0 : i32
    %dma_wait3A_421 = arith.constant 0 : i32
    %dma_wait3A_422 = arith.constant 0 : i32
    %dma_wait3A_423 = tpu.memref_slice %arg10[%dma_wait3A_421, %dma_wait3A_422] : memref<4x128xf32, #tpu.memory_space<vmem>> -> memref<1x128xf32, #tpu.memory_space<vmem>>
    %dma_wait3A_424 = tpu.memref_squeeze %dma_wait3A_423 : memref<1x128xf32, #tpu.memory_space<vmem>> -> memref<128xf32, #tpu.memory_space<vmem>>
    %dma_wait3A_425 = arith.constant 0 : i32
    %dma_wait3A_426 = tpu.memref_slice %arg8[%dma_wait3A, %dma_wait3A_425] : memref<4x128xi32, #tpu.memory_space<vmem>> -> memref<1x128xi32, #tpu.memory_space<vmem>>
    %dma_wait3A_427 = tpu.memref_squeeze %dma_wait3A_426 : memref<1x128xi32, #tpu.memory_space<vmem>> -> memref<128xi32, #tpu.memory_space<vmem>>
    %dma_wait3A_428 = arith.constant 0 : i32
    %dma_wait3A_429 = tpu.memref_slice %arg3[%dma_wait3A_428] : memref<67108864xf32, #tpu.memory_space<hbm>> -> memref<67108864xf32, #tpu.memory_space<hbm>>
    tpu.wait_indirect_dma semaphore(%arg15 : memref<!tpu.dma_semaphore, #tpu.memory_space<semaphore_mem>>) src(%dma_wait3A_429 : memref<67108864xf32, #tpu.memory_space<hbm>>) dst(%dma_wait3A_424 : memref<128xf32, #tpu.memory_space<vmem>>)
    %dma_wait3A_430 = arith.constant 1 : i32
    %dma_wait3A_431 = arith.constant 1 : i32
    %dma_wait3A_432 = arith.constant 0 : i32
    %dma_wait3A_433 = tpu.memref_slice %arg10[%dma_wait3A_431, %dma_wait3A_432] : memref<4x128xf32, #tpu.memory_space<vmem>> -> memref<1x128xf32, #tpu.memory_space<vmem>>
    %dma_wait3A_434 = tpu.memref_squeeze %dma_wait3A_433 : memref<1x128xf32, #tpu.memory_space<vmem>> -> memref<128xf32, #tpu.memory_space<vmem>>
    %dma_wait3A_435 = arith.constant 0 : i32
    %dma_wait3A_436 = tpu.memref_slice %arg8[%dma_wait3A_430, %dma_wait3A_435] : memref<4x128xi32, #tpu.memory_space<vmem>> -> memref<1x128xi32, #tpu.memory_space<vmem>>
    %dma_wait3A_437 = tpu.memref_squeeze %dma_wait3A_436 : memref<1x128xi32, #tpu.memory_space<vmem>> -> memref<128xi32, #tpu.memory_space<vmem>>
    %dma_wait3A_438 = arith.constant 0 : i32
    %dma_wait3A_439 = tpu.memref_slice %arg3[%dma_wait3A_438] : memref<67108864xf32, #tpu.memory_space<hbm>> -> memref<67108864xf32, #tpu.memory_space<hbm>>
    tpu.wait_indirect_dma semaphore(%arg15 : memref<!tpu.dma_semaphore, #tpu.memory_space<semaphore_mem>>) src(%dma_wait3A_439 : memref<67108864xf32, #tpu.memory_space<hbm>>) dst(%dma_wait3A_434 : memref<128xf32, #tpu.memory_space<vmem>>)
    %dma_wait3A_440 = arith.constant 2 : i32
    %dma_wait3A_441 = arith.constant 2 : i32
    %dma_wait3A_442 = arith.constant 0 : i32
    %dma_wait3A_443 = tpu.memref_slice %arg10[%dma_wait3A_441, %dma_wait3A_442] : memref<4x128xf32, #tpu.memory_space<vmem>> -> memref<1x128xf32, #tpu.memory_space<vmem>>
    %dma_wait3A_444 = tpu.memref_squeeze %dma_wait3A_443 : memref<1x128xf32, #tpu.memory_space<vmem>> -> memref<128xf32, #tpu.memory_space<vmem>>
    %dma_wait3A_445 = arith.constant 0 : i32
    %dma_wait3A_446 = tpu.memref_slice %arg8[%dma_wait3A_440, %dma_wait3A_445] : memref<4x128xi32, #tpu.memory_space<vmem>> -> memref<1x128xi32, #tpu.memory_space<vmem>>
    %dma_wait3A_447 = tpu.memref_squeeze %dma_wait3A_446 : memref<1x128xi32, #tpu.memory_space<vmem>> -> memref<128xi32, #tpu.memory_space<vmem>>
    %dma_wait3A_448 = arith.constant 0 : i32
    %dma_wait3A_449 = tpu.memref_slice %arg3[%dma_wait3A_448] : memref<67108864xf32, #tpu.memory_space<hbm>> -> memref<67108864xf32, #tpu.memory_space<hbm>>
    tpu.wait_indirect_dma semaphore(%arg15 : memref<!tpu.dma_semaphore, #tpu.memory_space<semaphore_mem>>) src(%dma_wait3A_449 : memref<67108864xf32, #tpu.memory_space<hbm>>) dst(%dma_wait3A_444 : memref<128xf32, #tpu.memory_space<vmem>>)
    %dma_wait3A_450 = arith.constant 3 : i32
    %dma_wait3A_451 = arith.constant 3 : i32
    %dma_wait3A_452 = arith.constant 0 : i32
    %dma_wait3A_453 = tpu.memref_slice %arg10[%dma_wait3A_451, %dma_wait3A_452] : memref<4x128xf32, #tpu.memory_space<vmem>> -> memref<1x128xf32, #tpu.memory_space<vmem>>
    %dma_wait3A_454 = tpu.memref_squeeze %dma_wait3A_453 : memref<1x128xf32, #tpu.memory_space<vmem>> -> memref<128xf32, #tpu.memory_space<vmem>>
    %dma_wait3A_455 = arith.constant 0 : i32
    %dma_wait3A_456 = tpu.memref_slice %arg8[%dma_wait3A_450, %dma_wait3A_455] : memref<4x128xi32, #tpu.memory_space<vmem>> -> memref<1x128xi32, #tpu.memory_space<vmem>>
    %dma_wait3A_457 = tpu.memref_squeeze %dma_wait3A_456 : memref<1x128xi32, #tpu.memory_space<vmem>> -> memref<128xi32, #tpu.memory_space<vmem>>
    %dma_wait3A_458 = arith.constant 0 : i32
    %dma_wait3A_459 = tpu.memref_slice %arg3[%dma_wait3A_458] : memref<67108864xf32, #tpu.memory_space<hbm>> -> memref<67108864xf32, #tpu.memory_space<hbm>>
    tpu.wait_indirect_dma semaphore(%arg15 : memref<!tpu.dma_semaphore, #tpu.memory_space<semaphore_mem>>) src(%dma_wait3A_459 : memref<67108864xf32, #tpu.memory_space<hbm>>) dst(%dma_wait3A_454 : memref<128xf32, #tpu.memory_space<vmem>>)
    %dma_wait3A_460 = tpu.memref_slice %arg6[%mul3A_45] : memref<1703936xf32, #tpu.memory_space<hbm>> -> memref<53248xf32, #tpu.memory_space<hbm>>
    %dma_wait3A_461 = tpu.memref_slice %arg6[%mul3A_45] : memref<1703936xf32, #tpu.memory_space<hbm>> -> memref<53248xf32, #tpu.memory_space<hbm>>
    tpu.wait_dma2 semaphore(%arg17 : memref<!tpu.dma_semaphore, #tpu.memory_space<semaphore_mem>>) src(%arg12 : memref<53248xf32, #tpu.memory_space<vmem>>) dst(%dma_wait3A_461 : memref<53248xf32, #tpu.memory_space<hbm>>)
    return
  }
}

</mosaic_0001>

<sc_bundles>
// kernel: _run.3.cloned.1.call-start
scs
__scs_entry_jumppad:
0x0: {  	(pc) =	sbr.rel $0x88, $3  }
0x1: {  	(tag) =	ssettag $0x0;
	lr =	simm.s32 $0x1  }
0x2: {  	[smem:$0x3F9D] =	sst lr;
	_ =	strace $0xD0000000  }
0x3: {  	_ = 	snop  }
0x4: {  	_ = 	snop  }
0x5: {  	_ = 	snop  }
0x6: {  	_ = 	snop  }
0x7: {  	_ = 	snop  }
__scs_overlays_trampoline_lowered:
0x8: {  	[smem:$0x3FAC] =	sst s0  }
0x9: {  	[smem:$0x3FAD] =	sst s1  }
0xa: {  	[smem:$0x3FAE] =	sst s2  }
0xb: {  	[smem:$0x3FAF] =	sst s3  }
0xc: {  	[smem:$0x3FB0] =	sst s4  }
0xd: {  	[smem:$0x3FB1] =	sst s5  }
0xe: {  	[smem:$0x3FB2] =	sst s6  }
0xf: {  	[smem:$0x3FB3] =	sst s7  }
0x10: {  	[smem:$0x3FB4] =	sst s8  }
0x11: {  	[smem:$0x3FB5] =	sst s9;
	s0 =	simm.s32 @!p0 $0x0  }
0x12: {  	s1 =	sld [smem:$0x3F9B];
	s0 =	simm.s32 @p0 $0x1  }
0x13: {  	[smem:$0x3FB6] =	sst s0;
	s0 =	simm.s32 @!p1 $0x0  }
0x14: {  	s2 =	sld [smem:$0x3F9A];
	s0 =	simm.s32 @p1 $0x1  }
0x15: {  	[smem:$0x3FB7] =	sst s0;
	s0 =	simm.s32 @!p2 $0x0  }
0x16: {  	s3 =	sld [smem:$0x3FDB];
	s0 =	simm.s32 @p2 $0x1  }
0x17: {  	s4 =	simm.s32 $0x1BF5;
	[smem:$0x3FB9] =	sst s0  }
0x18: {  	s0 =	sld [smem:$0x3F9C];
	_ =	swait.ge [sflag:s4], $0x0  }
0x19: {  	s7 =	sld [smem:$0x3F9D]  }
0x1a: {  	s8 =	sadd.s32 $0xFFFFE003, lr  }
0x1b: {  	s9 =	sadd.s32 $0xFFFFFEF7, lr;
	s5 =	simm.s32 $0xFFFFFFFF;
	p2 =	slt.u32 s8, $0xFFFFF086  }
0x1c: {  	p1 =	slt.u32 s9, $0xF7A;
	s5 =	simm.s32 @!p2 $0x0  }
0x1d: {  	s5 =	simm.s32 @p1 $0x1;
	p0 =	seq.s32 s7, s2  }
0x1e: {  	s7 =	smul.u32 @!p0 $0xF7A, s2;
	p2 =	seq.s32 @!p0 s5, $0x0  }
0x1f: {  	s9 =	smul.u32 $0xF7A, s1;
	s8 =	simm.s32 @!p0 $0x1BF5;
	p2 =	por !p2, p0  }
0x20: {  	[sflag:s8] =	ssyncset.s32 @!p0 $0xFFFFF086;
	s6 =	sadd.s32 @!p0 s3, s7;
	s7 =	simm.s32 @!p0 $0x108  }
0x21: {  	s3 =	sadd.s32 s3, s9;
	s6 =	sadd.s32 @!p0 $0x88, s6;
	s7 =	simm.s32 @p2 $0x1082  }
0x22: {  	[simem:s7], [sflag:s8] =	dma.local @!p0 [hbm:s6], $0xF7A  }
0x23: {  	s9 =	sor.u32 $0xD0000000, s2;
	s6 =	simm.s32 $0x108;
	_ =	swait.ge @!p0 [sflag:s8], $0x0  }
0x24: {  	s3 =	sadd.s32 $0x88, s3;
	s6 =	simm.s32 @!p1 $0x1082;
	[sflag:s4] =	ssyncset.s32 $0xFFFFF086  }
0x25: {  	[simem:s6], [sflag:s4] =	dma.local [hbm:s3], $0xF7A  }
0x26: {  	[smem:$0x3F9D] =	sst s1;
	(tag) =	ssettag s2;
	_ =	strace s9  }
0x27: {  	s1 =	sld [smem:$0x3FAD]  }
0x28: {  	s2 =	sld [smem:$0x3FAE]  }
0x29: {  	s4 =	sld [smem:$0x3FB0]  }
0x2a: {  	p0 =	seq.s32 s5, $0x0;
	s5 =	sld [smem:$0x3FB1]  }
0x2b: {  	s6 =	sld [smem:$0x3FB2]  }
0x2c: {  	s7 =	sld [smem:$0x3FB3]  }
0x2d: {  	s3 =	simm.s32 $0x108;
	s8 =	sld [smem:$0x3FB4]  }
0x2e: {  	s3 =	simm.s32 @!p0 $0x1082;
	s9 =	sld [smem:$0x3FB5]  }
0x2f: {  	lr =	sadd.s32 s0, s3;
	s0 =	sld [smem:$0x3FAC]  }
0x30: {  	s3 =	sld [smem:$0x3FAF]  }
0x31: {  	[smem:$0x3FB8] =	sst s10  }
0x32: {  	s10 =	sld [smem:$0x3FB6];
	_ =	sdelay $0x3  }
0x33: {  	p0 =	seq.s32 s10, $0x1;
	s10 =	sld [smem:$0x3FB8];
	_ =	sdelay $0x3  }
0x34: {  	[smem:$0x3FB8] =	sst s10  }
0x35: {  	s10 =	sld [smem:$0x3FB7];
	_ =	sdelay $0x3  }
0x36: {  	p1 =	seq.s32 s10, $0x1;
	s10 =	sld [smem:$0x3FB8];
	_ =	sdelay $0x3  }
0x37: {  	[smem:$0x3FB8] =	sst s10  }
0x38: {  	s10 =	sld [smem:$0x3FB9]  }
0x39: {  	_ = 	snop;
	(pc) =	sbr.ind lr, $3  }
0x3a: {  	_ = 	snop  }
0x3b: {  	_ = 	snop  }
0x3c: {  	p2 =	seq.s32 s10, $0x1;
	s10 =	sld [smem:$0x3FB8]  }
0x3d: {  	_ =	shalt  }
0x3e: {  	_ =	shalt  }
0x3f: {  	_ =	shalt  }
0x40: {  	_ =	shalt  }
0x41: {  	_ =	shalt  }
0x42: {  	_ =	shalt  }
0x43: {  	_ =	shalt  }
0x44: {  	_ =	shalt  }
0x45: {  	_ =	shalt  }
0x46: {  	_ =	shalt  }
0x47: {  	_ =	shalt  }
0x48: {  	_ =	shalt  }
0x49: {  	_ =	shalt  }
0x4a: {  	_ =	shalt  }
0x4b: {  	_ =	shalt  }
0x4c: {  	_ =	shalt  }
0x4d: {  	_ =	shalt  }
0x4e: {  	_ =	shalt  }
0x4f: {  	_ =	shalt  }
0x50: {  	_ =	shalt  }
0x51: {  	_ =	shalt  }
0x52: {  	_ =	shalt  }
0x53: {  	_ =	shalt  }
0x54: {  	_ =	shalt  }
0x55: {  	_ =	shalt  }
0x56: {  	_ =	shalt  }
0x57: {  	_ =	shalt  }
0x58: {  	_ =	shalt  }
0x59: {  	_ =	shalt  }
0x5a: {  	_ =	shalt  }
0x5b: {  	_ =	shalt  }
0x5c: {  	_ =	shalt  }
0x5d: {  	_ =	shalt  }
0x5e: {  	_ =	shalt  }
0x5f: {  	_ =	shalt  }
0x60: {  	_ =	shalt  }
0x61: {  	_ =	shalt  }
0x62: {  	_ =	shalt  }
0x63: {  	_ =	shalt  }
0x64: {  	_ =	shalt  }
0x65: {  	_ =	shalt  }
0x66: {  	_ =	shalt  }
0x67: {  	_ =	shalt  }
0x68: {  	_ =	shalt  }
0x69: {  	_ =	shalt  }
0x6a: {  	_ =	shalt  }
0x6b: {  	_ =	shalt  }
0x6c: {  	_ =	shalt  }
0x6d: {  	_ =	shalt  }
0x6e: {  	_ =	shalt  }
0x6f: {  	_ =	shalt  }
0x70: {  	_ =	shalt  }
0x71: {  	_ =	shalt  }
0x72: {  	_ =	shalt  }
0x73: {  	_ =	shalt  }
0x74: {  	_ =	shalt  }
0x75: {  	_ =	shalt  }
0x76: {  	_ =	shalt  }
0x77: {  	_ =	shalt  }
0x78: {  	_ =	shalt  }
0x79: {  	_ =	shalt  }
0x7a: {  	_ =	shalt  }
0x7b: {  	_ =	shalt  }
0x7c: {  	_ =	shalt  }
0x7d: {  	_ =	shalt  }
0x7e: {  	_ =	shalt  }
0x7f: {  	_ =	shalt  }
0x80: {  	_ =	shalt  }
0x81: {  	_ =	shalt  }
0x82: {  	_ =	shalt  }
0x83: {  	_ =	shalt  }
0x84: {  	_ =	shalt  }
0x85: {  	_ =	shalt  }
0x86: {  	_ =	shalt  }
0x87: {  	_ =	shalt  }
.Lfunc_end0:
.L_simem_size_0:
called_computation_lowered:
.L_overlay_start_0:
0x88: {  	s2 =	sld [smem:$0x3FD9]  }
0x89: {  	s3 =	sld [smem:$0x3FFE];
	_ =	sdelay $0x1  }
0x8a: {  	s1 =	srdreg.scid  }
0x8b: {  	s0 =	sand.u32 $0x1, s1  }
0x8c: {  	s18 =	sshll.u32 s0, $0xA;
	s2 =	sadd.s32 s3, s2  }
0x8d: {  	s2 =	sadd.s32 s2, s18  }
0x8e: {  	[smem:$0x3FC4] =	sst s2  }
0x8f: {  	_ = 	snop  }
0x90: {  	s2 =	sld [smem:$0x3FC9]  }
0x91: {  	s19 =	sld [smem:$0x3FC8]  }
0x92: {  	s4 =	sld [smem:$0x3FC7]  }
0x93: {  	s5 =	sld [smem:$0x3FC6]  }
0x94: {  	s6 =	sld [smem:$0x3FD0];
	(tm) =	ssettm $0x1  }
0x95: {  	s7 =	sld [smem:$0x3FFB];
	_ =	sdelay $0x3  }
0x96: {  	_ =	strace s7  }
0x97: {  	s7 =	sld [smem:$0x3FFC];
	_ =	sdelay $0x3  }
0x98: {  	_ =	strace s7  }
0x99: {  	s7 =	sld [smem:$0x3FFD];
	_ =	sdelay $0x3  }
0x9a: {  	_ =	strace s7  }
0x9b: {  	_ =	strace $0x8FFFFFFF  }
0x9c: {  	s20 =	sld [smem:$0x3FDB];
	_ =	sdelay $0x1  }
0x9d: {  	s8 =	simm.s32 $_scs_section_size  }
0x9e: {  	s9 =	simm.s32 $_size__tile_overlayer_lowered;
	s10 =	simm.s32 $_tile_overlayer_lowered  }
0x9f: {  	s23 =	simm.s32 $0x1BFF;
	s22 =	sshll.u32 s10, $0x1;
	s7 =	sadd.s32 s8, s20  }
0xa0: {  	s11 =	simm.s32 $0x0;
	s21 =	sshll.u32 s9, $0x1;
	s9 =	sadd.s32 s22, s7  }
0xa1: {  	[timem:s11], [sflag:s23] =	dma.local [hbm:s9], s21  }
0xa2: {  	_ =	swait.ge [sflag:s23], s21  }
0xa3: {  	s8 =	ssub.s32 $0x0, s21;
	[sflag:s23] =	ssyncset.done $0x0  }
0xa4: {  	[sflag:s23] =	ssyncadd.s32 s8;
	_ =	sdelay $0x1  }
0xa5: {  	s24 =	simm.s32 $0x1B8B  }
0xa6: {  	_ =	swait.ge [sflag:s24], $0x1  }
0xa7: {  	[sflag:s24] =	ssyncset.done $0x0  }
0xa8: {  	s25 =	simm.s32 $0x1B8E;
	[sflag:s24] =	ssyncadd.s32 $0xFFFFFFFF  }
0xa9: {  	s26 =	simm.s32 $execute0_lowered;
	[smem:$0x3FD2] =	sst s25  }
0xaa: {  	s8 =	sshll.u32 s26, $0x1;
	_ =	strace $0x80000046;
	[dreg:$0x1] =	wrdreg $0xFFFFFFFF  }
0xab: {  	s28 =	simm.s32 $_size_execute0_lowered;
	s7 =	sadd.s32 s7, s8;
	[dreg:$0x0] =	wrdreg $0x0  }
0xac: {  	s8 =	sshll.u32 s28, $0x1;
	[dreg:$0x2] =	wrdreg s7  }
0xad: {  	[dreg:$0x3] =	wrdreg s8  }
0xae: {  	[dreg:$0x4] =	wrdreg $0xC0  }
0xaf: {  	_ =	task [dreg:s11], $0x5FFFF  }
0xb0: {  	[dreg:$0x1] =	wrdreg $0xFFFFFFFF  }
0xb1: {  	[dreg:$0x0] =	wrdreg $0x60  }
0xb2: {  	[dreg:$0x2] =	wrdreg s2  }
0xb3: {  	[dreg:$0x3] =	wrdreg s19  }
0xb4: {  	[dreg:$0x4] =	wrdreg s4  }
0xb5: {  	[dreg:$0x5] =	wrdreg s5  }
0xb6: {  	[dreg:$0x6] =	wrdreg s6  }
0xb7: {  	[dreg:$0x7] =	wrdreg $0x9  }
0xb8: {  	_ =	task.clear_ibuf [dreg:s11], $0x8FFFF;
	_ =	strace $0x90000046  }
0xb9: {  	s29 =	simm.s32 $0x9;
	_ =	strace $0x80000048  }
0xba: {  	_ =	swait.ge [sflag:s29], $0x1  }
0xbb: {  	[sflag:s29] =	ssyncadd.s32 $0xFFFFFFFF  }
0xbc: {  	_ =	strace $0x90000048  }
0xbd: {  	_ =	sfence  }
0xbe: {  	s30 =	sld [smem:$0x0];
	_ =	sdelay $0x2  }
0xbf: {  	s31 =	sshll.u32 s1, $0xD;
	s1 =	sshrl.u32 s1, $0x2  }
0xc0: {  	s3 =	sand.u32 $0x4000, s31;
	s1 =	sadd.s32 s1, s30  }
0xc1: {  	s0 =	sor.u32 s3, s0;
	s1 =	sshll.u32 s1, $0x11  }
0xc2: {  	s0 =	sor.u32 s1, s0  }
0xc3: {  	s0 =	sadd.s32 $0x8F2B, s0  }
0xc4: {  	[sflag:s0] =	ssyncadd.remote.s32 $0x1  }
0xc5: {  	_ =	sfence.sel $0xFFFF  }
0xc6: {  	[dreg:$0x0] =	wrdreg $0xFFFFFFFF;
	(pc) =	sbr.abs _section_cstart, $3  }
0xc7: {  	[dreg:$0x1] =	wrdreg $0xFFFFFFFF  }
0xc8: {  	_ =	task.clear_ibuf [dreg:s11], $0x2FFFF;
	_ =	strace $0x9FFFFFFF  }
0xc9: {  	(tm) =	ssettm $0x7FFFFFFF  }
tec
execute0_lowered:
.L_overlay_start_1:
0x0: {  	(tag) =	ssettag $0x1  }
0x1: {  	s0 =	rddreg [dreg:$0x0]  }
0x2: {  	s1 =	rddreg [dreg:$0x1]  }
0x3: {  	s2 =	rddreg [dreg:$0x4];
	s5 =	simm.s32 $0x0;
	s3 =	srdreg.scid  }
0x4: {  	s6 =	stileid.u32;
	s10 =	simm.s32 $0x4;
	s14 =	simm.s32 $0x80  }
0x5: {  	s15 =	simm.s32 $0x3480;
	s16 =	simm.s32 $0x3880;
	s17 =	simm.s32 $0x3500  }
0x6: {  	s18 =	simm.s32 $0x3900;
	s19 =	simm.s32 $0x3580;
	s20 =	simm.s32 $0x3980  }
0x7: {  	s21 =	simm.s32 $0x3600;
	s22 =	simm.s32 $0x3A00;
	s26 =	simm.s32 $0x3680  }
0x8: {  	s28 =	simm.s32 $0x3B80;
	s29 =	simm.s32 $0x3800;
	s30 =	simm.s32 $0x3C00  }
0x9: {  	s31 =	simm.s32 $0x1;
	s3 =	sand.u32 $0x1, s3;
	s4 =	sshll.u32 s6, $0x1  }
0xa: {  	s6 =	smul.u32 $0x1A000, s6;
	[smem:$0x7FF] =	sst s5;
	s7 =	ssub.s32 $0x2, s3  }
0xb: {  	s4 =	sor.u32 s3, s4;
	s3 =	smul.u32 $0xD000, s3;
	_ =	strace $0x80000047  }
0xc: {  	[dreg:$0x6] =	wrdreg s26;
	s8 =	sshrl.u32 s7, $0x1;
	s4 =	smul.u32 $0x680, s4  }
0xd: {  	s26 =	simm.s32 $0x3780;
	s7 =	ssub.s32 s7, s8;
	s3 =	sadd.s32 s3, s6  }
0xe: {  	s6 =	sadd.s32 s0, s4;
	s23 =	sshrl.u32 s3, $0x3;
	s24 =	smax.u32 s7, $0x1  }
0xf: {  	s3 =	sor.u32 $0x200, s3;
	s4 =	simm.s32 $0x3;
	[dreg:$0x7] =	wrdreg s24  }
0x10: {  	s0 =	sadd.s32 s23, s2;
	s25 =	sshrl.u32 s3, $0x3;
	s23 =	simm.s32 $0x3A80  }
0x11: {  	s24 =	simm.s32 $0x3700;
	[dreg:$0x8] =	wrdreg s0;
	s11 =	sadd.s32 s25, s2  }
0x12: {  	s25 =	simm.s32 $0x3B00;
	s0 =	simm.s32 $0x2;
	s2 =	simm.s32 $0x0  }
.LBB2_1:
0x13: {  	[tilespmem:s5], [sflag:$0x4] =	stream.linear.gather [hbm4b:s6+s5], $0x3400, $0x38;
	[tilespmem:$0x10DC0] =	vst v63  }
0x14: {  	_ =	swait.ge [sflag:s10], $0x3400  }
0x15: {  	[sflag:s10] =	ssyncset.done $0x0  }
0x16: {  	s3 =	simm.s32 $0x3400;
	[sflag:s10] =	ssyncadd.s32 $0xFFFFCC00  }
0x17: {  	[tilespmem:s3], [sflag:$0x4] =	stream.linear.gather [hbm4b:s6+s5], $0x80, $0x38;
	[tilespmem:$0x10DC0] =	vst v63  }
0x18: {  	_ =	swait.ge [sflag:s10], $0x80  }
0x19: {  	[sflag:s10] =	ssyncset.done $0x0  }
0x1a: {  	[sflag:s10] =	ssyncadd.s32 $0xFFFFFF80  }
0x1b: {  	s7 =	simm.s32 $0x10C80;
	s9 =	rddreg [dreg:$0x2]  }
0x1c: {  	[tilespmem:s7], [sflag:$0x4] =	stream.linear.gather [hbm4b:s9+s5], $0x100, $0x38;
	[tilespmem:$0x10DC0] =	vst v63  }
0x1d: {  	_ =	swait.ge [sflag:s10], $0x100  }
0x1e: {  	[sflag:s10] =	ssyncset.done $0x0  }
0x1f: {  	[sflag:s10] =	ssyncadd.s32 $0xFFFFFF00  }
0x20: {  	s13 =	simm.s32 $0x10D80;
	s12 =	rddreg [dreg:$0x3]  }
0x21: {  	[tilespmem:s13], [sflag:$0x4] =	stream.linear.gather [hbm4b:s12+s5], $0x40, $0x38;
	[tilespmem:$0x10DC0] =	vst v63  }
0x22: {  	_ =	swait.ge [sflag:s10], $0x40  }
0x23: {  	[sflag:s10] =	ssyncset.done $0x0  }
0x24: {  	[sflag:s10] =	ssyncadd.s32 $0xFFFFFFC0  }
0x25: {  	v0 =	vld [tilespmem:$0x0];
	_ =	sdelay $0x3  }
0x26: {  	v1 =	vld [tilespmem:$0x10]  }
0x27: {  	v2 =	vshll.u32 v0, $0x2  }
0x28: {  	v0 =	vand.u32 $0x7F, v0;
	v2 =	vand.u32 $0xFFFFFE00, v2  }
0x29: {  	v0 =	vor.u32 v0, v2  }
0x2a: {  	v3 =	vld [tilespmem:$0x20];
	[tilespmem:$0x3480] =	vst v0;
	v2 =	vor.u32 $0x80, v0  }
0x2b: {  	v4 =	vshll.u32 v1, $0x2;
	[tilespmem:$0x3500] =	vst v2;
	v2 =	vor.u32 $0x100, v0  }
0x2c: {  	v1 =	vand.u32 $0x7F, v1;
	v0 =	vor.u32 $0x180, v0;
	[tilespmem:$0x3580] =	vst v2;
	v2 =	vand.u32 $0xFFFFFE00, v4  }
0x2d: {  	[tilespmem:$0x3600] =	vst v0;
	v0 =	vor.u32 v1, v2  }
0x2e: {  	v2 =	vld [tilespmem:$0x30];
	[tilespmem:$0x3490] =	vst v0;
	v1 =	vor.u32 $0x80, v0  }
0x2f: {  	v4 =	vshll.u32 v3, $0x2;
	[tilespmem:$0x3510] =	vst v1;
	v1 =	vor.u32 $0x100, v0  }
0x30: {  	v3 =	vand.u32 $0x7F, v3;
	v0 =	vor.u32 $0x180, v0;
	[tilespmem:$0x3590] =	vst v1;
	v1 =	vand.u32 $0xFFFFFE00, v4  }
0x31: {  	[tilespmem:$0x3610] =	vst v0;
	v3 =	vor.u32 v3, v1  }
0x32: {  	v5 =	vld [tilespmem:$0x40];
	[tilespmem:$0x34A0] =	vst v3;
	v1 =	vor.u32 $0x80, v3  }
0x33: {  	v4 =	vor.u32 $0x100, v3;
	v6 =	vshll.u32 v2, $0x2;
	[tilespmem:$0x3520] =	vst v1  }
0x34: {  	v8 =	vld [tilespmem:$0x50];
	v3 =	vor.u32 $0x180, v3;
	[tilespmem:$0x35A0] =	vst v4;
	v4 =	vand.u32 $0xFFFFFE00, v6;
	v6 =	vand.u32 $0x7F, v2  }
0x35: {  	v11 =	vld [tilespmem:$0x60];
	[tilespmem:$0x3620] =	vst v3;
	v6 =	vor.u32 v6, v4  }
0x36: {  	v15 =	vld [tilespmem:$0x70];
	[tilespmem:$0x34B0] =	vst v6;
	v4 =	vor.u32 $0x80, v6  }
0x37: {  	v9 =	vshll.u32 v5, $0x2;
	v0 =	vld [tilespmem:$0x10C80];
	v7 =	vor.u32 $0x100, v6;
	[tilespmem:$0x3530] =	vst v4  }
0x38: {  	v1 =	vld [tilespmem:$0x10C90];
	v6 =	vor.u32 $0x180, v6;
	[tilespmem:$0x35B0] =	vst v7;
	v7 =	vand.u32 $0xFFFFFE00, v9;
	v9 =	vand.u32 $0x7F, v5  }
0x39: {  	v2 =	vld [tilespmem:$0x10CA0];
	[tilespmem:$0x3630] =	vst v6;
	v9 =	vor.u32 v9, v7  }
0x3a: {  	v3 =	vld [tilespmem:$0x10CB0];
	[tilespmem:$0x34C0] =	vst v9;
	v7 =	vor.u32 $0x80, v9  }
0x3b: {  	v12 =	vshll.u32 v8, $0x2;
	v4 =	vld [tilespmem:$0x10CC0];
	v10 =	vor.u32 $0x100, v9;
	[tilespmem:$0x3540] =	vst v7  }
0x3c: {  	v5 =	vld [tilespmem:$0x10CD0];
	v9 =	vor.u32 $0x180, v9;
	[tilespmem:$0x35C0] =	vst v10;
	v10 =	vand.u32 $0xFFFFFE00, v12;
	v12 =	vand.u32 $0x7F, v8  }
0x3d: {  	v6 =	vld [tilespmem:$0x10CE0];
	[tilespmem:$0x3640] =	vst v9;
	v12 =	vor.u32 v12, v10  }
0x3e: {  	v7 =	vld [tilespmem:$0x10CF0];
	[tilespmem:$0x34D0] =	vst v12;
	v10 =	vor.u32 $0x80, v12  }
0x3f: {  	v14 =	vshll.u32 v11, $0x2;
	v8 =	vld [tilespmem:$0x10D00];
	v13 =	vor.u32 $0x100, v12;
	[tilespmem:$0x3550] =	vst v10  }
0x40: {  	v9 =	vld [tilespmem:$0x10D10];
	v12 =	vor.u32 $0x180, v12;
	[tilespmem:$0x35D0] =	vst v13;
	v13 =	vand.u32 $0xFFFFFE00, v14;
	v14 =	vand.u32 $0x7F, v11  }
0x41: {  	v10 =	vld [tilespmem:$0x10D20];
	[tilespmem:$0x3650] =	vst v12;
	v16 =	vor.u32 v14, v13  }
0x42: {  	v11 =	vld [tilespmem:$0x10D30];
	[tilespmem:$0x34E0] =	vst v16;
	v14 =	vor.u32 $0x80, v16  }
0x43: {  	v18 =	vshll.u32 v15, $0x2;
	v12 =	vld [tilespmem:$0x10D40];
	v17 =	vor.u32 $0x100, v16;
	[tilespmem:$0x3560] =	vst v14  }
0x44: {  	v13 =	vld [tilespmem:$0x10D50];
	v16 =	vor.u32 $0x180, v16;
	[tilespmem:$0x35E0] =	vst v17;
	v17 =	vand.u32 $0xFFFFFE00, v18;
	v18 =	vand.u32 $0x7F, v15  }
0x45: {  	v14 =	vld [tilespmem:$0x10D60];
	[tilespmem:$0x3660] =	vst v16;
	v19 =	vor.u32 v18, v17  }
0x46: {  	v15 =	vld [tilespmem:$0x10D70];
	[tilespmem:$0x34F0] =	vst v19;
	v18 =	vor.u32 $0x80, v19  }
0x47: {  	v16 =	vld [tilespmem:$0x10D80];
	v20 =	vor.u32 $0x100, v19;
	[tilespmem:$0x3570] =	vst v18  }
0x48: {  	v17 =	vld [tilespmem:$0x10D90];
	[tilespmem:$0x35F0] =	vst v20;
	v20 =	vor.u32 $0x180, v19  }
0x49: {  	v18 =	vld [tilespmem:$0x10DA0];
	[tilespmem:$0x3670] =	vst v20  }
0x4a: {  	v19 =	vld [tilespmem:$0x10DB0];
	[tilespmem:s16], [sflag:$0x1] =	stream.indirect.gather [hbm4b:s1+s14], $0x1, s15, s14, $0xb8  }
0x4b: {  	_ = 	snop  }
0x4c: {  	[tilespmem:s18], [sflag:$0x1] =	stream.indirect.gather [hbm4b:s1+s14], $0x1, s17, s14, $0xb8;
	[tilespmem:$0x10DC0] =	vst v63  }
0x4d: {  	s3 =	simm.s32 $0xC0  }
0x4e: {  	[tilespmem:s20], [sflag:$0x1] =	stream.indirect.gather [hbm4b:s1+s14], $0x1, s19, s14, $0xb8;
	[tilespmem:$0x10DC0] =	vst v63  }
0x4f: {  	s9 =	smov.u32 s11;
	s13 =	simm.s32 $0x0;
	s8 =	rddreg [dreg:$0x8]  }
0x50: {  	[tilespmem:s22], [sflag:$0x1] =	stream.indirect.gather [hbm4b:s1+s14], $0x1, s21, s14, $0xb8;
	[tilespmem:$0x10DC0] =	vst v63  }
.LBB2_2:
0x51: {  	v20 =	vld [tilespmem:s3+$0xFFFFFFC0];
	_ =	sdelay $0x4  }
0x52: {  	v21 =	vshll.u32 v20, $0x2  }
0x53: {  	v20 =	vand.u32 $0x7F, v20;
	v21 =	vand.u32 $0xFFFFFE00, v21  }
0x54: {  	v20 =	vor.u32 v20, v21  }
0x55: {  	[tilespmem:$0x3680] =	vst v20;
	v21 =	vor.u32 $0x80, v20  }
0x56: {  	v37 =	vor.u32 $0x100, v20;
	[tilespmem:$0x3700] =	vst v21  }
0x57: {  	v20 =	vor.u32 $0x180, v20;
	[tilespmem:$0x3780] =	vst v37  }
0x58: {  	[tilespmem:$0x3800] =	vst v20  }
0x59: {  	v20 =	vld [tilespmem:s3+$0xFFFFFFD0];
	_ =	sdelay $0x4  }
0x5a: {  	v38 =	vshll.u32 v20, $0x2  }
0x5b: {  	v20 =	vand.u32 $0x7F, v20;
	v21 =	vand.u32 $0xFFFFFE00, v38  }
0x5c: {  	v20 =	vor.u32 v20, v21  }
0x5d: {  	[tilespmem:$0x3690] =	vst v20;
	v21 =	vor.u32 $0x80, v20  }
0x5e: {  	v39 =	vor.u32 $0x100, v20;
	[tilespmem:$0x3710] =	vst v21  }
0x5f: {  	v20 =	vor.u32 $0x180, v20;
	[tilespmem:$0x3790] =	vst v39  }
0x60: {  	[tilespmem:$0x3810] =	vst v20  }
0x61: {  	v20 =	vld [tilespmem:s3+$0xFFFFFFE0];
	_ =	sdelay $0x4  }
0x62: {  	v40 =	vshll.u32 v20, $0x2  }
0x63: {  	v20 =	vand.u32 $0x7F, v20;
	v21 =	vand.u32 $0xFFFFFE00, v40  }
0x64: {  	v20 =	vor.u32 v20, v21  }
0x65: {  	[tilespmem:$0x36A0] =	vst v20;
	v21 =	vor.u32 $0x80, v20  }
0x66: {  	v41 =	vor.u32 $0x100, v20;
	[tilespmem:$0x3720] =	vst v21  }
0x67: {  	v20 =	vor.u32 $0x180, v20;
	[tilespmem:$0x37A0] =	vst v41  }
0x68: {  	[tilespmem:$0x3820] =	vst v20  }
0x69: {  	v20 =	vld [tilespmem:s3+$0xFFFFFFF0];
	_ =	sdelay $0x4  }
0x6a: {  	v42 =	vshll.u32 v20, $0x2  }
0x6b: {  	v20 =	vand.u32 $0x7F, v20;
	v21 =	vand.u32 $0xFFFFFE00, v42  }
0x6c: {  	v20 =	vor.u32 v20, v21  }
0x6d: {  	[tilespmem:$0x36B0] =	vst v20;
	v21 =	vor.u32 $0x80, v20  }
0x6e: {  	v43 =	vor.u32 $0x100, v20;
	[tilespmem:$0x3730] =	vst v21  }
0x6f: {  	v20 =	vor.u32 $0x180, v20;
	[tilespmem:$0x37B0] =	vst v43  }
0x70: {  	[tilespmem:$0x3830] =	vst v20  }
0x71: {  	v20 =	vld [tilespmem:s3+$0x0];
	_ =	sdelay $0x4  }
0x72: {  	v44 =	vshll.u32 v20, $0x2  }
0x73: {  	v20 =	vand.u32 $0x7F, v20;
	v21 =	vand.u32 $0xFFFFFE00, v44  }
0x74: {  	v20 =	vor.u32 v20, v21  }
0x75: {  	[tilespmem:$0x36C0] =	vst v20;
	v21 =	vor.u32 $0x80, v20  }
0x76: {  	v45 =	vor.u32 $0x100, v20;
	[tilespmem:$0x3740] =	vst v21  }
0x77: {  	v20 =	vor.u32 $0x180, v20;
	[tilespmem:$0x37C0] =	vst v45  }
0x78: {  	[tilespmem:$0x3840] =	vst v20  }
0x79: {  	v20 =	vld [tilespmem:s3+$0x10];
	_ =	sdelay $0x4  }
0x7a: {  	v46 =	vshll.u32 v20, $0x2  }
0x7b: {  	v20 =	vand.u32 $0x7F, v20;
	v21 =	vand.u32 $0xFFFFFE00, v46  }
0x7c: {  	v20 =	vor.u32 v20, v21  }
0x7d: {  	[tilespmem:$0x36D0] =	vst v20;
	v21 =	vor.u32 $0x80, v20  }
0x7e: {  	v47 =	vor.u32 $0x100, v20;
	[tilespmem:$0x3750] =	vst v21  }
0x7f: {  	v20 =	vor.u32 $0x180, v20;
	[tilespmem:$0x37D0] =	vst v47  }
0x80: {  	[tilespmem:$0x3850] =	vst v20  }
0x81: {  	v20 =	vld [tilespmem:s3+$0x20];
	_ =	sdelay $0x4  }
0x82: {  	v48 =	vshll.u32 v20, $0x2  }
0x83: {  	v20 =	vand.u32 $0x7F, v20;
	v21 =	vand.u32 $0xFFFFFE00, v48  }
0x84: {  	v20 =	vor.u32 v20, v21  }
0x85: {  	[tilespmem:$0x36E0] =	vst v20;
	v21 =	vor.u32 $0x80, v20  }
0x86: {  	v49 =	vor.u32 $0x100, v20;
	[tilespmem:$0x3760] =	vst v21  }
0x87: {  	v20 =	vor.u32 $0x180, v20;
	[tilespmem:$0x37E0] =	vst v49  }
0x88: {  	[tilespmem:$0x3860] =	vst v20  }
0x89: {  	v20 =	vld [tilespmem:s3+$0x30];
	_ =	sdelay $0x4  }
0x8a: {  	v50 =	vshll.u32 v20, $0x2  }
0x8b: {  	v20 =	vand.u32 $0x7F, v20;
	v21 =	vand.u32 $0xFFFFFE00, v50  }
0x8c: {  	v20 =	vor.u32 v20, v21  }
0x8d: {  	[tilespmem:$0x36F0] =	vst v20;
	v21 =	vor.u32 $0x80, v20  }
0x8e: {  	v51 =	vor.u32 $0x100, v20;
	[tilespmem:$0x3770] =	vst v21  }
0x8f: {  	v20 =	vor.u32 $0x180, v20;
	[tilespmem:$0x37F0] =	vst v51  }
0x90: {  	s7 =	rddreg [dreg:$0x6];
	[tilespmem:$0x3870] =	vst v20  }
0x91: {  	[tilespmem:s23], [sflag:$0x2] =	stream.indirect.gather [hbm4b:s1+s14], $0x1, s7, s14, $0xb8;
	[tilespmem:$0x10DC0] =	vst v63  }
0x92: {  	_ = 	snop  }
0x93: {  	[tilespmem:s25], [sflag:$0x2] =	stream.indirect.gather [hbm4b:s1+s14], $0x1, s24, s14, $0xb8;
	[tilespmem:$0x10DC0] =	vst v63  }
0x94: {  	_ = 	snop  }
0x95: {  	[tilespmem:s28], [sflag:$0x2] =	stream.indirect.gather [hbm4b:s1+s14], $0x1, s26, s14, $0xb8;
	[tilespmem:$0x10DC0] =	vst v63  }
0x96: {  	_ = 	snop  }
0x97: {  	[tilespmem:s30], [sflag:$0x2] =	stream.indirect.gather [hbm4b:s1+s14], $0x1, s29, s14, $0xb8;
	[tilespmem:$0x10DC0] =	vst v63  }
0x98: {  	_ =	swait.ge [sflag:s31], $0x80  }
0x99: {  	[sflag:s31] =	ssyncset.done $0x0  }
0x9a: {  	[sflag:s31] =	ssyncadd.s32 $0xFFFFFF80  }
0x9b: {  	_ =	swait.ge [sflag:s31], $0x80  }
0x9c: {  	[sflag:s31] =	ssyncset.done $0x0  }
0x9d: {  	[sflag:s31] =	ssyncadd.s32 $0xFFFFFF80  }
0x9e: {  	_ =	swait.ge [sflag:s31], $0x80  }
0x9f: {  	[sflag:s31] =	ssyncset.done $0x0  }
0xa0: {  	[sflag:s31] =	ssyncadd.s32 $0xFFFFFF80  }
0xa1: {  	_ =	swait.ge [sflag:s31], $0x80  }
0xa2: {  	[sflag:s31] =	ssyncset.done $0x0  }
0xa3: {  	[sflag:s31] =	ssyncadd.s32 $0xFFFFFF80  }
0xa4: {  	v20 =	vld [tilespmem:$0x3880]  }
0xa5: {  	v52 =	vld [tilespmem:$0x3900]  }
0xa6: {  	v22 =	vld [tilespmem:$0x3980];
	_ =	sdelay $0x2  }
0xa7: {  	v26 =	vld [tilespmem:$0x3A00];
	v23 =	vmul.f32 v20, v0;
	v24 =	vmul.f32 v20, v4  }
0xa8: {  	v25 =	vmul.f32 v52, v1;
	v27 =	vmul.f32 v52, v5  }
0xa9: {  	v53 =	vmul.f32 v22, v2;
	v28 =	vmul.f32 v20, v8  }
0xaa: {  	v54 =	vmul.f32 v22, v6;
	v20 =	vmul.f32 v20, v12;
	v23 =	vadd.f32 v23, v16  }
0xab: {  	v56 =	vmul.f32 v52, v9;
	v21 =	vmul.f32 v52, v13;
	v24 =	vadd.f32 v24, v17  }
0xac: {  	v57 =	vmul.f32 v26, v3;
	v55 =	vadd.f32 v28, v18;
	v23 =	vadd.f32 v25, v23  }
0xad: {  	v58 =	vmul.f32 v22, v10;
	v20 =	vadd.f32 v20, v19;
	v24 =	vadd.f32 v27, v24  }
0xae: {  	v59 =	vmul.f32 v26, v7;
	v25 =	vadd.f32 v56, v55;
	v23 =	vadd.f32 v53, v23  }
0xaf: {  	v22 =	vmul.f32 v22, v14;
	v20 =	vadd.f32 v21, v20;
	v24 =	vadd.f32 v54, v24  }
0xb0: {  	v60 =	vmul.f32 v26, v11;
	v25 =	vadd.f32 v58, v25;
	v23 =	vadd.f32 v57, v23  }
0xb1: {  	s7 =	sshra.s32 s13, $0x2;
	v61 =	vmul.f32 v26, v15;
	v20 =	vadd.f32 v22, v20;
	v21 =	vadd.f32 v59, v24  }
0xb2: {  	v62 =	vadd.f32 v60, v25;
	[tilespmem:s7+$0x3C80] =	vst v23  }
0xb3: {  	v20 =	vadd.f32 v61, v20;
	[tilespmem:s7+$0x3D00] =	vst v21  }
0xb4: {  	[tilespmem:s7+$0x3D80] =	vst v62  }
0xb5: {  	[tilespmem:s7+$0x3E00] =	vst v20  }
0xb6: {  	v20 =	vld [tilespmem:$0x3890]  }
0xb7: {  	v21 =	vld [tilespmem:$0x3910]  }
0xb8: {  	v63 =	vld [tilespmem:$0x3990];
	_ =	sdelay $0x2  }
0xb9: {  	v33 =	vld [tilespmem:$0x3A10];
	v30 =	vmul.f32 v20, v0;
	v31 =	vmul.f32 v20, v4  }
0xba: {  	v32 =	vmul.f32 v21, v1;
	v34 =	vmul.f32 v21, v5  }
0xbb: {  	v35 =	vmul.f32 v63, v2;
	v36 =	vmul.f32 v20, v8  }
0xbc: {  	v37 =	vmul.f32 v63, v6;
	v20 =	vmul.f32 v20, v12;
	v23 =	vadd.f32 v30, v16  }
0xbd: {  	v39 =	vmul.f32 v21, v9;
	v21 =	vmul.f32 v21, v13;
	v24 =	vadd.f32 v31, v17  }
0xbe: {  	v40 =	vmul.f32 v33, v3;
	v38 =	vadd.f32 v36, v18;
	v23 =	vadd.f32 v32, v23  }
0xbf: {  	v41 =	vmul.f32 v63, v10;
	v20 =	vadd.f32 v20, v19;
	v24 =	vadd.f32 v34, v24  }
0xc0: {  	v42 =	vmul.f32 v33, v7;
	v25 =	vadd.f32 v39, v38;
	v23 =	vadd.f32 v35, v23  }
0xc1: {  	v22 =	vmul.f32 v63, v14;
	v20 =	vadd.f32 v21, v20;
	v24 =	vadd.f32 v37, v24  }
0xc2: {  	v43 =	vmul.f32 v33, v11;
	v25 =	vadd.f32 v41, v25;
	v23 =	vadd.f32 v40, v23  }
0xc3: {  	v44 =	vmul.f32 v33, v15;
	v20 =	vadd.f32 v22, v20;
	v21 =	vadd.f32 v42, v24  }
0xc4: {  	v45 =	vadd.f32 v43, v25;
	[tilespmem:s7+$0x3C90] =	vst v23  }
0xc5: {  	v20 =	vadd.f32 v44, v20;
	[tilespmem:s7+$0x3D10] =	vst v21  }
0xc6: {  	[tilespmem:s7+$0x3D90] =	vst v45  }
0xc7: {  	[tilespmem:s7+$0x3E10] =	vst v20  }
0xc8: {  	v20 =	vld [tilespmem:$0x38A0]  }
0xc9: {  	v21 =	vld [tilespmem:$0x3920]  }
0xca: {  	v46 =	vld [tilespmem:$0x39A0];
	_ =	sdelay $0x2  }
0xcb: {  	v50 =	vld [tilespmem:$0x3A20];
	v47 =	vmul.f32 v20, v0;
	v48 =	vmul.f32 v20, v4  }
0xcc: {  	v49 =	vmul.f32 v21, v1;
	v51 =	vmul.f32 v21, v5  }
0xcd: {  	v52 =	vmul.f32 v46, v2;
	v53 =	vmul.f32 v20, v8  }
0xce: {  	v54 =	vmul.f32 v46, v6;
	v20 =	vmul.f32 v20, v12;
	v23 =	vadd.f32 v47, v16  }
0xcf: {  	v56 =	vmul.f32 v21, v9;
	v21 =	vmul.f32 v21, v13;
	v24 =	vadd.f32 v48, v17  }
0xd0: {  	v57 =	vmul.f32 v50, v3;
	v55 =	vadd.f32 v53, v18;
	v23 =	vadd.f32 v49, v23  }
0xd1: {  	v58 =	vmul.f32 v46, v10;
	v20 =	vadd.f32 v20, v19;
	v24 =	vadd.f32 v51, v24  }
0xd2: {  	v59 =	vmul.f32 v50, v7;
	v25 =	vadd.f32 v56, v55;
	v23 =	vadd.f32 v52, v23  }
0xd3: {  	v22 =	vmul.f32 v46, v14;
	v20 =	vadd.f32 v21, v20;
	v24 =	vadd.f32 v54, v24  }
0xd4: {  	v60 =	vmul.f32 v50, v11;
	v25 =	vadd.f32 v58, v25;
	v23 =	vadd.f32 v57, v23  }
0xd5: {  	v61 =	vmul.f32 v50, v15;
	v20 =	vadd.f32 v22, v20;
	v21 =	vadd.f32 v59, v24  }
0xd6: {  	v62 =	vadd.f32 v60, v25;
	[tilespmem:s7+$0x3CA0] =	vst v23  }
0xd7: {  	v20 =	vadd.f32 v61, v20;
	[tilespmem:s7+$0x3D20] =	vst v21  }
0xd8: {  	[tilespmem:s7+$0x3DA0] =	vst v62  }
0xd9: {  	[tilespmem:s7+$0x3E20] =	vst v20  }
0xda: {  	v20 =	vld [tilespmem:$0x38B0]  }
0xdb: {  	v21 =	vld [tilespmem:$0x3930]  }
0xdc: {  	v63 =	vld [tilespmem:$0x39B0];
	_ =	sdelay $0x2  }
0xdd: {  	v33 =	vld [tilespmem:$0x3A30];
	v30 =	vmul.f32 v20, v0;
	v31 =	vmul.f32 v20, v4  }
0xde: {  	v32 =	vmul.f32 v21, v1;
	v34 =	vmul.f32 v21, v5  }
0xdf: {  	v35 =	vmul.f32 v63, v2;
	v36 =	vmul.f32 v20, v8  }
0xe0: {  	v37 =	vmul.f32 v63, v6;
	v20 =	vmul.f32 v20, v12;
	v23 =	vadd.f32 v30, v16  }
0xe1: {  	v39 =	vmul.f32 v21, v9;
	v21 =	vmul.f32 v21, v13;
	v24 =	vadd.f32 v31, v17  }
0xe2: {  	v40 =	vmul.f32 v33, v3;
	v38 =	vadd.f32 v36, v18;
	v23 =	vadd.f32 v32, v23  }
0xe3: {  	v41 =	vmul.f32 v63, v10;
	v20 =	vadd.f32 v20, v19;
	v24 =	vadd.f32 v34, v24  }
0xe4: {  	v42 =	vmul.f32 v33, v7;
	v25 =	vadd.f32 v39, v38;
	v23 =	vadd.f32 v35, v23  }
0xe5: {  	v22 =	vmul.f32 v63, v14;
	v20 =	vadd.f32 v21, v20;
	v24 =	vadd.f32 v37, v24  }
0xe6: {  	v43 =	vmul.f32 v33, v11;
	v25 =	vadd.f32 v41, v25;
	v23 =	vadd.f32 v40, v23  }
0xe7: {  	v44 =	vmul.f32 v33, v15;
	v20 =	vadd.f32 v22, v20;
	v21 =	vadd.f32 v42, v24  }
0xe8: {  	v45 =	vadd.f32 v43, v25;
	[tilespmem:s7+$0x3CB0] =	vst v23  }
0xe9: {  	v20 =	vadd.f32 v44, v20;
	[tilespmem:s7+$0x3D30] =	vst v21  }
0xea: {  	[tilespmem:s7+$0x3DB0] =	vst v45  }
0xeb: {  	[tilespmem:s7+$0x3E30] =	vst v20  }
0xec: {  	v20 =	vld [tilespmem:$0x38C0]  }
0xed: {  	v21 =	vld [tilespmem:$0x3940]  }
0xee: {  	v46 =	vld [tilespmem:$0x39C0];
	_ =	sdelay $0x2  }
0xef: {  	v50 =	vld [tilespmem:$0x3A40];
	v47 =	vmul.f32 v20, v0;
	v48 =	vmul.f32 v20, v4  }
0xf0: {  	v49 =	vmul.f32 v21, v1;
	v51 =	vmul.f32 v21, v5  }
0xf1: {  	v52 =	vmul.f32 v46, v2;
	v53 =	vmul.f32 v20, v8  }
0xf2: {  	v54 =	vmul.f32 v46, v6;
	v20 =	vmul.f32 v20, v12;
	v23 =	vadd.f32 v47, v16  }
0xf3: {  	v56 =	vmul.f32 v21, v9;
	v21 =	vmul.f32 v21, v13;
	v24 =	vadd.f32 v48, v17  }
0xf4: {  	v57 =	vmul.f32 v50, v3;
	v55 =	vadd.f32 v53, v18;
	v23 =	vadd.f32 v49, v23  }
0xf5: {  	v58 =	vmul.f32 v46, v10;
	v20 =	vadd.f32 v20, v19;
	v24 =	vadd.f32 v51, v24  }
0xf6: {  	v59 =	vmul.f32 v50, v7;
	v25 =	vadd.f32 v56, v55;
	v23 =	vadd.f32 v52, v23  }
0xf7: {  	v22 =	vmul.f32 v46, v14;
	v20 =	vadd.f32 v21, v20;
	v24 =	vadd.f32 v54, v24  }
0xf8: {  	v60 =	vmul.f32 v50, v11;
	v25 =	vadd.f32 v58, v25;
	v23 =	vadd.f32 v57, v23  }
0xf9: {  	v61 =	vmul.f32 v50, v15;
	v20 =	vadd.f32 v22, v20;
	v21 =	vadd.f32 v59, v24  }
0xfa: {  	v62 =	vadd.f32 v60, v25;
	[tilespmem:s7+$0x3CC0] =	vst v23  }
0xfb: {  	v20 =	vadd.f32 v61, v20;
	[tilespmem:s7+$0x3D40] =	vst v21  }
0xfc: {  	[tilespmem:s7+$0x3DC0] =	vst v62  }
0xfd: {  	[tilespmem:s7+$0x3E40] =	vst v20  }
0xfe: {  	v20 =	vld [tilespmem:$0x38D0]  }
0xff: {  	v21 =	vld [tilespmem:$0x3950]  }
0x100: {  	v63 =	vld [tilespmem:$0x39D0];
	_ =	sdelay $0x2  }
0x101: {  	v33 =	vld [tilespmem:$0x3A50];
	v30 =	vmul.f32 v20, v0;
	v31 =	vmul.f32 v20, v4  }
0x102: {  	v32 =	vmul.f32 v21, v1;
	v34 =	vmul.f32 v21, v5  }
0x103: {  	v35 =	vmul.f32 v63, v2;
	v36 =	vmul.f32 v20, v8  }
0x104: {  	v37 =	vmul.f32 v63, v6;
	v20 =	vmul.f32 v20, v12;
	v23 =	vadd.f32 v30, v16  }
0x105: {  	v39 =	vmul.f32 v21, v9;
	v21 =	vmul.f32 v21, v13;
	v24 =	vadd.f32 v31, v17  }
0x106: {  	v40 =	vmul.f32 v33, v3;
	v38 =	vadd.f32 v36, v18;
	v23 =	vadd.f32 v32, v23  }
0x107: {  	v41 =	vmul.f32 v63, v10;
	v20 =	vadd.f32 v20, v19;
	v24 =	vadd.f32 v34, v24  }
0x108: {  	v42 =	vmul.f32 v33, v7;
	v25 =	vadd.f32 v39, v38;
	v23 =	vadd.f32 v35, v23  }
0x109: {  	v22 =	vmul.f32 v63, v14;
	v20 =	vadd.f32 v21, v20;
	v24 =	vadd.f32 v37, v24  }
0x10a: {  	v43 =	vmul.f32 v33, v11;
	v25 =	vadd.f32 v41, v25;
	v23 =	vadd.f32 v40, v23  }
0x10b: {  	v44 =	vmul.f32 v33, v15;
	v20 =	vadd.f32 v22, v20;
	v21 =	vadd.f32 v42, v24  }
0x10c: {  	v45 =	vadd.f32 v43, v25;
	[tilespmem:s7+$0x3CD0] =	vst v23  }
0x10d: {  	v20 =	vadd.f32 v44, v20;
	[tilespmem:s7+$0x3D50] =	vst v21  }
0x10e: {  	[tilespmem:s7+$0x3DD0] =	vst v45  }
0x10f: {  	[tilespmem:s7+$0x3E50] =	vst v20  }
0x110: {  	v20 =	vld [tilespmem:$0x38E0]  }
0x111: {  	v21 =	vld [tilespmem:$0x3960]  }
0x112: {  	v46 =	vld [tilespmem:$0x39E0];
	_ =	sdelay $0x2  }
0x113: {  	v50 =	vld [tilespmem:$0x3A60];
	v47 =	vmul.f32 v20, v0;
	v48 =	vmul.f32 v20, v4  }
0x114: {  	v49 =	vmul.f32 v21, v1;
	v51 =	vmul.f32 v21, v5  }
0x115: {  	v52 =	vmul.f32 v46, v2;
	v53 =	vmul.f32 v20, v8  }
0x116: {  	v54 =	vmul.f32 v46, v6;
	v20 =	vmul.f32 v20, v12;
	v23 =	vadd.f32 v47, v16  }
0x117: {  	v56 =	vmul.f32 v21, v9;
	v21 =	vmul.f32 v21, v13;
	v24 =	vadd.f32 v48, v17  }
0x118: {  	v57 =	vmul.f32 v50, v3;
	v55 =	vadd.f32 v53, v18;
	v23 =	vadd.f32 v49, v23  }
0x119: {  	v58 =	vmul.f32 v46, v10;
	v20 =	vadd.f32 v20, v19;
	v24 =	vadd.f32 v51, v24  }
0x11a: {  	v59 =	vmul.f32 v50, v7;
	v25 =	vadd.f32 v56, v55;
	v23 =	vadd.f32 v52, v23  }
0x11b: {  	v22 =	vmul.f32 v46, v14;
	v20 =	vadd.f32 v21, v20;
	v24 =	vadd.f32 v54, v24  }
0x11c: {  	v60 =	vmul.f32 v50, v11;
	v25 =	vadd.f32 v58, v25;
	v23 =	vadd.f32 v57, v23  }
0x11d: {  	v61 =	vmul.f32 v50, v15;
	v20 =	vadd.f32 v22, v20;
	v21 =	vadd.f32 v59, v24  }
0x11e: {  	v62 =	vadd.f32 v60, v25;
	[tilespmem:s7+$0x3CE0] =	vst v23  }
0x11f: {  	v20 =	vadd.f32 v61, v20;
	[tilespmem:s7+$0x3D60] =	vst v21  }
0x120: {  	[tilespmem:s7+$0x3DE0] =	vst v62  }
0x121: {  	[tilespmem:s7+$0x3E60] =	vst v20  }
0x122: {  	v20 =	vld [tilespmem:$0x38F0]  }
0x123: {  	v21 =	vld [tilespmem:$0x3970]  }
0x124: {  	v63 =	vld [tilespmem:$0x39F0];
	_ =	sdelay $0x2  }
0x125: {  	v33 =	vld [tilespmem:$0x3A70];
	v30 =	vmul.f32 v20, v0;
	v31 =	vmul.f32 v20, v4  }
0x126: {  	v32 =	vmul.f32 v21, v1;
	v34 =	vmul.f32 v21, v5  }
0x127: {  	v35 =	vmul.f32 v63, v2;
	v36 =	vmul.f32 v20, v8  }
0x128: {  	v37 =	vmul.f32 v63, v6;
	v20 =	vmul.f32 v20, v12;
	v23 =	vadd.f32 v30, v16  }
0x129: {  	v39 =	vmul.f32 v21, v9;
	v21 =	vmul.f32 v21, v13;
	v24 =	vadd.f32 v31, v17  }
0x12a: {  	v40 =	vmul.f32 v33, v3;
	v38 =	vadd.f32 v36, v18;
	v23 =	vadd.f32 v32, v23  }
0x12b: {  	v41 =	vmul.f32 v63, v10;
	v20 =	vadd.f32 v20, v19;
	v24 =	vadd.f32 v34, v24  }
0x12c: {  	v42 =	vmul.f32 v33, v7;
	v25 =	vadd.f32 v39, v38;
	v23 =	vadd.f32 v35, v23  }
0x12d: {  	v22 =	vmul.f32 v63, v14;
	v20 =	vadd.f32 v21, v20;
	v24 =	vadd.f32 v37, v24  }
0x12e: {  	v43 =	vmul.f32 v33, v11;
	v25 =	vadd.f32 v41, v25;
	v23 =	vadd.f32 v40, v23  }
0x12f: {  	v44 =	vmul.f32 v33, v15;
	v20 =	vadd.f32 v22, v20;
	v21 =	vadd.f32 v42, v24  }
0x130: {  	v45 =	vadd.f32 v43, v25;
	[tilespmem:s7+$0x3CF0] =	vst v23  }
0x131: {  	v20 =	vadd.f32 v44, v20;
	[tilespmem:s7+$0x3D70] =	vst v21  }
0x132: {  	[tilespmem:s7+$0x3DF0] =	vst v45  }
0x133: {  	s12 =	sadd.s32 $0x3C80, s7;
	[tilespmem:s7+$0x3E70] =	vst v20  }
0x134: {  	[hbm4b:s8+s5] =	stream.linear.scatter [tilespmem:s12], [sflag:$0x3], $0x200, $0x38;
	[tilespmem:$0x10DC0] =	vst v63  }
0x135: {  	v20 =	vld [tilespmem:s3+$0x40];
	_ =	sdelay $0x4  }
0x136: {  	v46 =	vshll.u32 v20, $0x2  }
0x137: {  	v20 =	vand.u32 $0x7F, v20;
	v21 =	vand.u32 $0xFFFFFE00, v46  }
0x138: {  	v20 =	vor.u32 v20, v21  }
0x139: {  	[tilespmem:$0x3480] =	vst v20;
	v21 =	vor.u32 $0x80, v20  }
0x13a: {  	v47 =	vor.u32 $0x100, v20;
	[tilespmem:$0x3500] =	vst v21  }
0x13b: {  	v20 =	vor.u32 $0x180, v20;
	[tilespmem:$0x3580] =	vst v47  }
0x13c: {  	[tilespmem:$0x3600] =	vst v20  }
0x13d: {  	v20 =	vld [tilespmem:s3+$0x50];
	_ =	sdelay $0x4  }
0x13e: {  	v48 =	vshll.u32 v20, $0x2  }
0x13f: {  	v20 =	vand.u32 $0x7F, v20;
	v21 =	vand.u32 $0xFFFFFE00, v48  }
0x140: {  	v20 =	vor.u32 v20, v21  }
0x141: {  	[tilespmem:$0x3490] =	vst v20;
	v21 =	vor.u32 $0x80, v20  }
0x142: {  	v49 =	vor.u32 $0x100, v20;
	[tilespmem:$0x3510] =	vst v21  }
0x143: {  	v20 =	vor.u32 $0x180, v20;
	[tilespmem:$0x3590] =	vst v49  }
0x144: {  	[tilespmem:$0x3610] =	vst v20  }
0x145: {  	v20 =	vld [tilespmem:s3+$0x60];
	_ =	sdelay $0x4  }
0x146: {  	v50 =	vshll.u32 v20, $0x2  }
0x147: {  	v20 =	vand.u32 $0x7F, v20;
	v21 =	vand.u32 $0xFFFFFE00, v50  }
0x148: {  	v20 =	vor.u32 v20, v21  }
0x149: {  	[tilespmem:$0x34A0] =	vst v20;
	v21 =	vor.u32 $0x80, v20  }
0x14a: {  	v51 =	vor.u32 $0x100, v20;
	[tilespmem:$0x3520] =	vst v21  }
0x14b: {  	v20 =	vor.u32 $0x180, v20;
	[tilespmem:$0x35A0] =	vst v51  }
0x14c: {  	[tilespmem:$0x3620] =	vst v20  }
0x14d: {  	v20 =	vld [tilespmem:s3+$0x70];
	_ =	sdelay $0x4  }
0x14e: {  	v52 =	vshll.u32 v20, $0x2  }
0x14f: {  	v20 =	vand.u32 $0x7F, v20;
	v21 =	vand.u32 $0xFFFFFE00, v52  }
0x150: {  	v20 =	vor.u32 v20, v21  }
0x151: {  	[tilespmem:$0x34B0] =	vst v20;
	v21 =	vor.u32 $0x80, v20  }
0x152: {  	v53 =	vor.u32 $0x100, v20;
	[tilespmem:$0x3530] =	vst v21  }
0x153: {  	v20 =	vor.u32 $0x180, v20;
	[tilespmem:$0x35B0] =	vst v53  }
0x154: {  	[tilespmem:$0x3630] =	vst v20  }
0x155: {  	v20 =	vld [tilespmem:s3+$0x80];
	_ =	sdelay $0x4  }
0x156: {  	v54 =	vshll.u32 v20, $0x2  }
0x157: {  	v20 =	vand.u32 $0x7F, v20;
	v21 =	vand.u32 $0xFFFFFE00, v54  }
0x158: {  	v20 =	vor.u32 v20, v21  }
0x159: {  	[tilespmem:$0x34C0] =	vst v20;
	v21 =	vor.u32 $0x80, v20  }
0x15a: {  	v55 =	vor.u32 $0x100, v20;
	[tilespmem:$0x3540] =	vst v21  }
0x15b: {  	v20 =	vor.u32 $0x180, v20;
	[tilespmem:$0x35C0] =	vst v55  }
0x15c: {  	[tilespmem:$0x3640] =	vst v20  }
0x15d: {  	v20 =	vld [tilespmem:s3+$0x90];
	_ =	sdelay $0x4  }
0x15e: {  	v56 =	vshll.u32 v20, $0x2  }
0x15f: {  	v20 =	vand.u32 $0x7F, v20;
	v21 =	vand.u32 $0xFFFFFE00, v56  }
0x160: {  	v20 =	vor.u32 v20, v21  }
0x161: {  	[tilespmem:$0x34D0] =	vst v20;
	v21 =	vor.u32 $0x80, v20  }
0x162: {  	v57 =	vor.u32 $0x100, v20;
	[tilespmem:$0x3550] =	vst v21  }
0x163: {  	v20 =	vor.u32 $0x180, v20;
	[tilespmem:$0x35D0] =	vst v57  }
0x164: {  	[tilespmem:$0x3650] =	vst v20  }
0x165: {  	v20 =	vld [tilespmem:s3+$0xA0];
	_ =	sdelay $0x4  }
0x166: {  	v58 =	vshll.u32 v20, $0x2  }
0x167: {  	v20 =	vand.u32 $0x7F, v20;
	v21 =	vand.u32 $0xFFFFFE00, v58  }
0x168: {  	v20 =	vor.u32 v20, v21  }
0x169: {  	[tilespmem:$0x34E0] =	vst v20;
	v21 =	vor.u32 $0x80, v20  }
0x16a: {  	v59 =	vor.u32 $0x100, v20;
	[tilespmem:$0x3560] =	vst v21  }
0x16b: {  	v20 =	vor.u32 $0x180, v20;
	[tilespmem:$0x35E0] =	vst v59  }
0x16c: {  	[tilespmem:$0x3660] =	vst v20  }
0x16d: {  	v20 =	vld [tilespmem:s3+$0xB0];
	_ =	sdelay $0x4  }
0x16e: {  	v60 =	vshll.u32 v20, $0x2  }
0x16f: {  	v20 =	vand.u32 $0x7F, v20;
	v21 =	vand.u32 $0xFFFFFE00, v60  }
0x170: {  	v20 =	vor.u32 v20, v21  }
0x171: {  	[tilespmem:$0x34F0] =	vst v20;
	v21 =	vor.u32 $0x80, v20  }
0x172: {  	v61 =	vor.u32 $0x100, v20;
	[tilespmem:$0x3570] =	vst v21  }
0x173: {  	v20 =	vor.u32 $0x180, v20;
	[tilespmem:$0x35F0] =	vst v61  }
0x174: {  	[tilespmem:$0x3670] =	vst v20  }
0x175: {  	[tilespmem:s16], [sflag:$0x1] =	stream.indirect.gather [hbm4b:s1+s14], $0x1, s15, s14, $0xb8;
	[tilespmem:$0x10DC0] =	vst v63  }
0x176: {  	_ = 	snop  }
0x177: {  	[tilespmem:s18], [sflag:$0x1] =	stream.indirect.gather [hbm4b:s1+s14], $0x1, s17, s14, $0xb8;
	[tilespmem:$0x10DC0] =	vst v63  }
0x178: {  	_ = 	snop  }
0x179: {  	[tilespmem:s20], [sflag:$0x1] =	stream.indirect.gather [hbm4b:s1+s14], $0x1, s19, s14, $0xb8;
	[tilespmem:$0x10DC0] =	vst v63  }
0x17a: {  	_ = 	snop  }
0x17b: {  	[tilespmem:s22], [sflag:$0x1] =	stream.indirect.gather [hbm4b:s1+s14], $0x1, s21, s14, $0xb8;
	[tilespmem:$0x10DC0] =	vst v63  }
0x17c: {  	_ =	swait.ge [sflag:s0], $0x80  }
0x17d: {  	[sflag:s0] =	ssyncset.done $0x0  }
0x17e: {  	[sflag:s0] =	ssyncadd.s32 $0xFFFFFF80  }
0x17f: {  	_ =	swait.ge [sflag:s0], $0x80  }
0x180: {  	[sflag:s0] =	ssyncset.done $0x0  }
0x181: {  	[sflag:s0] =	ssyncadd.s32 $0xFFFFFF80  }
0x182: {  	_ =	swait.ge [sflag:s0], $0x80  }
0x183: {  	[sflag:s0] =	ssyncset.done $0x0  }
0x184: {  	[sflag:s0] =	ssyncadd.s32 $0xFFFFFF80  }
0x185: {  	_ =	swait.ge [sflag:s0], $0x80  }
0x186: {  	[sflag:s0] =	ssyncset.done $0x0  }
0x187: {  	[sflag:s0] =	ssyncadd.s32 $0xFFFFFF80  }
0x188: {  	v20 =	vld [tilespmem:$0x3A80]  }
0x189: {  	v62 =	vld [tilespmem:$0x3B00]  }
0x18a: {  	v63 =	vld [tilespmem:$0x3B80];
	_ =	sdelay $0x2  }
0x18b: {  	v33 =	vld [tilespmem:$0x3C00];
	v30 =	vmul.f32 v20, v0;
	v31 =	vmul.f32 v20, v4  }
0x18c: {  	v32 =	vmul.f32 v62, v1;
	v34 =	vmul.f32 v62, v5  }
0x18d: {  	v35 =	vmul.f32 v63, v2;
	v36 =	vmul.f32 v20, v8  }
0x18e: {  	v37 =	vmul.f32 v63, v6;
	v20 =	vmul.f32 v20, v12;
	v23 =	vadd.f32 v30, v16  }
0x18f: {  	v39 =	vmul.f32 v62, v9;
	v21 =	vmul.f32 v62, v13;
	v24 =	vadd.f32 v31, v17  }
0x190: {  	v40 =	vmul.f32 v33, v3;
	v38 =	vadd.f32 v36, v18;
	v23 =	vadd.f32 v32, v23  }
0x191: {  	v41 =	vmul.f32 v63, v10;
	v20 =	vadd.f32 v20, v19;
	v24 =	vadd.f32 v34, v24  }
0x192: {  	v42 =	vmul.f32 v33, v7;
	v25 =	vadd.f32 v39, v38;
	v23 =	vadd.f32 v35, v23  }
0x193: {  	v22 =	vmul.f32 v63, v14;
	v20 =	vadd.f32 v21, v20;
	v24 =	vadd.f32 v37, v24  }
0x194: {  	v43 =	vmul.f32 v33, v11;
	v25 =	vadd.f32 v41, v25;
	v23 =	vadd.f32 v40, v23  }
0x195: {  	v44 =	vmul.f32 v33, v15;
	v20 =	vadd.f32 v22, v20;
	v21 =	vadd.f32 v42, v24  }
0x196: {  	v45 =	vadd.f32 v43, v25;
	[tilespmem:s7+$0x3E80] =	vst v23  }
0x197: {  	v20 =	vadd.f32 v44, v20;
	[tilespmem:s7+$0x3F00] =	vst v21  }
0x198: {  	[tilespmem:s7+$0x3F80] =	vst v45  }
0x199: {  	[tilespmem:s7+$0x4000] =	vst v20  }
0x19a: {  	v20 =	vld [tilespmem:$0x3A90]  }
0x19b: {  	v21 =	vld [tilespmem:$0x3B10]  }
0x19c: {  	v46 =	vld [tilespmem:$0x3B90];
	_ =	sdelay $0x2  }
0x19d: {  	v50 =	vld [tilespmem:$0x3C10];
	v47 =	vmul.f32 v20, v0;
	v48 =	vmul.f32 v20, v4  }
0x19e: {  	v49 =	vmul.f32 v21, v1;
	v51 =	vmul.f32 v21, v5  }
0x19f: {  	v52 =	vmul.f32 v46, v2;
	v53 =	vmul.f32 v20, v8  }
0x1a0: {  	v54 =	vmul.f32 v46, v6;
	v20 =	vmul.f32 v20, v12;
	v23 =	vadd.f32 v47, v16  }
0x1a1: {  	v56 =	vmul.f32 v21, v9;
	v21 =	vmul.f32 v21, v13;
	v24 =	vadd.f32 v48, v17  }
0x1a2: {  	v57 =	vmul.f32 v50, v3;
	v55 =	vadd.f32 v53, v18;
	v23 =	vadd.f32 v49, v23  }
0x1a3: {  	v58 =	vmul.f32 v46, v10;
	v20 =	vadd.f32 v20, v19;
	v24 =	vadd.f32 v51, v24  }
0x1a4: {  	v59 =	vmul.f32 v50, v7;
	v25 =	vadd.f32 v56, v55;
	v23 =	vadd.f32 v52, v23  }
0x1a5: {  	v22 =	vmul.f32 v46, v14;
	v20 =	vadd.f32 v21, v20;
	v24 =	vadd.f32 v54, v24  }
0x1a6: {  	v60 =	vmul.f32 v50, v11;
	v25 =	vadd.f32 v58, v25;
	v23 =	vadd.f32 v57, v23  }
0x1a7: {  	v61 =	vmul.f32 v50, v15;
	v20 =	vadd.f32 v22, v20;
	v21 =	vadd.f32 v59, v24  }
0x1a8: {  	v62 =	vadd.f32 v60, v25;
	[tilespmem:s7+$0x3E90] =	vst v23  }
0x1a9: {  	v20 =	vadd.f32 v61, v20;
	[tilespmem:s7+$0x3F10] =	vst v21  }
0x1aa: {  	[tilespmem:s7+$0x3F90] =	vst v62  }
0x1ab: {  	[tilespmem:s7+$0x4010] =	vst v20  }
0x1ac: {  	v20 =	vld [tilespmem:$0x3AA0]  }
0x1ad: {  	v21 =	vld [tilespmem:$0x3B20]  }
0x1ae: {  	v63 =	vld [tilespmem:$0x3BA0];
	_ =	sdelay $0x2  }
0x1af: {  	v33 =	vld [tilespmem:$0x3C20];
	v30 =	vmul.f32 v20, v0;
	v31 =	vmul.f32 v20, v4  }
0x1b0: {  	v32 =	vmul.f32 v21, v1;
	v34 =	vmul.f32 v21, v5  }
0x1b1: {  	v35 =	vmul.f32 v63, v2;
	v36 =	vmul.f32 v20, v8  }
0x1b2: {  	v37 =	vmul.f32 v63, v6;
	v20 =	vmul.f32 v20, v12;
	v23 =	vadd.f32 v30, v16  }
0x1b3: {  	v39 =	vmul.f32 v21, v9;
	v21 =	vmul.f32 v21, v13;
	v24 =	vadd.f32 v31, v17  }
0x1b4: {  	v40 =	vmul.f32 v33, v3;
	v38 =	vadd.f32 v36, v18;
	v23 =	vadd.f32 v32, v23  }
0x1b5: {  	v41 =	vmul.f32 v63, v10;
	v20 =	vadd.f32 v20, v19;
	v24 =	vadd.f32 v34, v24  }
0x1b6: {  	v42 =	vmul.f32 v33, v7;
	v25 =	vadd.f32 v39, v38;
	v23 =	vadd.f32 v35, v23  }
0x1b7: {  	v22 =	vmul.f32 v63, v14;
	v20 =	vadd.f32 v21, v20;
	v24 =	vadd.f32 v37, v24  }
0x1b8: {  	v43 =	vmul.f32 v33, v11;
	v25 =	vadd.f32 v41, v25;
	v23 =	vadd.f32 v40, v23  }
0x1b9: {  	v44 =	vmul.f32 v33, v15;
	v20 =	vadd.f32 v22, v20;
	v21 =	vadd.f32 v42, v24  }
0x1ba: {  	v45 =	vadd.f32 v43, v25;
	[tilespmem:s7+$0x3EA0] =	vst v23  }
0x1bb: {  	v20 =	vadd.f32 v44, v20;
	[tilespmem:s7+$0x3F20] =	vst v21  }
0x1bc: {  	[tilespmem:s7+$0x3FA0] =	vst v45  }
0x1bd: {  	[tilespmem:s7+$0x4020] =	vst v20  }
0x1be: {  	v20 =	vld [tilespmem:$0x3AB0]  }
0x1bf: {  	v21 =	vld [tilespmem:$0x3B30]  }
0x1c0: {  	v46 =	vld [tilespmem:$0x3BB0];
	_ =	sdelay $0x2  }
0x1c1: {  	v50 =	vld [tilespmem:$0x3C30];
	v47 =	vmul.f32 v20, v0;
	v48 =	vmul.f32 v20, v4  }
0x1c2: {  	v49 =	vmul.f32 v21, v1;
	v51 =	vmul.f32 v21, v5  }
0x1c3: {  	v52 =	vmul.f32 v46, v2;
	v53 =	vmul.f32 v20, v8  }
0x1c4: {  	v54 =	vmul.f32 v46, v6;
	v20 =	vmul.f32 v20, v12;
	v23 =	vadd.f32 v47, v16  }
0x1c5: {  	v56 =	vmul.f32 v21, v9;
	v21 =	vmul.f32 v21, v13;
	v24 =	vadd.f32 v48, v17  }
0x1c6: {  	v57 =	vmul.f32 v50, v3;
	v55 =	vadd.f32 v53, v18;
	v23 =	vadd.f32 v49, v23  }
0x1c7: {  	v58 =	vmul.f32 v46, v10;
	v20 =	vadd.f32 v20, v19;
	v24 =	vadd.f32 v51, v24  }
0x1c8: {  	v59 =	vmul.f32 v50, v7;
	v25 =	vadd.f32 v56, v55;
	v23 =	vadd.f32 v52, v23  }
0x1c9: {  	v22 =	vmul.f32 v46, v14;
	v20 =	vadd.f32 v21, v20;
	v24 =	vadd.f32 v54, v24  }
0x1ca: {  	v60 =	vmul.f32 v50, v11;
	v25 =	vadd.f32 v58, v25;
	v23 =	vadd.f32 v57, v23  }
0x1cb: {  	v61 =	vmul.f32 v50, v15;
	v20 =	vadd.f32 v22, v20;
	v21 =	vadd.f32 v59, v24  }
0x1cc: {  	v62 =	vadd.f32 v60, v25;
	[tilespmem:s7+$0x3EB0] =	vst v23  }
0x1cd: {  	v20 =	vadd.f32 v61, v20;
	[tilespmem:s7+$0x3F30] =	vst v21  }
0x1ce: {  	[tilespmem:s7+$0x3FB0] =	vst v62  }
0x1cf: {  	[tilespmem:s7+$0x4030] =	vst v20  }
0x1d0: {  	v20 =	vld [tilespmem:$0x3AC0]  }
0x1d1: {  	v21 =	vld [tilespmem:$0x3B40]  }
0x1d2: {  	v63 =	vld [tilespmem:$0x3BC0];
	_ =	sdelay $0x2  }
0x1d3: {  	v33 =	vld [tilespmem:$0x3C40];
	v30 =	vmul.f32 v20, v0;
	v31 =	vmul.f32 v20, v4  }
0x1d4: {  	v32 =	vmul.f32 v21, v1;
	v34 =	vmul.f32 v21, v5  }
0x1d5: {  	v35 =	vmul.f32 v63, v2;
	v36 =	vmul.f32 v20, v8  }
0x1d6: {  	v37 =	vmul.f32 v63, v6;
	v20 =	vmul.f32 v20, v12;
	v23 =	vadd.f32 v30, v16  }
0x1d7: {  	v39 =	vmul.f32 v21, v9;
	v21 =	vmul.f32 v21, v13;
	v24 =	vadd.f32 v31, v17  }
0x1d8: {  	v40 =	vmul.f32 v33, v3;
	v38 =	vadd.f32 v36, v18;
	v23 =	vadd.f32 v32, v23  }
0x1d9: {  	v41 =	vmul.f32 v63, v10;
	v20 =	vadd.f32 v20, v19;
	v24 =	vadd.f32 v34, v24  }
0x1da: {  	v42 =	vmul.f32 v33, v7;
	v25 =	vadd.f32 v39, v38;
	v23 =	vadd.f32 v35, v23  }
0x1db: {  	v22 =	vmul.f32 v63, v14;
	v20 =	vadd.f32 v21, v20;
	v24 =	vadd.f32 v37, v24  }
0x1dc: {  	v43 =	vmul.f32 v33, v11;
	v25 =	vadd.f32 v41, v25;
	v23 =	vadd.f32 v40, v23  }
0x1dd: {  	v44 =	vmul.f32 v33, v15;
	v20 =	vadd.f32 v22, v20;
	v21 =	vadd.f32 v42, v24  }
0x1de: {  	v45 =	vadd.f32 v43, v25;
	[tilespmem:s7+$0x3EC0] =	vst v23  }
0x1df: {  	v20 =	vadd.f32 v44, v20;
	[tilespmem:s7+$0x3F40] =	vst v21  }
0x1e0: {  	[tilespmem:s7+$0x3FC0] =	vst v45  }
0x1e1: {  	[tilespmem:s7+$0x4040] =	vst v20  }
0x1e2: {  	v20 =	vld [tilespmem:$0x3AD0]  }
0x1e3: {  	v21 =	vld [tilespmem:$0x3B50]  }
0x1e4: {  	v46 =	vld [tilespmem:$0x3BD0];
	_ =	sdelay $0x2  }
0x1e5: {  	v50 =	vld [tilespmem:$0x3C50];
	v47 =	vmul.f32 v20, v0;
	v48 =	vmul.f32 v20, v4  }
0x1e6: {  	v49 =	vmul.f32 v21, v1;
	v51 =	vmul.f32 v21, v5  }
0x1e7: {  	v52 =	vmul.f32 v46, v2;
	v53 =	vmul.f32 v20, v8  }
0x1e8: {  	v54 =	vmul.f32 v46, v6;
	v20 =	vmul.f32 v20, v12;
	v23 =	vadd.f32 v47, v16  }
0x1e9: {  	v56 =	vmul.f32 v21, v9;
	v21 =	vmul.f32 v21, v13;
	v24 =	vadd.f32 v48, v17  }
0x1ea: {  	v57 =	vmul.f32 v50, v3;
	v55 =	vadd.f32 v53, v18;
	v23 =	vadd.f32 v49, v23  }
0x1eb: {  	v58 =	vmul.f32 v46, v10;
	v20 =	vadd.f32 v20, v19;
	v24 =	vadd.f32 v51, v24  }
0x1ec: {  	v59 =	vmul.f32 v50, v7;
	v25 =	vadd.f32 v56, v55;
	v23 =	vadd.f32 v52, v23  }
0x1ed: {  	v22 =	vmul.f32 v46, v14;
	v20 =	vadd.f32 v21, v20;
	v24 =	vadd.f32 v54, v24  }
0x1ee: {  	v60 =	vmul.f32 v50, v11;
	v25 =	vadd.f32 v58, v25;
	v23 =	vadd.f32 v57, v23  }
0x1ef: {  	v61 =	vmul.f32 v50, v15;
	v20 =	vadd.f32 v22, v20;
	v21 =	vadd.f32 v59, v24  }
0x1f0: {  	v62 =	vadd.f32 v60, v25;
	[tilespmem:s7+$0x3ED0] =	vst v23  }
0x1f1: {  	v20 =	vadd.f32 v61, v20;
	[tilespmem:s7+$0x3F50] =	vst v21  }
0x1f2: {  	[tilespmem:s7+$0x3FD0] =	vst v62  }
0x1f3: {  	[tilespmem:s7+$0x4050] =	vst v20  }
0x1f4: {  	v20 =	vld [tilespmem:$0x3AE0]  }
0x1f5: {  	v21 =	vld [tilespmem:$0x3B60]  }
0x1f6: {  	v63 =	vld [tilespmem:$0x3BE0];
	_ =	sdelay $0x2  }
0x1f7: {  	v34 =	vld [tilespmem:$0x3C60];
	v31 =	vmul.f32 v20, v0;
	v32 =	vmul.f32 v20, v4  }
0x1f8: {  	v33 =	vmul.f32 v21, v1;
	v35 =	vmul.f32 v21, v5  }
0x1f9: {  	v36 =	vmul.f32 v63, v2;
	v37 =	vmul.f32 v20, v8  }
0x1fa: {  	v38 =	vmul.f32 v63, v6;
	v20 =	vmul.f32 v20, v12;
	v23 =	vadd.f32 v31, v16  }
0x1fb: {  	v40 =	vmul.f32 v21, v9;
	v21 =	vmul.f32 v21, v13;
	v24 =	vadd.f32 v32, v17  }
0x1fc: {  	v41 =	vmul.f32 v34, v3;
	v39 =	vadd.f32 v37, v18;
	v23 =	vadd.f32 v33, v23  }
0x1fd: {  	v42 =	vmul.f32 v63, v10;
	v20 =	vadd.f32 v20, v19;
	v24 =	vadd.f32 v35, v24  }
0x1fe: {  	v43 =	vmul.f32 v34, v7;
	v25 =	vadd.f32 v40, v39;
	v23 =	vadd.f32 v36, v23  }
0x1ff: {  	v22 =	vmul.f32 v63, v14;
	v20 =	vadd.f32 v21, v20;
	v24 =	vadd.f32 v38, v24  }
0x200: {  	v44 =	vmul.f32 v34, v11;
	v25 =	vadd.f32 v42, v25;
	v23 =	vadd.f32 v41, v23  }
0x201: {  	v45 =	vmul.f32 v34, v15;
	v20 =	vadd.f32 v22, v20;
	v21 =	vadd.f32 v43, v24  }
0x202: {  	v46 =	vadd.f32 v44, v25;
	[tilespmem:s7+$0x3EE0] =	vst v23  }
0x203: {  	v20 =	vadd.f32 v45, v20;
	[tilespmem:s7+$0x3F60] =	vst v21  }
0x204: {  	[tilespmem:s7+$0x3FE0] =	vst v46  }
0x205: {  	[tilespmem:s7+$0x4060] =	vst v20  }
0x206: {  	v20 =	vld [tilespmem:$0x3AF0]  }
0x207: {  	v21 =	vld [tilespmem:$0x3B70]  }
0x208: {  	v47 =	vld [tilespmem:$0x3BF0];
	_ =	sdelay $0x2  }
0x209: {  	v51 =	vld [tilespmem:$0x3C70];
	v48 =	vmul.f32 v20, v0;
	v49 =	vmul.f32 v20, v4  }
0x20a: {  	v50 =	vmul.f32 v21, v1;
	v52 =	vmul.f32 v21, v5  }
0x20b: {  	v53 =	vmul.f32 v47, v2;
	v54 =	vmul.f32 v20, v8  }
0x20c: {  	v55 =	vmul.f32 v47, v6;
	v20 =	vmul.f32 v20, v12;
	v23 =	vadd.f32 v48, v16  }
0x20d: {  	v57 =	vmul.f32 v21, v9;
	v21 =	vmul.f32 v21, v13;
	v24 =	vadd.f32 v49, v17  }
0x20e: {  	v58 =	vmul.f32 v51, v3;
	v56 =	vadd.f32 v54, v18;
	v23 =	vadd.f32 v50, v23  }
0x20f: {  	v59 =	vmul.f32 v47, v10;
	v20 =	vadd.f32 v20, v19;
	v24 =	vadd.f32 v52, v24  }
0x210: {  	v60 =	vmul.f32 v51, v7;
	v25 =	vadd.f32 v57, v56;
	v23 =	vadd.f32 v53, v23  }
0x211: {  	v22 =	vmul.f32 v47, v14;
	v20 =	vadd.f32 v21, v20;
	v24 =	vadd.f32 v55, v24  }
0x212: {  	v61 =	vmul.f32 v51, v11;
	v25 =	vadd.f32 v59, v25;
	v23 =	vadd.f32 v58, v23  }
0x213: {  	v62 =	vmul.f32 v51, v15;
	v20 =	vadd.f32 v22, v20;
	v21 =	vadd.f32 v60, v24  }
0x214: {  	p0 =	sne.s32 s13, $0x33000;
	v63 =	vadd.f32 v61, v25;
	[tilespmem:s7+$0x3EF0] =	vst v23  }
.Ltmp0:
0x215: {  	v20 =	vadd.f32 v62, v20;
	[tilespmem:s7+$0x3F70] =	vst v21;
	(pc) =	sbr.rel @p0 .LBB2_2-.Ltmp0, $4  }
0x216: {  	[tilespmem:s7+$0x3FF0] =	vst v63  }
0x217: {  	s13 =	sadd.s32 $0x1000, s13;
	s12 =	sadd.s32 $0x3E80, s7;
	[tilespmem:s7+$0x4070] =	vst v20  }
0x218: {  	[hbm4b:s9+s5] =	stream.linear.scatter [tilespmem:s12], [sflag:$0x3], $0x200, $0x38;
	[tilespmem:$0x10DC0] =	vst v63  }
0x219: {  	s8 =	sadd.s32 $0x80, s8;
	s3 =	sadd.s32 $0x100, s3;
	s9 =	sadd.s32 $0x80, s9  }
0x21a: {  	_ =	swait.ge [sflag:s31], $0x80  }
0x21b: {  	[sflag:s31] =	ssyncset.done $0x0  }
0x21c: {  	[sflag:s31] =	ssyncadd.s32 $0xFFFFFF80  }
0x21d: {  	_ =	swait.ge [sflag:s31], $0x80  }
0x21e: {  	[sflag:s31] =	ssyncset.done $0x0  }
0x21f: {  	[sflag:s31] =	ssyncadd.s32 $0xFFFFFF80  }
0x220: {  	_ =	swait.ge [sflag:s31], $0x80  }
0x221: {  	[sflag:s31] =	ssyncset.done $0x0  }
0x222: {  	[sflag:s31] =	ssyncadd.s32 $0xFFFFFF80  }
0x223: {  	_ =	swait.ge [sflag:s31], $0x80  }
0x224: {  	[sflag:s31] =	ssyncset.done $0x0  }
0x225: {  	[sflag:s31] =	ssyncadd.s32 $0xFFFFFF80  }
0x226: {  	_ =	swait.ge [sflag:s4], $0xD000  }
0x227: {  	s2 =	sadd.s32 $0x1, s2;
	s3 =	rddreg [dreg:$0x7]  }
0x228: {  	p0 =	sne.s32 s2, s3  }
.Ltmp1:
0x229: {  	_ = 	snop;
	(pc) =	sbr.rel @p0 .LBB2_1-.Ltmp1, $3  }
0x22a: {  	_ =	sdelay $0x1  }
0x22b: {  	[sflag:s4] =	ssyncset.done $0x0  }
0x22c: {  	[sflag:s4] =	ssyncadd.s32 $0xFFFF3000  }
0x22d: {  	_ =	sfence.sel $0x180000  }
0x22e: {  	[bflag:$0x0] =	sbarrier.arrive $0xFFFF  }
0x22f: {  	_ =	strace $0x90000047  }
0x230: {  	s0 =	stileid.u32;
	[bflag:$0x2] =	sbarrier.arrive $0xFFFF  }
0x231: {  	p0 =	sne.s32 s0, $0x0;
	s0 =	rddreg [dreg:$0x5]  }
0x232: {  	s0 =	sadd.s32 @!p0 $0x100000, s0  }
0x233: {  	[sflag:s0] =	ssyncadd.tile.s32 @!p0 $0x1;
	_ =	shalt  }
.Lfunc_end2:
_tile_overlayer_lowered:
.L_overlay_start_2:
0x234: {  	(tag) =	ssettag $0x2  }
0x235: {  	s0 =	rddreg [dreg:$0x0];
	s2 =	stileid.u32  }
0x236: {  	s1 =	rddreg [dreg:$0x1];
	p0 =	sne.s32 s2, $0x0  }
0x237: {  	s3 =	rddreg [dreg:$0x2];
	[bflag:$0x3] =	sbarrier.arrive $0xFFFF;
	s2 =	simm.s32 @!p0 $0x1C04  }
0x238: {  	[timem:s3], [sflag:s2] =	dma.local @!p0 [hbm:s0], s1  }
0x239: {  	s0 =	simm.s32 @!p0 $0x4  }
0x23a: {  	_ =	swait.ge @!p0 [sflag:s0], s1  }
0x23b: {  	s1 =	ssub.s32 @!p0 $0x0, s1;
	[sflag:s0] =	ssyncset.done @!p0 $0x0  }
0x23c: {  	[sflag:s0] =	ssyncadd.s32 @!p0 s1  }
0x23d: {  	[bflag:$0x3] =	sbarrier.arrive $0xFFFF  }
0x23e: {  	_ =	shalt  }

</sc_bundles>
